<compile_context>
chip_gen: v7x
topology: tpu7x:2x2x1
jax: 0.10.2.dev20260603
libtpu: 0.0.44.dev20260713+nightly
codegen_flags: <defaults>
</compile_context>

<pallas_src>
import functools

import jax
import jax.numpy as jnp
from jax import lax
from jax.experimental import pallas as pl
from jax.experimental.pallas import tpu as pltpu
from jax.experimental.pallas import tpu_sc as plsc

BATCH = 16384
EMBED_DIM = 32
NUM_CORES = 2
NUM_SUBCORES = 16
LANES = 16
NUM_WORKERS = NUM_CORES * NUM_SUBCORES
B_PER_W = BATCH // NUM_WORKERS
CHUNK = 256
GROUPS_PER_CHUNK = CHUNK // LANES
NSEM = 1
ROWS_PER_SEM = CHUNK // NSEM


def _dot_kernel(uid_hbm, iid_hbm, ut_hbm, it_hbm, out_hbm,
                uidx_v, iidx_v, urows_v, irows_v, out_v, *sems):
    usems = sems[:NSEM]
    isems = sems[NSEM:]
    wid = lax.axis_index("s") * NUM_CORES + lax.axis_index("c")
    base = pl.multiple_of(wid * B_PER_W, B_PER_W)

    pltpu.sync_copy(uid_hbm.at[pl.ds(base, B_PER_W)], uidx_v)
    pltpu.sync_copy(iid_hbm.at[pl.ds(base, B_PER_W)], iidx_v)

    lane_iota = lax.iota(jnp.int32, LANES)

    def chunk_body(ck, _):
        cbase = pl.multiple_of(ck * CHUNK, CHUNK)

        @plsc.parallel_loop(0, GROUPS_PER_CHUNK, unroll=4)
        def _issue(g):
            gstart = pl.multiple_of(cbase + g * LANES, LANES)
            u16 = uidx_v[pl.ds(gstart, LANES)]
            i16 = iidx_v[pl.ds(gstart, LANES)]
            for l in range(LANES):
                j = g * LANES + l
                pltpu.async_copy(ut_hbm.at[u16[l]], urows_v.at[j],
                                 usems[l % NSEM])
                pltpu.async_copy(it_hbm.at[i16[l]], irows_v.at[j],
                                 isems[l % NSEM])

        for k in range(NSEM):
            pltpu.make_async_copy(ut_hbm.at[pl.ds(0, ROWS_PER_SEM)],
                                  urows_v.at[pl.ds(0, ROWS_PER_SEM)],
                                  usems[k]).wait()
            pltpu.make_async_copy(ut_hbm.at[pl.ds(0, ROWS_PER_SEM)],
                                  irows_v.at[pl.ds(0, ROWS_PER_SEM)],
                                  isems[k]).wait()

        def block_body(blk, _):
            row_idx = blk * LANES + lane_iota
            acc = jnp.zeros((LANES,), jnp.float32)
            for d in range(EMBED_DIM):
                col_idx = jnp.full((LANES,), d, jnp.int32)
                u = plsc.load_gather(urows_v, [row_idx, col_idx])
                v = plsc.load_gather(irows_v, [row_idx, col_idx])
                acc = acc + u * v
            start = pl.multiple_of(cbase + blk * LANES, LANES)
            out_v[pl.ds(start, LANES)] = acc
            return _

        lax.fori_loop(0, GROUPS_PER_CHUNK, block_body, None)
        return _

    lax.fori_loop(0, B_PER_W // CHUNK, chunk_body, None)

    pltpu.sync_copy(out_v, out_hbm.at[pl.ds(base, B_PER_W)])


@jax.jit
def _run(user_ids, item_ids, user_table, item_table):
    mesh = plsc.VectorSubcoreMesh(core_axis_name="c", subcore_axis_name="s")
    return pl.kernel(
        _dot_kernel,
        mesh=mesh,
        out_type=jax.ShapeDtypeStruct((BATCH,), jnp.float32),
        scratch_types=[
            pltpu.VMEM((B_PER_W,), jnp.int32),
            pltpu.VMEM((B_PER_W,), jnp.int32),
            pltpu.VMEM((CHUNK, EMBED_DIM), jnp.float32),
            pltpu.VMEM((CHUNK, EMBED_DIM), jnp.float32),
            pltpu.VMEM((B_PER_W,), jnp.float32),
        ] + [pltpu.SemaphoreType.DMA] * (2 * NSEM),
        compiler_params=pltpu.CompilerParams(needs_layout_passes=False),
    )(user_ids, item_ids, user_table, item_table)


def kernel(user_ids, item_ids, user_table, item_table):
    return _run(user_ids.astype(jnp.int32), item_ids.astype(jnp.int32),
                user_table, item_table)

# --- scband reference (transcript-rebuilt; emitter-appended) ---
"""Pipeline reference for scband-matrix-factorization-64965675319913 (READ-ONLY COPY).

The authoritative reference and input builder live on the scoring server;
editing this copy changes nothing except your own understanding.
"""

import jax, jax.numpy as jnp
import numpy as np

NUM_USERS = 1000000
NUM_ITEMS = 1000000
EMBED_DIM = 32
BATCH = 16384


def setup_inputs(seed: int = 0) -> dict:
    key = jax.random.key(seed)
    k1, k2, k3, k4 = jax.random.split(key, 4)
    user_ids = jax.random.randint(k1, (BATCH,), 0, NUM_USERS, dtype=jnp.int64 if jax.config.jax_enable_x64 else jnp.int32)
    item_ids = jax.random.randint(k2, (BATCH,), 0, NUM_ITEMS, dtype=jnp.int64 if jax.config.jax_enable_x64 else jnp.int32)
    user_table = jax.random.normal(k3, (NUM_USERS, EMBED_DIM), dtype=jnp.float32) * 0.1
    item_table = jax.random.normal(k4, (NUM_ITEMS, EMBED_DIM), dtype=jnp.float32) * 0.1
    return {"user_ids": user_ids, "item_ids": item_ids, "user_table": user_table, "item_table": item_table}


def reference(user_ids, item_ids, user_table, item_table):
    # Embedding lookups (gather rows)
    user_emb = jnp.take(user_table, user_ids, axis=0)  # [B, D]
    item_emb = jnp.take(item_table, item_ids, axis=0)  # [B, D]
    # Dot product per row
    return (user_emb * item_emb).sum(axis=1)  # [B]

if __name__ == "__main__":
    import jax
    _d = setup_inputs()
    print(jax.jit(kernel)(*tuple(_d.values())))

</pallas_src>

<mosaic_0001>
#map = affine_map<(d0, d1) -> (0)>
#map1 = affine_map<(d0, d1) -> (0, 0)>
module attributes {stable_mosaic.version = 14 : i64} {
  func.func @_dot_kernel(%arg0: i32, %arg1: i32, %arg2: memref<16384xi32, #tpu.memory_space<hbm>>, %arg3: memref<16384xi32, #tpu.memory_space<hbm>>, %arg4: memref<1000000x32xf32, #tpu.memory_space<hbm>>, %arg5: memref<1000000x32xf32, #tpu.memory_space<hbm>>, %arg6: memref<16384xf32, #tpu.memory_space<hbm>>, %arg7: memref<512xi32, #tpu.memory_space<vmem>>, %arg8: memref<512xi32, #tpu.memory_space<vmem>>, %arg9: memref<256x32xf32, #tpu.memory_space<vmem>>, %arg10: memref<256x32xf32, #tpu.memory_space<vmem>>, %arg11: memref<512xf32, #tpu.memory_space<vmem>>, %arg12: memref<!tpu.dma_semaphore, #tpu.memory_space<semaphore_mem>>, %arg13: memref<!tpu.dma_semaphore, #tpu.memory_space<semaphore_mem>>) attributes {dimension_semantics = [#tpu.dimension_semantics<core_parallel>, #tpu.dimension_semantics<subcore_parallel>], iteration_bounds = array<i64: 2, 16>, scalar_prefetch = 0 : i64, scratch_operands = 7 : i64, tpu.core_type = #tpu.core_type<sc_vector_subcore>, window_params = [{transform_indices = #map}, {transform_indices = #map}, {transform_indices = #map1}, {transform_indices = #map1}, {transform_indices = #map}]} {
    %mul3A = arith.constant 2 : i32
    %mul3A_0 = arith.muli %arg1, %mul3A : i32
    %add3A = arith.addi %mul3A_0, %arg0 : i32
    %mul3A_1 = arith.constant 512 : i32
    %mul3A_2 = arith.muli %add3A, %mul3A_1 : i32
    %multiple_of3A = tpu.assume_multiple %mul3A_2, 512 : i32
    "tpu.region"() ({
      %run_scoped3A = tpu.sem_alloc : memref<!tpu.dma_semaphore, #tpu.memory_space<semaphore_mem>>
      %dma_start3A = tpu.memref_slice %arg2[%multiple_of3A] : memref<16384xi32, #tpu.memory_space<hbm>> -> memref<512xi32, #tpu.memory_space<hbm>>
      %dma_start3A_7 = tpu.memref_slice %arg2[%multiple_of3A] : memref<16384xi32, #tpu.memory_space<hbm>> -> memref<512xi32, #tpu.memory_space<hbm>>
      tpu.enqueue_dma source(%dma_start3A_7 : memref<512xi32, #tpu.memory_space<hbm>>) target(%arg7 : memref<512xi32, #tpu.memory_space<vmem>>) target_semaphore(%run_scoped3A : memref<!tpu.dma_semaphore, #tpu.memory_space<semaphore_mem>>)
      %dma_wait3A = tpu.memref_slice %arg2[%multiple_of3A] : memref<16384xi32, #tpu.memory_space<hbm>> -> memref<512xi32, #tpu.memory_space<hbm>>
      %dma_wait3A_8 = tpu.memref_slice %arg2[%multiple_of3A] : memref<16384xi32, #tpu.memory_space<hbm>> -> memref<512xi32, #tpu.memory_space<hbm>>
      tpu.wait_dma2 semaphore(%run_scoped3A : memref<!tpu.dma_semaphore, #tpu.memory_space<semaphore_mem>>) src(%dma_wait3A_8 : memref<512xi32, #tpu.memory_space<hbm>>) dst(%arg7 : memref<512xi32, #tpu.memory_space<vmem>>)
      tpu.yield
    }) : () -> ()
    "tpu.region"() ({
      %run_scoped3A = tpu.sem_alloc : memref<!tpu.dma_semaphore, #tpu.memory_space<semaphore_mem>>
      %dma_start3A = tpu.memref_slice %arg3[%multiple_of3A] : memref<16384xi32, #tpu.memory_space<hbm>> -> memref<512xi32, #tpu.memory_space<hbm>>
      %dma_start3A_7 = tpu.memref_slice %arg3[%multiple_of3A] : memref<16384xi32, #tpu.memory_space<hbm>> -> memref<512xi32, #tpu.memory_space<hbm>>
      tpu.enqueue_dma source(%dma_start3A_7 : memref<512xi32, #tpu.memory_space<hbm>>) target(%arg8 : memref<512xi32, #tpu.memory_space<vmem>>) target_semaphore(%run_scoped3A : memref<!tpu.dma_semaphore, #tpu.memory_space<semaphore_mem>>)
      %dma_wait3A = tpu.memref_slice %arg3[%multiple_of3A] : memref<16384xi32, #tpu.memory_space<hbm>> -> memref<512xi32, #tpu.memory_space<hbm>>
      %dma_wait3A_8 = tpu.memref_slice %arg3[%multiple_of3A] : memref<16384xi32, #tpu.memory_space<hbm>> -> memref<512xi32, #tpu.memory_space<hbm>>
      tpu.wait_dma2 semaphore(%run_scoped3A : memref<!tpu.dma_semaphore, #tpu.memory_space<semaphore_mem>>) src(%dma_wait3A_8 : memref<512xi32, #tpu.memory_space<hbm>>) dst(%arg8 : memref<512xi32, #tpu.memory_space<vmem>>)
      tpu.yield
    }) : () -> ()
    %iota3A = tpu.iota {dimensions = array<i32: 0>} : vector<16xi32>
    %scan3A = arith.constant 0 : i32
    %scan3A_3 = arith.constant 2 : i32
    %scan3A_4 = arith.addi %scan3A, %scan3A_3 : i32
    %scan3A_5 = arith.constant 1 : i32
    scf.for %scan3A_7 = %scan3A to %scan3A_4 step %scan3A_5  : i32 {
      %mul3A_8 = arith.constant 256 : i32
      %mul3A_9 = arith.muli %scan3A_7, %mul3A_8 : i32
      %multiple_of3A_10 = tpu.assume_multiple %mul3A_9, 256 : i32
      %parallel_loop3A = arith.constant 0 : i32
      %parallel_loop3A_11 = arith.constant 16 : i32
      %parallel_loop3A_12 = arith.constant 1 : i32
      scf.for %parallel_loop3A_41 = %parallel_loop3A to %parallel_loop3A_11 step %parallel_loop3A_12  : i32 {
        %parallel_loop3A_42 = arith.constant 16 : i32
        %parallel_loop3A_43 = arith.muli %parallel_loop3A_41, %parallel_loop3A_42 : i32
        %parallel_loop3A_44 = arith.addi %multiple_of3A_10, %parallel_loop3A_43 : i32
        %parallel_loop3A_45 = tpu.assume_multiple %parallel_loop3A_44, 16 : i32
        %parallel_loop3A_46 = arith.index_cast %parallel_loop3A_45 : i32 to index
        %parallel_loop3A_47 = tpu.vector_load %arg7[%parallel_loop3A_46] {strides = array<i32>} : memref<512xi32, #tpu.memory_space<vmem>>, vector<16xi32>,
        %parallel_loop3A_48 = arith.index_cast %parallel_loop3A_45 : i32 to index
        %parallel_loop3A_49 = tpu.vector_load %arg8[%parallel_loop3A_48] {strides = array<i32>} : memref<512xi32, #tpu.memory_space<vmem>>, vector<16xi32>,
        %parallel_loop3A_50 = arith.constant 16 : i32
        %parallel_loop3A_51 = arith.muli %parallel_loop3A_41, %parallel_loop3A_50 : i32
        %parallel_loop3A_52 = arith.constant 0 : i32
        %parallel_loop3A_53 = arith.addi %parallel_loop3A_51, %parallel_loop3A_52 : i32
        %parallel_loop3A_54 = vector.extract_strided_slice %parallel_loop3A_47 {offsets = [0], sizes = [1], strides = [1]} : vector<16xi32> to vector<1xi32>
        %parallel_loop3A_55 = vector.extract %parallel_loop3A_54[0] : i32 from vector<1xi32>
        %parallel_loop3A_56 = arith.constant 0 : i32
        %parallel_loop3A_57 = tpu.memref_slice %arg9[%parallel_loop3A_53, %parallel_loop3A_56] : memref<256x32xf32, #tpu.memory_space<vmem>> -> memref<1x32xf32, #tpu.memory_space<vmem>>
        %parallel_loop3A_58 = tpu.memref_squeeze %parallel_loop3A_57 : memref<1x32xf32, #tpu.memory_space<vmem>> -> memref<32xf32, #tpu.memory_space<vmem>>
        %parallel_loop3A_59 = arith.constant 0 : i32
        %parallel_loop3A_60 = tpu.memref_slice %arg4[%parallel_loop3A_55, %parallel_loop3A_59] : memref<1000000x32xf32, #tpu.memory_space<hbm>> -> memref<1x32xf32, #tpu.memory_space<hbm>>
        %parallel_loop3A_61 = tpu.memref_squeeze %parallel_loop3A_60 : memref<1x32xf32, #tpu.memory_space<hbm>> -> memref<32xf32, #tpu.memory_space<hbm>>
        %parallel_loop3A_62 = arith.constant 0 : i32
        %parallel_loop3A_63 = tpu.memref_slice %arg9[%parallel_loop3A_53, %parallel_loop3A_62] : memref<256x32xf32, #tpu.memory_space<vmem>> -> memref<1x32xf32, #tpu.memory_space<vmem>>
        %parallel_loop3A_64 = tpu.memref_squeeze %parallel_loop3A_63 : memref<1x32xf32, #tpu.memory_space<vmem>> -> memref<32xf32, #tpu.memory_space<vmem>>
        %parallel_loop3A_65 = arith.constant 0 : i32
        %parallel_loop3A_66 = tpu.memref_slice %arg4[%parallel_loop3A_55, %parallel_loop3A_65] : memref<1000000x32xf32, #tpu.memory_space<hbm>> -> memref<1x32xf32, #tpu.memory_space<hbm>>
        %parallel_loop3A_67 = tpu.memref_squeeze %parallel_loop3A_66 : memref<1x32xf32, #tpu.memory_space<hbm>> -> memref<32xf32, #tpu.memory_space<hbm>>
        tpu.enqueue_dma source(%parallel_loop3A_67 : memref<32xf32, #tpu.memory_space<hbm>>) target(%parallel_loop3A_64 : memref<32xf32, #tpu.memory_space<vmem>>) target_semaphore(%arg12 : memref<!tpu.dma_semaphore, #tpu.memory_space<semaphore_mem>>)
        %parallel_loop3A_68 = vector.extract_strided_slice %parallel_loop3A_49 {offsets = [0], sizes = [1], strides = [1]} : vector<16xi32> to vector<1xi32>
        %parallel_loop3A_69 = vector.extract %parallel_loop3A_68[0] : i32 from vector<1xi32>
        %parallel_loop3A_70 = arith.constant 0 : i32
        %parallel_loop3A_71 = tpu.memref_slice %arg10[%parallel_loop3A_53, %parallel_loop3A_70] : memref<256x32xf32, #tpu.memory_space<vmem>> -> memref<1x32xf32, #tpu.memory_space<vmem>>
        %parallel_loop3A_72 = tpu.memref_squeeze %parallel_loop3A_71 : memref<1x32xf32, #tpu.memory_space<vmem>> -> memref<32xf32, #tpu.memory_space<vmem>>
        %parallel_loop3A_73 = arith.constant 0 : i32
        %parallel_loop3A_74 = tpu.memref_slice %arg5[%parallel_loop3A_69, %parallel_loop3A_73] : memref<1000000x32xf32, #tpu.memory_space<hbm>> -> memref<1x32xf32, #tpu.memory_space<hbm>>
        %parallel_loop3A_75 = tpu.memref_squeeze %parallel_loop3A_74 : memref<1x32xf32, #tpu.memory_space<hbm>> -> memref<32xf32, #tpu.memory_space<hbm>>
        %parallel_loop3A_76 = arith.constant 0 : i32
        %parallel_loop3A_77 = tpu.memref_slice %arg10[%parallel_loop3A_53, %parallel_loop3A_76] : memref<256x32xf32, #tpu.memory_space<vmem>> -> memref<1x32xf32, #tpu.memory_space<vmem>>
        %parallel_loop3A_78 = tpu.memref_squeeze %parallel_loop3A_77 : memref<1x32xf32, #tpu.memory_space<vmem>> -> memref<32xf32, #tpu.memory_space<vmem>>
        %parallel_loop3A_79 = arith.constant 0 : i32
        %parallel_loop3A_80 = tpu.memref_slice %arg5[%parallel_loop3A_69, %parallel_loop3A_79] : memref<1000000x32xf32, #tpu.memory_space<hbm>> -> memref<1x32xf32, #tpu.memory_space<hbm>>
        %parallel_loop3A_81 = tpu.memref_squeeze %parallel_loop3A_80 : memref<1x32xf32, #tpu.memory_space<hbm>> -> memref<32xf32, #tpu.memory_space<hbm>>
        tpu.enqueue_dma source(%parallel_loop3A_81 : memref<32xf32, #tpu.memory_space<hbm>>) target(%parallel_loop3A_78 : memref<32xf32, #tpu.memory_space<vmem>>) target_semaphore(%arg13 : memref<!tpu.dma_semaphore, #tpu.memory_space<semaphore_mem>>)
        %parallel_loop3A_82 = arith.constant 16 : i32
        %parallel_loop3A_83 = arith.muli %parallel_loop3A_41, %parallel_loop3A_82 : i32
        %parallel_loop3A_84 = arith.constant 1 : i32
        %parallel_loop3A_85 = arith.addi %parallel_loop3A_83, %parallel_loop3A_84 : i32
        %parallel_loop3A_86 = vector.extract_strided_slice %parallel_loop3A_47 {offsets = [1], sizes = [1], strides = [1]} : vector<16xi32> to vector<1xi32>
        %parallel_loop3A_87 = vector.extract %parallel_loop3A_86[0] : i32 from vector<1xi32>
        %parallel_loop3A_88 = arith.constant 0 : i32
        %parallel_loop3A_89 = tpu.memref_slice %arg9[%parallel_loop3A_85, %parallel_loop3A_88] : memref<256x32xf32, #tpu.memory_space<vmem>> -> memref<1x32xf32, #tpu.memory_space<vmem>>
        %parallel_loop3A_90 = tpu.memref_squeeze %parallel_loop3A_89 : memref<1x32xf32, #tpu.memory_space<vmem>> -> memref<32xf32, #tpu.memory_space<vmem>>
        %parallel_loop3A_91 = arith.constant 0 : i32
        %parallel_loop3A_92 = tpu.memref_slice %arg4[%parallel_loop3A_87, %parallel_loop3A_91] : memref<1000000x32xf32, #tpu.memory_space<hbm>> -> memref<1x32xf32, #tpu.memory_space<hbm>>
        %parallel_loop3A_93 = tpu.memref_squeeze %parallel_loop3A_92 : memref<1x32xf32, #tpu.memory_space<hbm>> -> memref<32xf32, #tpu.memory_space<hbm>>
        %parallel_loop3A_94 = arith.constant 0 : i32
        %parallel_loop3A_95 = tpu.memref_slice %arg9[%parallel_loop3A_85, %parallel_loop3A_94] : memref<256x32xf32, #tpu.memory_space<vmem>> -> memref<1x32xf32, #tpu.memory_space<vmem>>
        %parallel_loop3A_96 = tpu.memref_squeeze %parallel_loop3A_95 : memref<1x32xf32, #tpu.memory_space<vmem>> -> memref<32xf32, #tpu.memory_space<vmem>>
        %parallel_loop3A_97 = arith.constant 0 : i32
        %parallel_loop3A_98 = tpu.memref_slice %arg4[%parallel_loop3A_87, %parallel_loop3A_97] : memref<1000000x32xf32, #tpu.memory_space<hbm>> -> memref<1x32xf32, #tpu.memory_space<hbm>>
        %parallel_loop3A_99 = tpu.memref_squeeze %parallel_loop3A_98 : memref<1x32xf32, #tpu.memory_space<hbm>> -> memref<32xf32, #tpu.memory_space<hbm>>
        tpu.enqueue_dma source(%parallel_loop3A_99 : memref<32xf32, #tpu.memory_space<hbm>>) target(%parallel_loop3A_96 : memref<32xf32, #tpu.memory_space<vmem>>) target_semaphore(%arg12 : memref<!tpu.dma_semaphore, #tpu.memory_space<semaphore_mem>>)
        %parallel_loop3A_100 = vector.extract_strided_slice %parallel_loop3A_49 {offsets = [1], sizes = [1], strides = [1]} : vector<16xi32> to vector<1xi32>
        %parallel_loop3A_101 = vector.extract %parallel_loop3A_100[0] : i32 from vector<1xi32>
        %parallel_loop3A_102 = arith.constant 0 : i32
        %parallel_loop3A_103 = tpu.memref_slice %arg10[%parallel_loop3A_85, %parallel_loop3A_102] : memref<256x32xf32, #tpu.memory_space<vmem>> -> memref<1x32xf32, #tpu.memory_space<vmem>>
        %parallel_loop3A_104 = tpu.memref_squeeze %parallel_loop3A_103 : memref<1x32xf32, #tpu.memory_space<vmem>> -> memref<32xf32, #tpu.memory_space<vmem>>
        %parallel_loop3A_105 = arith.constant 0 : i32
        %parallel_loop3A_106 = tpu.memref_slice %arg5[%parallel_loop3A_101, %parallel_loop3A_105] : memref<1000000x32xf32, #tpu.memory_space<hbm>> -> memref<1x32xf32, #tpu.memory_space<hbm>>
        %parallel_loop3A_107 = tpu.memref_squeeze %parallel_loop3A_106 : memref<1x32xf32, #tpu.memory_space<hbm>> -> memref<32xf32, #tpu.memory_space<hbm>>
        %parallel_loop3A_108 = arith.constant 0 : i32
        %parallel_loop3A_109 = tpu.memref_slice %arg10[%parallel_loop3A_85, %parallel_loop3A_108] : memref<256x32xf32, #tpu.memory_space<vmem>> -> memref<1x32xf32, #tpu.memory_space<vmem>>
        %parallel_loop3A_110 = tpu.memref_squeeze %parallel_loop3A_109 : memref<1x32xf32, #tpu.memory_space<vmem>> -> memref<32xf32, #tpu.memory_space<vmem>>
        %parallel_loop3A_111 = arith.constant 0 : i32
        %parallel_loop3A_112 = tpu.memref_slice %arg5[%parallel_loop3A_101, %parallel_loop3A_111] : memref<1000000x32xf32, #tpu.memory_space<hbm>> -> memref<1x32xf32, #tpu.memory_space<hbm>>
        %parallel_loop3A_113 = tpu.memref_squeeze %parallel_loop3A_112 : memref<1x32xf32, #tpu.memory_space<hbm>> -> memref<32xf32, #tpu.memory_space<hbm>>
        tpu.enqueue_dma source(%parallel_loop3A_113 : memref<32xf32, #tpu.memory_space<hbm>>) target(%parallel_loop3A_110 : memref<32xf32, #tpu.memory_space<vmem>>) target_semaphore(%arg13 : memref<!tpu.dma_semaphore, #tpu.memory_space<semaphore_mem>>)
        %parallel_loop3A_114 = arith.constant 16 : i32
        %parallel_loop3A_115 = arith.muli %parallel_loop3A_41, %parallel_loop3A_114 : i32
        %parallel_loop3A_116 = arith.constant 2 : i32
        %parallel_loop3A_117 = arith.addi %parallel_loop3A_115, %parallel_loop3A_116 : i32
        %parallel_loop3A_118 = vector.extract_strided_slice %parallel_loop3A_47 {offsets = [2], sizes = [1], strides = [1]} : vector<16xi32> to vector<1xi32>
        %parallel_loop3A_119 = vector.extract %parallel_loop3A_118[0] : i32 from vector<1xi32>
        %parallel_loop3A_120 = arith.constant 0 : i32
        %parallel_loop3A_121 = tpu.memref_slice %arg9[%parallel_loop3A_117, %parallel_loop3A_120] : memref<256x32xf32, #tpu.memory_space<vmem>> -> memref<1x32xf32, #tpu.memory_space<vmem>>
        %parallel_loop3A_122 = tpu.memref_squeeze %parallel_loop3A_121 : memref<1x32xf32, #tpu.memory_space<vmem>> -> memref<32xf32, #tpu.memory_space<vmem>>
        %parallel_loop3A_123 = arith.constant 0 : i32
        %parallel_loop3A_124 = tpu.memref_slice %arg4[%parallel_loop3A_119, %parallel_loop3A_123] : memref<1000000x32xf32, #tpu.memory_space<hbm>> -> memref<1x32xf32, #tpu.memory_space<hbm>>
        %parallel_loop3A_125 = tpu.memref_squeeze %parallel_loop3A_124 : memref<1x32xf32, #tpu.memory_space<hbm>> -> memref<32xf32, #tpu.memory_space<hbm>>
        %parallel_loop3A_126 = arith.constant 0 : i32
        %parallel_loop3A_127 = tpu.memref_slice %arg9[%parallel_loop3A_117, %parallel_loop3A_126] : memref<256x32xf32, #tpu.memory_space<vmem>> -> memref<1x32xf32, #tpu.memory_space<vmem>>
        %parallel_loop3A_128 = tpu.memref_squeeze %parallel_loop3A_127 : memref<1x32xf32, #tpu.memory_space<vmem>> -> memref<32xf32, #tpu.memory_space<vmem>>
        %parallel_loop3A_129 = arith.constant 0 : i32
        %parallel_loop3A_130 = tpu.memref_slice %arg4[%parallel_loop3A_119, %parallel_loop3A_129] : memref<1000000x32xf32, #tpu.memory_space<hbm>> -> memref<1x32xf32, #tpu.memory_space<hbm>>
        %parallel_loop3A_131 = tpu.memref_squeeze %parallel_loop3A_130 : memref<1x32xf32, #tpu.memory_space<hbm>> -> memref<32xf32, #tpu.memory_space<hbm>>
        tpu.enqueue_dma source(%parallel_loop3A_131 : memref<32xf32, #tpu.memory_space<hbm>>) target(%parallel_loop3A_128 : memref<32xf32, #tpu.memory_space<vmem>>) target_semaphore(%arg12 : memref<!tpu.dma_semaphore, #tpu.memory_space<semaphore_mem>>)
        %parallel_loop3A_132 = vector.extract_strided_slice %parallel_loop3A_49 {offsets = [2], sizes = [1], strides = [1]} : vector<16xi32> to vector<1xi32>
        %parallel_loop3A_133 = vector.extract %parallel_loop3A_132[0] : i32 from vector<1xi32>
        %parallel_loop3A_134 = arith.constant 0 : i32
        %parallel_loop3A_135 = tpu.memref_slice %arg10[%parallel_loop3A_117, %parallel_loop3A_134] : memref<256x32xf32, #tpu.memory_space<vmem>> -> memref<1x32xf32, #tpu.memory_space<vmem>>
        %parallel_loop3A_136 = tpu.memref_squeeze %parallel_loop3A_135 : memref<1x32xf32, #tpu.memory_space<vmem>> -> memref<32xf32, #tpu.memory_space<vmem>>
        %parallel_loop3A_137 = arith.constant 0 : i32
        %parallel_loop3A_138 = tpu.memref_slice %arg5[%parallel_loop3A_133, %parallel_loop3A_137] : memref<1000000x32xf32, #tpu.memory_space<hbm>> -> memref<1x32xf32, #tpu.memory_space<hbm>>
        %parallel_loop3A_139 = tpu.memref_squeeze %parallel_loop3A_138 : memref<1x32xf32, #tpu.memory_space<hbm>> -> memref<32xf32, #tpu.memory_space<hbm>>
        %parallel_loop3A_140 = arith.constant 0 : i32
        %parallel_loop3A_141 = tpu.memref_slice %arg10[%parallel_loop3A_117, %parallel_loop3A_140] : memref<256x32xf32, #tpu.memory_space<vmem>> -> memref<1x32xf32, #tpu.memory_space<vmem>>
        %parallel_loop3A_142 = tpu.memref_squeeze %parallel_loop3A_141 : memref<1x32xf32, #tpu.memory_space<vmem>> -> memref<32xf32, #tpu.memory_space<vmem>>
        %parallel_loop3A_143 = arith.constant 0 : i32
        %parallel_loop3A_144 = tpu.memref_slice %arg5[%parallel_loop3A_133, %parallel_loop3A_143] : memref<1000000x32xf32, #tpu.memory_space<hbm>> -> memref<1x32xf32, #tpu.memory_space<hbm>>
        %parallel_loop3A_145 = tpu.memref_squeeze %parallel_loop3A_144 : memref<1x32xf32, #tpu.memory_space<hbm>> -> memref<32xf32, #tpu.memory_space<hbm>>
        tpu.enqueue_dma source(%parallel_loop3A_145 : memref<32xf32, #tpu.memory_space<hbm>>) target(%parallel_loop3A_142 : memref<32xf32, #tpu.memory_space<vmem>>) target_semaphore(%arg13 : memref<!tpu.dma_semaphore, #tpu.memory_space<semaphore_mem>>)
        %parallel_loop3A_146 = arith.constant 16 : i32
        %parallel_loop3A_147 = arith.muli %parallel_loop3A_41, %parallel_loop3A_146 : i32
        %parallel_loop3A_148 = arith.constant 3 : i32
        %parallel_loop3A_149 = arith.addi %parallel_loop3A_147, %parallel_loop3A_148 : i32
        %parallel_loop3A_150 = vector.extract_strided_slice %parallel_loop3A_47 {offsets = [3], sizes = [1], strides = [1]} : vector<16xi32> to vector<1xi32>
        %parallel_loop3A_151 = vector.extract %parallel_loop3A_150[0] : i32 from vector<1xi32>
        %parallel_loop3A_152 = arith.constant 0 : i32
        %parallel_loop3A_153 = tpu.memref_slice %arg9[%parallel_loop3A_149, %parallel_loop3A_152] : memref<256x32xf32, #tpu.memory_space<vmem>> -> memref<1x32xf32, #tpu.memory_space<vmem>>
        %parallel_loop3A_154 = tpu.memref_squeeze %parallel_loop3A_153 : memref<1x32xf32, #tpu.memory_space<vmem>> -> memref<32xf32, #tpu.memory_space<vmem>>
        %parallel_loop3A_155 = arith.constant 0 : i32
        %parallel_loop3A_156 = tpu.memref_slice %arg4[%parallel_loop3A_151, %parallel_loop3A_155] : memref<1000000x32xf32, #tpu.memory_space<hbm>> -> memref<1x32xf32, #tpu.memory_space<hbm>>
        %parallel_loop3A_157 = tpu.memref_squeeze %parallel_loop3A_156 : memref<1x32xf32, #tpu.memory_space<hbm>> -> memref<32xf32, #tpu.memory_space<hbm>>
        %parallel_loop3A_158 = arith.constant 0 : i32
        %parallel_loop3A_159 = tpu.memref_slice %arg9[%parallel_loop3A_149, %parallel_loop3A_158] : memref<256x32xf32, #tpu.memory_space<vmem>> -> memref<1x32xf32, #tpu.memory_space<vmem>>
        %parallel_loop3A_160 = tpu.memref_squeeze %parallel_loop3A_159 : memref<1x32xf32, #tpu.memory_space<vmem>> -> memref<32xf32, #tpu.memory_space<vmem>>
        %parallel_loop3A_161 = arith.constant 0 : i32
        %parallel_loop3A_162 = tpu.memref_slice %arg4[%parallel_loop3A_151, %parallel_loop3A_161] : memref<1000000x32xf32, #tpu.memory_space<hbm>> -> memref<1x32xf32, #tpu.memory_space<hbm>>
        %parallel_loop3A_163 = tpu.memref_squeeze %parallel_loop3A_162 : memref<1x32xf32, #tpu.memory_space<hbm>> -> memref<32xf32, #tpu.memory_space<hbm>>
        tpu.enqueue_dma source(%parallel_loop3A_163 : memref<32xf32, #tpu.memory_space<hbm>>) target(%parallel_loop3A_160 : memref<32xf32, #tpu.memory_space<vmem>>) target_semaphore(%arg12 : memref<!tpu.dma_semaphore, #tpu.memory_space<semaphore_mem>>)
        %parallel_loop3A_164 = vector.extract_strided_slice %parallel_loop3A_49 {offsets = [3], sizes = [1], strides = [1]} : vector<16xi32> to vector<1xi32>
        %parallel_loop3A_165 = vector.extract %parallel_loop3A_164[0] : i32 from vector<1xi32>
        %parallel_loop3A_166 = arith.constant 0 : i32
        %parallel_loop3A_167 = tpu.memref_slice %arg10[%parallel_loop3A_149, %parallel_loop3A_166] : memref<256x32xf32, #tpu.memory_space<vmem>> -> memref<1x32xf32, #tpu.memory_space<vmem>>
        %parallel_loop3A_168 = tpu.memref_squeeze %parallel_loop3A_167 : memref<1x32xf32, #tpu.memory_space<vmem>> -> memref<32xf32, #tpu.memory_space<vmem>>
        %parallel_loop3A_169 = arith.constant 0 : i32
        %parallel_loop3A_170 = tpu.memref_slice %arg5[%parallel_loop3A_165, %parallel_loop3A_169] : memref<1000000x32xf32, #tpu.memory_space<hbm>> -> memref<1x32xf32, #tpu.memory_space<hbm>>
        %parallel_loop3A_171 = tpu.memref_squeeze %parallel_loop3A_170 : memref<1x32xf32, #tpu.memory_space<hbm>> -> memref<32xf32, #tpu.memory_space<hbm>>
        %parallel_loop3A_172 = arith.constant 0 : i32
        %parallel_loop3A_173 = tpu.memref_slice %arg10[%parallel_loop3A_149, %parallel_loop3A_172] : memref<256x32xf32, #tpu.memory_space<vmem>> -> memref<1x32xf32, #tpu.memory_space<vmem>>
        %parallel_loop3A_174 = tpu.memref_squeeze %parallel_loop3A_173 : memref<1x32xf32, #tpu.memory_space<vmem>> -> memref<32xf32, #tpu.memory_space<vmem>>
        %parallel_loop3A_175 = arith.constant 0 : i32
        %parallel_loop3A_176 = tpu.memref_slice %arg5[%parallel_loop3A_165, %parallel_loop3A_175] : memref<1000000x32xf32, #tpu.memory_space<hbm>> -> memref<1x32xf32, #tpu.memory_space<hbm>>
        %parallel_loop3A_177 = tpu.memref_squeeze %parallel_loop3A_176 : memref<1x32xf32, #tpu.memory_space<hbm>> -> memref<32xf32, #tpu.memory_space<hbm>>
        tpu.enqueue_dma source(%parallel_loop3A_177 : memref<32xf32, #tpu.memory_space<hbm>>) target(%parallel_loop3A_174 : memref<32xf32, #tpu.memory_space<vmem>>) target_semaphore(%arg13 : memref<!tpu.dma_semaphore, #tpu.memory_space<semaphore_mem>>)
        %parallel_loop3A_178 = arith.constant 16 : i32
        %parallel_loop3A_179 = arith.muli %parallel_loop3A_41, %parallel_loop3A_178 : i32
        %parallel_loop3A_180 = arith.constant 4 : i32
        %parallel_loop3A_181 = arith.addi %parallel_loop3A_179, %parallel_loop3A_180 : i32
        %parallel_loop3A_182 = vector.extract_strided_slice %parallel_loop3A_47 {offsets = [4], sizes = [1], strides = [1]} : vector<16xi32> to vector<1xi32>
        %parallel_loop3A_183 = vector.extract %parallel_loop3A_182[0] : i32 from vector<1xi32>
        %parallel_loop3A_184 = arith.constant 0 : i32
        %parallel_loop3A_185 = tpu.memref_slice %arg9[%parallel_loop3A_181, %parallel_loop3A_184] : memref<256x32xf32, #tpu.memory_space<vmem>> -> memref<1x32xf32, #tpu.memory_space<vmem>>
        %parallel_loop3A_186 = tpu.memref_squeeze %parallel_loop3A_185 : memref<1x32xf32, #tpu.memory_space<vmem>> -> memref<32xf32, #tpu.memory_space<vmem>>
        %parallel_loop3A_187 = arith.constant 0 : i32
        %parallel_loop3A_188 = tpu.memref_slice %arg4[%parallel_loop3A_183, %parallel_loop3A_187] : memref<1000000x32xf32, #tpu.memory_space<hbm>> -> memref<1x32xf32, #tpu.memory_space<hbm>>
        %parallel_loop3A_189 = tpu.memref_squeeze %parallel_loop3A_188 : memref<1x32xf32, #tpu.memory_space<hbm>> -> memref<32xf32, #tpu.memory_space<hbm>>
        %parallel_loop3A_190 = arith.constant 0 : i32
        %parallel_loop3A_191 = tpu.memref_slice %arg9[%parallel_loop3A_181, %parallel_loop3A_190] : memref<256x32xf32, #tpu.memory_space<vmem>> -> memref<1x32xf32, #tpu.memory_space<vmem>>
        %parallel_loop3A_192 = tpu.memref_squeeze %parallel_loop3A_191 : memref<1x32xf32, #tpu.memory_space<vmem>> -> memref<32xf32, #tpu.memory_space<vmem>>
        %parallel_loop3A_193 = arith.constant 0 : i32
        %parallel_loop3A_194 = tpu.memref_slice %arg4[%parallel_loop3A_183, %parallel_loop3A_193] : memref<1000000x32xf32, #tpu.memory_space<hbm>> -> memref<1x32xf32, #tpu.memory_space<hbm>>
        %parallel_loop3A_195 = tpu.memref_squeeze %parallel_loop3A_194 : memref<1x32xf32, #tpu.memory_space<hbm>> -> memref<32xf32, #tpu.memory_space<hbm>>
        tpu.enqueue_dma source(%parallel_loop3A_195 : memref<32xf32, #tpu.memory_space<hbm>>) target(%parallel_loop3A_192 : memref<32xf32, #tpu.memory_space<vmem>>) target_semaphore(%arg12 : memref<!tpu.dma_semaphore, #tpu.memory_space<semaphore_mem>>)
        %parallel_loop3A_196 = vector.extract_strided_slice %parallel_loop3A_49 {offsets = [4], sizes = [1], strides = [1]} : vector<16xi32> to vector<1xi32>
        %parallel_loop3A_197 = vector.extract %parallel_loop3A_196[0] : i32 from vector<1xi32>
        %parallel_loop3A_198 = arith.constant 0 : i32
        %parallel_loop3A_199 = tpu.memref_slice %arg10[%parallel_loop3A_181, %parallel_loop3A_198] : memref<256x32xf32, #tpu.memory_space<vmem>> -> memref<1x32xf32, #tpu.memory_space<vmem>>
        %parallel_loop3A_200 = tpu.memref_squeeze %parallel_loop3A_199 : memref<1x32xf32, #tpu.memory_space<vmem>> -> memref<32xf32, #tpu.memory_space<vmem>>
        %parallel_loop3A_201 = arith.constant 0 : i32
        %parallel_loop3A_202 = tpu.memref_slice %arg5[%parallel_loop3A_197, %parallel_loop3A_201] : memref<1000000x32xf32, #tpu.memory_space<hbm>> -> memref<1x32xf32, #tpu.memory_space<hbm>>
        %parallel_loop3A_203 = tpu.memref_squeeze %parallel_loop3A_202 : memref<1x32xf32, #tpu.memory_space<hbm>> -> memref<32xf32, #tpu.memory_space<hbm>>
        %parallel_loop3A_204 = arith.constant 0 : i32
        %parallel_loop3A_205 = tpu.memref_slice %arg10[%parallel_loop3A_181, %parallel_loop3A_204] : memref<256x32xf32, #tpu.memory_space<vmem>> -> memref<1x32xf32, #tpu.memory_space<vmem>>
        %parallel_loop3A_206 = tpu.memref_squeeze %parallel_loop3A_205 : memref<1x32xf32, #tpu.memory_space<vmem>> -> memref<32xf32, #tpu.memory_space<vmem>>
        %parallel_loop3A_207 = arith.constant 0 : i32
        %parallel_loop3A_208 = tpu.memref_slice %arg5[%parallel_loop3A_197, %parallel_loop3A_207] : memref<1000000x32xf32, #tpu.memory_space<hbm>> -> memref<1x32xf32, #tpu.memory_space<hbm>>
        %parallel_loop3A_209 = tpu.memref_squeeze %parallel_loop3A_208 : memref<1x32xf32, #tpu.memory_space<hbm>> -> memref<32xf32, #tpu.memory_space<hbm>>
        tpu.enqueue_dma source(%parallel_loop3A_209 : memref<32xf32, #tpu.memory_space<hbm>>) target(%parallel_loop3A_206 : memref<32xf32, #tpu.memory_space<vmem>>) target_semaphore(%arg13 : memref<!tpu.dma_semaphore, #tpu.memory_space<semaphore_mem>>)
        %parallel_loop3A_210 = arith.constant 16 : i32
        %parallel_loop3A_211 = arith.muli %parallel_loop3A_41, %parallel_loop3A_210 : i32
        %parallel_loop3A_212 = arith.constant 5 : i32
        %parallel_loop3A_213 = arith.addi %parallel_loop3A_211, %parallel_loop3A_212 : i32
        %parallel_loop3A_214 = vector.extract_strided_slice %parallel_loop3A_47 {offsets = [5], sizes = [1], strides = [1]} : vector<16xi32> to vector<1xi32>
        %parallel_loop3A_215 = vector.extract %parallel_loop3A_214[0] : i32 from vector<1xi32>
        %parallel_loop3A_216 = arith.constant 0 : i32
        %parallel_loop3A_217 = tpu.memref_slice %arg9[%parallel_loop3A_213, %parallel_loop3A_216] : memref<256x32xf32, #tpu.memory_space<vmem>> -> memref<1x32xf32, #tpu.memory_space<vmem>>
        %parallel_loop3A_218 = tpu.memref_squeeze %parallel_loop3A_217 : memref<1x32xf32, #tpu.memory_space<vmem>> -> memref<32xf32, #tpu.memory_space<vmem>>
        %parallel_loop3A_219 = arith.constant 0 : i32
        %parallel_loop3A_220 = tpu.memref_slice %arg4[%parallel_loop3A_215, %parallel_loop3A_219] : memref<1000000x32xf32, #tpu.memory_space<hbm>> -> memref<1x32xf32, #tpu.memory_space<hbm>>
        %parallel_loop3A_221 = tpu.memref_squeeze %parallel_loop3A_220 : memref<1x32xf32, #tpu.memory_space<hbm>> -> memref<32xf32, #tpu.memory_space<hbm>>
        %parallel_loop3A_222 = arith.constant 0 : i32
        %parallel_loop3A_223 = tpu.memref_slice %arg9[%parallel_loop3A_213, %parallel_loop3A_222] : memref<256x32xf32, #tpu.memory_space<vmem>> -> memref<1x32xf32, #tpu.memory_space<vmem>>
        %parallel_loop3A_224 = tpu.memref_squeeze %parallel_loop3A_223 : memref<1x32xf32, #tpu.memory_space<vmem>> -> memref<32xf32, #tpu.memory_space<vmem>>
        %parallel_loop3A_225 = arith.constant 0 : i32
        %parallel_loop3A_226 = tpu.memref_slice %arg4[%parallel_loop3A_215, %parallel_loop3A_225] : memref<1000000x32xf32, #tpu.memory_space<hbm>> -> memref<1x32xf32, #tpu.memory_space<hbm>>
        %parallel_loop3A_227 = tpu.memref_squeeze %parallel_loop3A_226 : memref<1x32xf32, #tpu.memory_space<hbm>> -> memref<32xf32, #tpu.memory_space<hbm>>
        tpu.enqueue_dma source(%parallel_loop3A_227 : memref<32xf32, #tpu.memory_space<hbm>>) target(%parallel_loop3A_224 : memref<32xf32, #tpu.memory_space<vmem>>) target_semaphore(%arg12 : memref<!tpu.dma_semaphore, #tpu.memory_space<semaphore_mem>>)
        %parallel_loop3A_228 = vector.extract_strided_slice %parallel_loop3A_49 {offsets = [5], sizes = [1], strides = [1]} : vector<16xi32> to vector<1xi32>
        %parallel_loop3A_229 = vector.extract %parallel_loop3A_228[0] : i32 from vector<1xi32>
        %parallel_loop3A_230 = arith.constant 0 : i32
        %parallel_loop3A_231 = tpu.memref_slice %arg10[%parallel_loop3A_213, %parallel_loop3A_230] : memref<256x32xf32, #tpu.memory_space<vmem>> -> memref<1x32xf32, #tpu.memory_space<vmem>>
        %parallel_loop3A_232 = tpu.memref_squeeze %parallel_loop3A_231 : memref<1x32xf32, #tpu.memory_space<vmem>> -> memref<32xf32, #tpu.memory_space<vmem>>
        %parallel_loop3A_233 = arith.constant 0 : i32
        %parallel_loop3A_234 = tpu.memref_slice %arg5[%parallel_loop3A_229, %parallel_loop3A_233] : memref<1000000x32xf32, #tpu.memory_space<hbm>> -> memref<1x32xf32, #tpu.memory_space<hbm>>
        %parallel_loop3A_235 = tpu.memref_squeeze %parallel_loop3A_234 : memref<1x32xf32, #tpu.memory_space<hbm>> -> memref<32xf32, #tpu.memory_space<hbm>>
        %parallel_loop3A_236 = arith.constant 0 : i32
        %parallel_loop3A_237 = tpu.memref_slice %arg10[%parallel_loop3A_213, %parallel_loop3A_236] : memref<256x32xf32, #tpu.memory_space<vmem>> -> memref<1x32xf32, #tpu.memory_space<vmem>>
        %parallel_loop3A_238 = tpu.memref_squeeze %parallel_loop3A_237 : memref<1x32xf32, #tpu.memory_space<vmem>> -> memref<32xf32, #tpu.memory_space<vmem>>
        %parallel_loop3A_239 = arith.constant 0 : i32
        %parallel_loop3A_240 = tpu.memref_slice %arg5[%parallel_loop3A_229, %parallel_loop3A_239] : memref<1000000x32xf32, #tpu.memory_space<hbm>> -> memref<1x32xf32, #tpu.memory_space<hbm>>
        %parallel_loop3A_241 = tpu.memref_squeeze %parallel_loop3A_240 : memref<1x32xf32, #tpu.memory_space<hbm>> -> memref<32xf32, #tpu.memory_space<hbm>>
        tpu.enqueue_dma source(%parallel_loop3A_241 : memref<32xf32, #tpu.memory_space<hbm>>) target(%parallel_loop3A_238 : memref<32xf32, #tpu.memory_space<vmem>>) target_semaphore(%arg13 : memref<!tpu.dma_semaphore, #tpu.memory_space<semaphore_mem>>)
        %parallel_loop3A_242 = arith.constant 16 : i32
        %parallel_loop3A_243 = arith.muli %parallel_loop3A_41, %parallel_loop3A_242 : i32
        %parallel_loop3A_244 = arith.constant 6 : i32
        %parallel_loop3A_245 = arith.addi %parallel_loop3A_243, %parallel_loop3A_244 : i32
        %parallel_loop3A_246 = vector.extract_strided_slice %parallel_loop3A_47 {offsets = [6], sizes = [1], strides = [1]} : vector<16xi32> to vector<1xi32>
        %parallel_loop3A_247 = vector.extract %parallel_loop3A_246[0] : i32 from vector<1xi32>
        %parallel_loop3A_248 = arith.constant 0 : i32
        %parallel_loop3A_249 = tpu.memref_slice %arg9[%parallel_loop3A_245, %parallel_loop3A_248] : memref<256x32xf32, #tpu.memory_space<vmem>> -> memref<1x32xf32, #tpu.memory_space<vmem>>
        %parallel_loop3A_250 = tpu.memref_squeeze %parallel_loop3A_249 : memref<1x32xf32, #tpu.memory_space<vmem>> -> memref<32xf32, #tpu.memory_space<vmem>>
        %parallel_loop3A_251 = arith.constant 0 : i32
        %parallel_loop3A_252 = tpu.memref_slice %arg4[%parallel_loop3A_247, %parallel_loop3A_251] : memref<1000000x32xf32, #tpu.memory_space<hbm>> -> memref<1x32xf32, #tpu.memory_space<hbm>>
        %parallel_loop3A_253 = tpu.memref_squeeze %parallel_loop3A_252 : memref<1x32xf32, #tpu.memory_space<hbm>> -> memref<32xf32, #tpu.memory_space<hbm>>
        %parallel_loop3A_254 = arith.constant 0 : i32
        %parallel_loop3A_255 = tpu.memref_slice %arg9[%parallel_loop3A_245, %parallel_loop3A_254] : memref<256x32xf32, #tpu.memory_space<vmem>> -> memref<1x32xf32, #tpu.memory_space<vmem>>
        %parallel_loop3A_256 = tpu.memref_squeeze %parallel_loop3A_255 : memref<1x32xf32, #tpu.memory_space<vmem>> -> memref<32xf32, #tpu.memory_space<vmem>>
        %parallel_loop3A_257 = arith.constant 0 : i32
        %parallel_loop3A_258 = tpu.memref_slice %arg4[%parallel_loop3A_247, %parallel_loop3A_257] : memref<1000000x32xf32, #tpu.memory_space<hbm>> -> memref<1x32xf32, #tpu.memory_space<hbm>>
        %parallel_loop3A_259 = tpu.memref_squeeze %parallel_loop3A_258 : memref<1x32xf32, #tpu.memory_space<hbm>> -> memref<32xf32, #tpu.memory_space<hbm>>
        tpu.enqueue_dma source(%parallel_loop3A_259 : memref<32xf32, #tpu.memory_space<hbm>>) target(%parallel_loop3A_256 : memref<32xf32, #tpu.memory_space<vmem>>) target_semaphore(%arg12 : memref<!tpu.dma_semaphore, #tpu.memory_space<semaphore_mem>>)
        %parallel_loop3A_260 = vector.extract_strided_slice %parallel_loop3A_49 {offsets = [6], sizes = [1], strides = [1]} : vector<16xi32> to vector<1xi32>
        %parallel_loop3A_261 = vector.extract %parallel_loop3A_260[0] : i32 from vector<1xi32>
        %parallel_loop3A_262 = arith.constant 0 : i32
        %parallel_loop3A_263 = tpu.memref_slice %arg10[%parallel_loop3A_245, %parallel_loop3A_262] : memref<256x32xf32, #tpu.memory_space<vmem>> -> memref<1x32xf32, #tpu.memory_space<vmem>>
        %parallel_loop3A_264 = tpu.memref_squeeze %parallel_loop3A_263 : memref<1x32xf32, #tpu.memory_space<vmem>> -> memref<32xf32, #tpu.memory_space<vmem>>
        %parallel_loop3A_265 = arith.constant 0 : i32
        %parallel_loop3A_266 = tpu.memref_slice %arg5[%parallel_loop3A_261, %parallel_loop3A_265] : memref<1000000x32xf32, #tpu.memory_space<hbm>> -> memref<1x32xf32, #tpu.memory_space<hbm>>
        %parallel_loop3A_267 = tpu.memref_squeeze %parallel_loop3A_266 : memref<1x32xf32, #tpu.memory_space<hbm>> -> memref<32xf32, #tpu.memory_space<hbm>>
        %parallel_loop3A_268 = arith.constant 0 : i32
        %parallel_loop3A_269 = tpu.memref_slice %arg10[%parallel_loop3A_245, %parallel_loop3A_268] : memref<256x32xf32, #tpu.memory_space<vmem>> -> memref<1x32xf32, #tpu.memory_space<vmem>>
        %parallel_loop3A_270 = tpu.memref_squeeze %parallel_loop3A_269 : memref<1x32xf32, #tpu.memory_space<vmem>> -> memref<32xf32, #tpu.memory_space<vmem>>
        %parallel_loop3A_271 = arith.constant 0 : i32
        %parallel_loop3A_272 = tpu.memref_slice %arg5[%parallel_loop3A_261, %parallel_loop3A_271] : memref<1000000x32xf32, #tpu.memory_space<hbm>> -> memref<1x32xf32, #tpu.memory_space<hbm>>
        %parallel_loop3A_273 = tpu.memref_squeeze %parallel_loop3A_272 : memref<1x32xf32, #tpu.memory_space<hbm>> -> memref<32xf32, #tpu.memory_space<hbm>>
        tpu.enqueue_dma source(%parallel_loop3A_273 : memref<32xf32, #tpu.memory_space<hbm>>) target(%parallel_loop3A_270 : memref<32xf32, #tpu.memory_space<vmem>>) target_semaphore(%arg13 : memref<!tpu.dma_semaphore, #tpu.memory_space<semaphore_mem>>)
        %parallel_loop3A_274 = arith.constant 16 : i32
        %parallel_loop3A_275 = arith.muli %parallel_loop3A_41, %parallel_loop3A_274 : i32
        %parallel_loop3A_276 = arith.constant 7 : i32
        %parallel_loop3A_277 = arith.addi %parallel_loop3A_275, %parallel_loop3A_276 : i32
        %parallel_loop3A_278 = vector.extract_strided_slice %parallel_loop3A_47 {offsets = [7], sizes = [1], strides = [1]} : vector<16xi32> to vector<1xi32>
        %parallel_loop3A_279 = vector.extract %parallel_loop3A_278[0] : i32 from vector<1xi32>
        %parallel_loop3A_280 = arith.constant 0 : i32
        %parallel_loop3A_281 = tpu.memref_slice %arg9[%parallel_loop3A_277, %parallel_loop3A_280] : memref<256x32xf32, #tpu.memory_space<vmem>> -> memref<1x32xf32, #tpu.memory_space<vmem>>
        %parallel_loop3A_282 = tpu.memref_squeeze %parallel_loop3A_281 : memref<1x32xf32, #tpu.memory_space<vmem>> -> memref<32xf32, #tpu.memory_space<vmem>>
        %parallel_loop3A_283 = arith.constant 0 : i32
        %parallel_loop3A_284 = tpu.memref_slice %arg4[%parallel_loop3A_279, %parallel_loop3A_283] : memref<1000000x32xf32, #tpu.memory_space<hbm>> -> memref<1x32xf32, #tpu.memory_space<hbm>>
        %parallel_loop3A_285 = tpu.memref_squeeze %parallel_loop3A_284 : memref<1x32xf32, #tpu.memory_space<hbm>> -> memref<32xf32, #tpu.memory_space<hbm>>
        %parallel_loop3A_286 = arith.constant 0 : i32
        %parallel_loop3A_287 = tpu.memref_slice %arg9[%parallel_loop3A_277, %parallel_loop3A_286] : memref<256x32xf32, #tpu.memory_space<vmem>> -> memref<1x32xf32, #tpu.memory_space<vmem>>
        %parallel_loop3A_288 = tpu.memref_squeeze %parallel_loop3A_287 : memref<1x32xf32, #tpu.memory_space<vmem>> -> memref<32xf32, #tpu.memory_space<vmem>>
        %parallel_loop3A_289 = arith.constant 0 : i32
        %parallel_loop3A_290 = tpu.memref_slice %arg4[%parallel_loop3A_279, %parallel_loop3A_289] : memref<1000000x32xf32, #tpu.memory_space<hbm>> -> memref<1x32xf32, #tpu.memory_space<hbm>>
        %parallel_loop3A_291 = tpu.memref_squeeze %parallel_loop3A_290 : memref<1x32xf32, #tpu.memory_space<hbm>> -> memref<32xf32, #tpu.memory_space<hbm>>
        tpu.enqueue_dma source(%parallel_loop3A_291 : memref<32xf32, #tpu.memory_space<hbm>>) target(%parallel_loop3A_288 : memref<32xf32, #tpu.memory_space<vmem>>) target_semaphore(%arg12 : memref<!tpu.dma_semaphore, #tpu.memory_space<semaphore_mem>>)
        %parallel_loop3A_292 = vector.extract_strided_slice %parallel_loop3A_49 {offsets = [7], sizes = [1], strides = [1]} : vector<16xi32> to vector<1xi32>
        %parallel_loop3A_293 = vector.extract %parallel_loop3A_292[0] : i32 from vector<1xi32>
        %parallel_loop3A_294 = arith.constant 0 : i32
        %parallel_loop3A_295 = tpu.memref_slice %arg10[%parallel_loop3A_277, %parallel_loop3A_294] : memref<256x32xf32, #tpu.memory_space<vmem>> -> memref<1x32xf32, #tpu.memory_space<vmem>>
        %parallel_loop3A_296 = tpu.memref_squeeze %parallel_loop3A_295 : memref<1x32xf32, #tpu.memory_space<vmem>> -> memref<32xf32, #tpu.memory_space<vmem>>
        %parallel_loop3A_297 = arith.constant 0 : i32
        %parallel_loop3A_298 = tpu.memref_slice %arg5[%parallel_loop3A_293, %parallel_loop3A_297] : memref<1000000x32xf32, #tpu.memory_space<hbm>> -> memref<1x32xf32, #tpu.memory_space<hbm>>
        %parallel_loop3A_299 = tpu.memref_squeeze %parallel_loop3A_298 : memref<1x32xf32, #tpu.memory_space<hbm>> -> memref<32xf32, #tpu.memory_space<hbm>>
        %parallel_loop3A_300 = arith.constant 0 : i32
        %parallel_loop3A_301 = tpu.memref_slice %arg10[%parallel_loop3A_277, %parallel_loop3A_300] : memref<256x32xf32, #tpu.memory_space<vmem>> -> memref<1x32xf32, #tpu.memory_space<vmem>>
        %parallel_loop3A_302 = tpu.memref_squeeze %parallel_loop3A_301 : memref<1x32xf32, #tpu.memory_space<vmem>> -> memref<32xf32, #tpu.memory_space<vmem>>
        %parallel_loop3A_303 = arith.constant 0 : i32
        %parallel_loop3A_304 = tpu.memref_slice %arg5[%parallel_loop3A_293, %parallel_loop3A_303] : memref<1000000x32xf32, #tpu.memory_space<hbm>> -> memref<1x32xf32, #tpu.memory_space<hbm>>
        %parallel_loop3A_305 = tpu.memref_squeeze %parallel_loop3A_304 : memref<1x32xf32, #tpu.memory_space<hbm>> -> memref<32xf32, #tpu.memory_space<hbm>>
        tpu.enqueue_dma source(%parallel_loop3A_305 : memref<32xf32, #tpu.memory_space<hbm>>) target(%parallel_loop3A_302 : memref<32xf32, #tpu.memory_space<vmem>>) target_semaphore(%arg13 : memref<!tpu.dma_semaphore, #tpu.memory_space<semaphore_mem>>)
        %parallel_loop3A_306 = arith.constant 16 : i32
        %parallel_loop3A_307 = arith.muli %parallel_loop3A_41, %parallel_loop3A_306 : i32
        %parallel_loop3A_308 = arith.constant 8 : i32
        %parallel_loop3A_309 = arith.addi %parallel_loop3A_307, %parallel_loop3A_308 : i32
        %parallel_loop3A_310 = vector.extract_strided_slice %parallel_loop3A_47 {offsets = [8], sizes = [1], strides = [1]} : vector<16xi32> to vector<1xi32>
        %parallel_loop3A_311 = vector.extract %parallel_loop3A_310[0] : i32 from vector<1xi32>
        %parallel_loop3A_312 = arith.constant 0 : i32
        %parallel_loop3A_313 = tpu.memref_slice %arg9[%parallel_loop3A_309, %parallel_loop3A_312] : memref<256x32xf32, #tpu.memory_space<vmem>> -> memref<1x32xf32, #tpu.memory_space<vmem>>
        %parallel_loop3A_314 = tpu.memref_squeeze %parallel_loop3A_313 : memref<1x32xf32, #tpu.memory_space<vmem>> -> memref<32xf32, #tpu.memory_space<vmem>>
        %parallel_loop3A_315 = arith.constant 0 : i32
        %parallel_loop3A_316 = tpu.memref_slice %arg4[%parallel_loop3A_311, %parallel_loop3A_315] : memref<1000000x32xf32, #tpu.memory_space<hbm>> -> memref<1x32xf32, #tpu.memory_space<hbm>>
        %parallel_loop3A_317 = tpu.memref_squeeze %parallel_loop3A_316 : memref<1x32xf32, #tpu.memory_space<hbm>> -> memref<32xf32, #tpu.memory_space<hbm>>
        %parallel_loop3A_318 = arith.constant 0 : i32
        %parallel_loop3A_319 = tpu.memref_slice %arg9[%parallel_loop3A_309, %parallel_loop3A_318] : memref<256x32xf32, #tpu.memory_space<vmem>> -> memref<1x32xf32, #tpu.memory_space<vmem>>
        %parallel_loop3A_320 = tpu.memref_squeeze %parallel_loop3A_319 : memref<1x32xf32, #tpu.memory_space<vmem>> -> memref<32xf32, #tpu.memory_space<vmem>>
        %parallel_loop3A_321 = arith.constant 0 : i32
        %parallel_loop3A_322 = tpu.memref_slice %arg4[%parallel_loop3A_311, %parallel_loop3A_321] : memref<1000000x32xf32, #tpu.memory_space<hbm>> -> memref<1x32xf32, #tpu.memory_space<hbm>>
        %parallel_loop3A_323 = tpu.memref_squeeze %parallel_loop3A_322 : memref<1x32xf32, #tpu.memory_space<hbm>> -> memref<32xf32, #tpu.memory_space<hbm>>
        tpu.enqueue_dma source(%parallel_loop3A_323 : memref<32xf32, #tpu.memory_space<hbm>>) target(%parallel_loop3A_320 : memref<32xf32, #tpu.memory_space<vmem>>) target_semaphore(%arg12 : memref<!tpu.dma_semaphore, #tpu.memory_space<semaphore_mem>>)
        %parallel_loop3A_324 = vector.extract_strided_slice %parallel_loop3A_49 {offsets = [8], sizes = [1], strides = [1]} : vector<16xi32> to vector<1xi32>
        %parallel_loop3A_325 = vector.extract %parallel_loop3A_324[0] : i32 from vector<1xi32>
        %parallel_loop3A_326 = arith.constant 0 : i32
        %parallel_loop3A_327 = tpu.memref_slice %arg10[%parallel_loop3A_309, %parallel_loop3A_326] : memref<256x32xf32, #tpu.memory_space<vmem>> -> memref<1x32xf32, #tpu.memory_space<vmem>>
        %parallel_loop3A_328 = tpu.memref_squeeze %parallel_loop3A_327 : memref<1x32xf32, #tpu.memory_space<vmem>> -> memref<32xf32, #tpu.memory_space<vmem>>
        %parallel_loop3A_329 = arith.constant 0 : i32
        %parallel_loop3A_330 = tpu.memref_slice %arg5[%parallel_loop3A_325, %parallel_loop3A_329] : memref<1000000x32xf32, #tpu.memory_space<hbm>> -> memref<1x32xf32, #tpu.memory_space<hbm>>
        %parallel_loop3A_331 = tpu.memref_squeeze %parallel_loop3A_330 : memref<1x32xf32, #tpu.memory_space<hbm>> -> memref<32xf32, #tpu.memory_space<hbm>>
        %parallel_loop3A_332 = arith.constant 0 : i32
        %parallel_loop3A_333 = tpu.memref_slice %arg10[%parallel_loop3A_309, %parallel_loop3A_332] : memref<256x32xf32, #tpu.memory_space<vmem>> -> memref<1x32xf32, #tpu.memory_space<vmem>>
        %parallel_loop3A_334 = tpu.memref_squeeze %parallel_loop3A_333 : memref<1x32xf32, #tpu.memory_space<vmem>> -> memref<32xf32, #tpu.memory_space<vmem>>
        %parallel_loop3A_335 = arith.constant 0 : i32
        %parallel_loop3A_336 = tpu.memref_slice %arg5[%parallel_loop3A_325, %parallel_loop3A_335] : memref<1000000x32xf32, #tpu.memory_space<hbm>> -> memref<1x32xf32, #tpu.memory_space<hbm>>
        %parallel_loop3A_337 = tpu.memref_squeeze %parallel_loop3A_336 : memref<1x32xf32, #tpu.memory_space<hbm>> -> memref<32xf32, #tpu.memory_space<hbm>>
        tpu.enqueue_dma source(%parallel_loop3A_337 : memref<32xf32, #tpu.memory_space<hbm>>) target(%parallel_loop3A_334 : memref<32xf32, #tpu.memory_space<vmem>>) target_semaphore(%arg13 : memref<!tpu.dma_semaphore, #tpu.memory_space<semaphore_mem>>)
        %parallel_loop3A_338 = arith.constant 16 : i32
        %parallel_loop3A_339 = arith.muli %parallel_loop3A_41, %parallel_loop3A_338 : i32
        %parallel_loop3A_340 = arith.constant 9 : i32
        %parallel_loop3A_341 = arith.addi %parallel_loop3A_339, %parallel_loop3A_340 : i32
        %parallel_loop3A_342 = vector.extract_strided_slice %parallel_loop3A_47 {offsets = [9], sizes = [1], strides = [1]} : vector<16xi32> to vector<1xi32>
        %parallel_loop3A_343 = vector.extract %parallel_loop3A_342[0] : i32 from vector<1xi32>
        %parallel_loop3A_344 = arith.constant 0 : i32
        %parallel_loop3A_345 = tpu.memref_slice %arg9[%parallel_loop3A_341, %parallel_loop3A_344] : memref<256x32xf32, #tpu.memory_space<vmem>> -> memref<1x32xf32, #tpu.memory_space<vmem>>
        %parallel_loop3A_346 = tpu.memref_squeeze %parallel_loop3A_345 : memref<1x32xf32, #tpu.memory_space<vmem>> -> memref<32xf32, #tpu.memory_space<vmem>>
        %parallel_loop3A_347 = arith.constant 0 : i32
        %parallel_loop3A_348 = tpu.memref_slice %arg4[%parallel_loop3A_343, %parallel_loop3A_347] : memref<1000000x32xf32, #tpu.memory_space<hbm>> -> memref<1x32xf32, #tpu.memory_space<hbm>>
        %parallel_loop3A_349 = tpu.memref_squeeze %parallel_loop3A_348 : memref<1x32xf32, #tpu.memory_space<hbm>> -> memref<32xf32, #tpu.memory_space<hbm>>
        %parallel_loop3A_350 = arith.constant 0 : i32
        %parallel_loop3A_351 = tpu.memref_slice %arg9[%parallel_loop3A_341, %parallel_loop3A_350] : memref<256x32xf32, #tpu.memory_space<vmem>> -> memref<1x32xf32, #tpu.memory_space<vmem>>
        %parallel_loop3A_352 = tpu.memref_squeeze %parallel_loop3A_351 : memref<1x32xf32, #tpu.memory_space<vmem>> -> memref<32xf32, #tpu.memory_space<vmem>>
        %parallel_loop3A_353 = arith.constant 0 : i32
        %parallel_loop3A_354 = tpu.memref_slice %arg4[%parallel_loop3A_343, %parallel_loop3A_353] : memref<1000000x32xf32, #tpu.memory_space<hbm>> -> memref<1x32xf32, #tpu.memory_space<hbm>>
        %parallel_loop3A_355 = tpu.memref_squeeze %parallel_loop3A_354 : memref<1x32xf32, #tpu.memory_space<hbm>> -> memref<32xf32, #tpu.memory_space<hbm>>
        tpu.enqueue_dma source(%parallel_loop3A_355 : memref<32xf32, #tpu.memory_space<hbm>>) target(%parallel_loop3A_352 : memref<32xf32, #tpu.memory_space<vmem>>) target_semaphore(%arg12 : memref<!tpu.dma_semaphore, #tpu.memory_space<semaphore_mem>>)
        %parallel_loop3A_356 = vector.extract_strided_slice %parallel_loop3A_49 {offsets = [9], sizes = [1], strides = [1]} : vector<16xi32> to vector<1xi32>
        %parallel_loop3A_357 = vector.extract %parallel_loop3A_356[0] : i32 from vector<1xi32>
        %parallel_loop3A_358 = arith.constant 0 : i32
        %parallel_loop3A_359 = tpu.memref_slice %arg10[%parallel_loop3A_341, %parallel_loop3A_358] : memref<256x32xf32, #tpu.memory_space<vmem>> -> memref<1x32xf32, #tpu.memory_space<vmem>>
        %parallel_loop3A_360 = tpu.memref_squeeze %parallel_loop3A_359 : memref<1x32xf32, #tpu.memory_space<vmem>> -> memref<32xf32, #tpu.memory_space<vmem>>
        %parallel_loop3A_361 = arith.constant 0 : i32
        %parallel_loop3A_362 = tpu.memref_slice %arg5[%parallel_loop3A_357, %parallel_loop3A_361] : memref<1000000x32xf32, #tpu.memory_space<hbm>> -> memref<1x32xf32, #tpu.memory_space<hbm>>
        %parallel_loop3A_363 = tpu.memref_squeeze %parallel_loop3A_362 : memref<1x32xf32, #tpu.memory_space<hbm>> -> memref<32xf32, #tpu.memory_space<hbm>>
        %parallel_loop3A_364 = arith.constant 0 : i32
        %parallel_loop3A_365 = tpu.memref_slice %arg10[%parallel_loop3A_341, %parallel_loop3A_364] : memref<256x32xf32, #tpu.memory_space<vmem>> -> memref<1x32xf32, #tpu.memory_space<vmem>>
        %parallel_loop3A_366 = tpu.memref_squeeze %parallel_loop3A_365 : memref<1x32xf32, #tpu.memory_space<vmem>> -> memref<32xf32, #tpu.memory_space<vmem>>
        %parallel_loop3A_367 = arith.constant 0 : i32
        %parallel_loop3A_368 = tpu.memref_slice %arg5[%parallel_loop3A_357, %parallel_loop3A_367] : memref<1000000x32xf32, #tpu.memory_space<hbm>> -> memref<1x32xf32, #tpu.memory_space<hbm>>
        %parallel_loop3A_369 = tpu.memref_squeeze %parallel_loop3A_368 : memref<1x32xf32, #tpu.memory_space<hbm>> -> memref<32xf32, #tpu.memory_space<hbm>>
        tpu.enqueue_dma source(%parallel_loop3A_369 : memref<32xf32, #tpu.memory_space<hbm>>) target(%parallel_loop3A_366 : memref<32xf32, #tpu.memory_space<vmem>>) target_semaphore(%arg13 : memref<!tpu.dma_semaphore, #tpu.memory_space<semaphore_mem>>)
        %parallel_loop3A_370 = arith.constant 16 : i32
        %parallel_loop3A_371 = arith.muli %parallel_loop3A_41, %parallel_loop3A_370 : i32
        %parallel_loop3A_372 = arith.constant 10 : i32
        %parallel_loop3A_373 = arith.addi %parallel_loop3A_371, %parallel_loop3A_372 : i32
        %parallel_loop3A_374 = vector.extract_strided_slice %parallel_loop3A_47 {offsets = [10], sizes = [1], strides = [1]} : vector<16xi32> to vector<1xi32>
        %parallel_loop3A_375 = vector.extract %parallel_loop3A_374[0] : i32 from vector<1xi32>
        %parallel_loop3A_376 = arith.constant 0 : i32
        %parallel_loop3A_377 = tpu.memref_slice %arg9[%parallel_loop3A_373, %parallel_loop3A_376] : memref<256x32xf32, #tpu.memory_space<vmem>> -> memref<1x32xf32, #tpu.memory_space<vmem>>
        %parallel_loop3A_378 = tpu.memref_squeeze %parallel_loop3A_377 : memref<1x32xf32, #tpu.memory_space<vmem>> -> memref<32xf32, #tpu.memory_space<vmem>>
        %parallel_loop3A_379 = arith.constant 0 : i32
        %parallel_loop3A_380 = tpu.memref_slice %arg4[%parallel_loop3A_375, %parallel_loop3A_379] : memref<1000000x32xf32, #tpu.memory_space<hbm>> -> memref<1x32xf32, #tpu.memory_space<hbm>>
        %parallel_loop3A_381 = tpu.memref_squeeze %parallel_loop3A_380 : memref<1x32xf32, #tpu.memory_space<hbm>> -> memref<32xf32, #tpu.memory_space<hbm>>
        %parallel_loop3A_382 = arith.constant 0 : i32
        %parallel_loop3A_383 = tpu.memref_slice %arg9[%parallel_loop3A_373, %parallel_loop3A_382] : memref<256x32xf32, #tpu.memory_space<vmem>> -> memref<1x32xf32, #tpu.memory_space<vmem>>
        %parallel_loop3A_384 = tpu.memref_squeeze %parallel_loop3A_383 : memref<1x32xf32, #tpu.memory_space<vmem>> -> memref<32xf32, #tpu.memory_space<vmem>>
        %parallel_loop3A_385 = arith.constant 0 : i32
        %parallel_loop3A_386 = tpu.memref_slice %arg4[%parallel_loop3A_375, %parallel_loop3A_385] : memref<1000000x32xf32, #tpu.memory_space<hbm>> -> memref<1x32xf32, #tpu.memory_space<hbm>>
        %parallel_loop3A_387 = tpu.memref_squeeze %parallel_loop3A_386 : memref<1x32xf32, #tpu.memory_space<hbm>> -> memref<32xf32, #tpu.memory_space<hbm>>
        tpu.enqueue_dma source(%parallel_loop3A_387 : memref<32xf32, #tpu.memory_space<hbm>>) target(%parallel_loop3A_384 : memref<32xf32, #tpu.memory_space<vmem>>) target_semaphore(%arg12 : memref<!tpu.dma_semaphore, #tpu.memory_space<semaphore_mem>>)
        %parallel_loop3A_388 = vector.extract_strided_slice %parallel_loop3A_49 {offsets = [10], sizes = [1], strides = [1]} : vector<16xi32> to vector<1xi32>
        %parallel_loop3A_389 = vector.extract %parallel_loop3A_388[0] : i32 from vector<1xi32>
        %parallel_loop3A_390 = arith.constant 0 : i32
        %parallel_loop3A_391 = tpu.memref_slice %arg10[%parallel_loop3A_373, %parallel_loop3A_390] : memref<256x32xf32, #tpu.memory_space<vmem>> -> memref<1x32xf32, #tpu.memory_space<vmem>>
        %parallel_loop3A_392 = tpu.memref_squeeze %parallel_loop3A_391 : memref<1x32xf32, #tpu.memory_space<vmem>> -> memref<32xf32, #tpu.memory_space<vmem>>
        %parallel_loop3A_393 = arith.constant 0 : i32
        %parallel_loop3A_394 = tpu.memref_slice %arg5[%parallel_loop3A_389, %parallel_loop3A_393] : memref<1000000x32xf32, #tpu.memory_space<hbm>> -> memref<1x32xf32, #tpu.memory_space<hbm>>
        %parallel_loop3A_395 = tpu.memref_squeeze %parallel_loop3A_394 : memref<1x32xf32, #tpu.memory_space<hbm>> -> memref<32xf32, #tpu.memory_space<hbm>>
        %parallel_loop3A_396 = arith.constant 0 : i32
        %parallel_loop3A_397 = tpu.memref_slice %arg10[%parallel_loop3A_373, %parallel_loop3A_396] : memref<256x32xf32, #tpu.memory_space<vmem>> -> memref<1x32xf32, #tpu.memory_space<vmem>>
        %parallel_loop3A_398 = tpu.memref_squeeze %parallel_loop3A_397 : memref<1x32xf32, #tpu.memory_space<vmem>> -> memref<32xf32, #tpu.memory_space<vmem>>
        %parallel_loop3A_399 = arith.constant 0 : i32
        %parallel_loop3A_400 = tpu.memref_slice %arg5[%parallel_loop3A_389, %parallel_loop3A_399] : memref<1000000x32xf32, #tpu.memory_space<hbm>> -> memref<1x32xf32, #tpu.memory_space<hbm>>
        %parallel_loop3A_401 = tpu.memref_squeeze %parallel_loop3A_400 : memref<1x32xf32, #tpu.memory_space<hbm>> -> memref<32xf32, #tpu.memory_space<hbm>>
        tpu.enqueue_dma source(%parallel_loop3A_401 : memref<32xf32, #tpu.memory_space<hbm>>) target(%parallel_loop3A_398 : memref<32xf32, #tpu.memory_space<vmem>>) target_semaphore(%arg13 : memref<!tpu.dma_semaphore, #tpu.memory_space<semaphore_mem>>)
        %parallel_loop3A_402 = arith.constant 16 : i32
        %parallel_loop3A_403 = arith.muli %parallel_loop3A_41, %parallel_loop3A_402 : i32
        %parallel_loop3A_404 = arith.constant 11 : i32
        %parallel_loop3A_405 = arith.addi %parallel_loop3A_403, %parallel_loop3A_404 : i32
        %parallel_loop3A_406 = vector.extract_strided_slice %parallel_loop3A_47 {offsets = [11], sizes = [1], strides = [1]} : vector<16xi32> to vector<1xi32>
        %parallel_loop3A_407 = vector.extract %parallel_loop3A_406[0] : i32 from vector<1xi32>
        %parallel_loop3A_408 = arith.constant 0 : i32
        %parallel_loop3A_409 = tpu.memref_slice %arg9[%parallel_loop3A_405, %parallel_loop3A_408] : memref<256x32xf32, #tpu.memory_space<vmem>> -> memref<1x32xf32, #tpu.memory_space<vmem>>
        %parallel_loop3A_410 = tpu.memref_squeeze %parallel_loop3A_409 : memref<1x32xf32, #tpu.memory_space<vmem>> -> memref<32xf32, #tpu.memory_space<vmem>>
        %parallel_loop3A_411 = arith.constant 0 : i32
        %parallel_loop3A_412 = tpu.memref_slice %arg4[%parallel_loop3A_407, %parallel_loop3A_411] : memref<1000000x32xf32, #tpu.memory_space<hbm>> -> memref<1x32xf32, #tpu.memory_space<hbm>>
        %parallel_loop3A_413 = tpu.memref_squeeze %parallel_loop3A_412 : memref<1x32xf32, #tpu.memory_space<hbm>> -> memref<32xf32, #tpu.memory_space<hbm>>
        %parallel_loop3A_414 = arith.constant 0 : i32
        %parallel_loop3A_415 = tpu.memref_slice %arg9[%parallel_loop3A_405, %parallel_loop3A_414] : memref<256x32xf32, #tpu.memory_space<vmem>> -> memref<1x32xf32, #tpu.memory_space<vmem>>
        %parallel_loop3A_416 = tpu.memref_squeeze %parallel_loop3A_415 : memref<1x32xf32, #tpu.memory_space<vmem>> -> memref<32xf32, #tpu.memory_space<vmem>>
        %parallel_loop3A_417 = arith.constant 0 : i32
        %parallel_loop3A_418 = tpu.memref_slice %arg4[%parallel_loop3A_407, %parallel_loop3A_417] : memref<1000000x32xf32, #tpu.memory_space<hbm>> -> memref<1x32xf32, #tpu.memory_space<hbm>>
        %parallel_loop3A_419 = tpu.memref_squeeze %parallel_loop3A_418 : memref<1x32xf32, #tpu.memory_space<hbm>> -> memref<32xf32, #tpu.memory_space<hbm>>
        tpu.enqueue_dma source(%parallel_loop3A_419 : memref<32xf32, #tpu.memory_space<hbm>>) target(%parallel_loop3A_416 : memref<32xf32, #tpu.memory_space<vmem>>) target_semaphore(%arg12 : memref<!tpu.dma_semaphore, #tpu.memory_space<semaphore_mem>>)
        %parallel_loop3A_420 = vector.extract_strided_slice %parallel_loop3A_49 {offsets = [11], sizes = [1], strides = [1]} : vector<16xi32> to vector<1xi32>
        %parallel_loop3A_421 = vector.extract %parallel_loop3A_420[0] : i32 from vector<1xi32>
        %parallel_loop3A_422 = arith.constant 0 : i32
        %parallel_loop3A_423 = tpu.memref_slice %arg10[%parallel_loop3A_405, %parallel_loop3A_422] : memref<256x32xf32, #tpu.memory_space<vmem>> -> memref<1x32xf32, #tpu.memory_space<vmem>>
        %parallel_loop3A_424 = tpu.memref_squeeze %parallel_loop3A_423 : memref<1x32xf32, #tpu.memory_space<vmem>> -> memref<32xf32, #tpu.memory_space<vmem>>
        %parallel_loop3A_425 = arith.constant 0 : i32
        %parallel_loop3A_426 = tpu.memref_slice %arg5[%parallel_loop3A_421, %parallel_loop3A_425] : memref<1000000x32xf32, #tpu.memory_space<hbm>> -> memref<1x32xf32, #tpu.memory_space<hbm>>
        %parallel_loop3A_427 = tpu.memref_squeeze %parallel_loop3A_426 : memref<1x32xf32, #tpu.memory_space<hbm>> -> memref<32xf32, #tpu.memory_space<hbm>>
        %parallel_loop3A_428 = arith.constant 0 : i32
        %parallel_loop3A_429 = tpu.memref_slice %arg10[%parallel_loop3A_405, %parallel_loop3A_428] : memref<256x32xf32, #tpu.memory_space<vmem>> -> memref<1x32xf32, #tpu.memory_space<vmem>>
        %parallel_loop3A_430 = tpu.memref_squeeze %parallel_loop3A_429 : memref<1x32xf32, #tpu.memory_space<vmem>> -> memref<32xf32, #tpu.memory_space<vmem>>
        %parallel_loop3A_431 = arith.constant 0 : i32
        %parallel_loop3A_432 = tpu.memref_slice %arg5[%parallel_loop3A_421, %parallel_loop3A_431] : memref<1000000x32xf32, #tpu.memory_space<hbm>> -> memref<1x32xf32, #tpu.memory_space<hbm>>
        %parallel_loop3A_433 = tpu.memref_squeeze %parallel_loop3A_432 : memref<1x32xf32, #tpu.memory_space<hbm>> -> memref<32xf32, #tpu.memory_space<hbm>>
        tpu.enqueue_dma source(%parallel_loop3A_433 : memref<32xf32, #tpu.memory_space<hbm>>) target(%parallel_loop3A_430 : memref<32xf32, #tpu.memory_space<vmem>>) target_semaphore(%arg13 : memref<!tpu.dma_semaphore, #tpu.memory_space<semaphore_mem>>)
        %parallel_loop3A_434 = arith.constant 16 : i32
        %parallel_loop3A_435 = arith.muli %parallel_loop3A_41, %parallel_loop3A_434 : i32
        %parallel_loop3A_436 = arith.constant 12 : i32
        %parallel_loop3A_437 = arith.addi %parallel_loop3A_435, %parallel_loop3A_436 : i32
        %parallel_loop3A_438 = vector.extract_strided_slice %parallel_loop3A_47 {offsets = [12], sizes = [1], strides = [1]} : vector<16xi32> to vector<1xi32>
        %parallel_loop3A_439 = vector.extract %parallel_loop3A_438[0] : i32 from vector<1xi32>
        %parallel_loop3A_440 = arith.constant 0 : i32
        %parallel_loop3A_441 = tpu.memref_slice %arg9[%parallel_loop3A_437, %parallel_loop3A_440] : memref<256x32xf32, #tpu.memory_space<vmem>> -> memref<1x32xf32, #tpu.memory_space<vmem>>
        %parallel_loop3A_442 = tpu.memref_squeeze %parallel_loop3A_441 : memref<1x32xf32, #tpu.memory_space<vmem>> -> memref<32xf32, #tpu.memory_space<vmem>>
        %parallel_loop3A_443 = arith.constant 0 : i32
        %parallel_loop3A_444 = tpu.memref_slice %arg4[%parallel_loop3A_439, %parallel_loop3A_443] : memref<1000000x32xf32, #tpu.memory_space<hbm>> -> memref<1x32xf32, #tpu.memory_space<hbm>>
        %parallel_loop3A_445 = tpu.memref_squeeze %parallel_loop3A_444 : memref<1x32xf32, #tpu.memory_space<hbm>> -> memref<32xf32, #tpu.memory_space<hbm>>
        %parallel_loop3A_446 = arith.constant 0 : i32
        %parallel_loop3A_447 = tpu.memref_slice %arg9[%parallel_loop3A_437, %parallel_loop3A_446] : memref<256x32xf32, #tpu.memory_space<vmem>> -> memref<1x32xf32, #tpu.memory_space<vmem>>
        %parallel_loop3A_448 = tpu.memref_squeeze %parallel_loop3A_447 : memref<1x32xf32, #tpu.memory_space<vmem>> -> memref<32xf32, #tpu.memory_space<vmem>>
        %parallel_loop3A_449 = arith.constant 0 : i32
        %parallel_loop3A_450 = tpu.memref_slice %arg4[%parallel_loop3A_439, %parallel_loop3A_449] : memref<1000000x32xf32, #tpu.memory_space<hbm>> -> memref<1x32xf32, #tpu.memory_space<hbm>>
        %parallel_loop3A_451 = tpu.memref_squeeze %parallel_loop3A_450 : memref<1x32xf32, #tpu.memory_space<hbm>> -> memref<32xf32, #tpu.memory_space<hbm>>
        tpu.enqueue_dma source(%parallel_loop3A_451 : memref<32xf32, #tpu.memory_space<hbm>>) target(%parallel_loop3A_448 : memref<32xf32, #tpu.memory_space<vmem>>) target_semaphore(%arg12 : memref<!tpu.dma_semaphore, #tpu.memory_space<semaphore_mem>>)
        %parallel_loop3A_452 = vector.extract_strided_slice %parallel_loop3A_49 {offsets = [12], sizes = [1], strides = [1]} : vector<16xi32> to vector<1xi32>
        %parallel_loop3A_453 = vector.extract %parallel_loop3A_452[0] : i32 from vector<1xi32>
        %parallel_loop3A_454 = arith.constant 0 : i32
        %parallel_loop3A_455 = tpu.memref_slice %arg10[%parallel_loop3A_437, %parallel_loop3A_454] : memref<256x32xf32, #tpu.memory_space<vmem>> -> memref<1x32xf32, #tpu.memory_space<vmem>>
        %parallel_loop3A_456 = tpu.memref_squeeze %parallel_loop3A_455 : memref<1x32xf32, #tpu.memory_space<vmem>> -> memref<32xf32, #tpu.memory_space<vmem>>
        %parallel_loop3A_457 = arith.constant 0 : i32
        %parallel_loop3A_458 = tpu.memref_slice %arg5[%parallel_loop3A_453, %parallel_loop3A_457] : memref<1000000x32xf32, #tpu.memory_space<hbm>> -> memref<1x32xf32, #tpu.memory_space<hbm>>
        %parallel_loop3A_459 = tpu.memref_squeeze %parallel_loop3A_458 : memref<1x32xf32, #tpu.memory_space<hbm>> -> memref<32xf32, #tpu.memory_space<hbm>>
        %parallel_loop3A_460 = arith.constant 0 : i32
        %parallel_loop3A_461 = tpu.memref_slice %arg10[%parallel_loop3A_437, %parallel_loop3A_460] : memref<256x32xf32, #tpu.memory_space<vmem>> -> memref<1x32xf32, #tpu.memory_space<vmem>>
        %parallel_loop3A_462 = tpu.memref_squeeze %parallel_loop3A_461 : memref<1x32xf32, #tpu.memory_space<vmem>> -> memref<32xf32, #tpu.memory_space<vmem>>
        %parallel_loop3A_463 = arith.constant 0 : i32
        %parallel_loop3A_464 = tpu.memref_slice %arg5[%parallel_loop3A_453, %parallel_loop3A_463] : memref<1000000x32xf32, #tpu.memory_space<hbm>> -> memref<1x32xf32, #tpu.memory_space<hbm>>
        %parallel_loop3A_465 = tpu.memref_squeeze %parallel_loop3A_464 : memref<1x32xf32, #tpu.memory_space<hbm>> -> memref<32xf32, #tpu.memory_space<hbm>>
        tpu.enqueue_dma source(%parallel_loop3A_465 : memref<32xf32, #tpu.memory_space<hbm>>) target(%parallel_loop3A_462 : memref<32xf32, #tpu.memory_space<vmem>>) target_semaphore(%arg13 : memref<!tpu.dma_semaphore, #tpu.memory_space<semaphore_mem>>)
        %parallel_loop3A_466 = arith.constant 16 : i32
        %parallel_loop3A_467 = arith.muli %parallel_loop3A_41, %parallel_loop3A_466 : i32
        %parallel_loop3A_468 = arith.constant 13 : i32
        %parallel_loop3A_469 = arith.addi %parallel_loop3A_467, %parallel_loop3A_468 : i32
        %parallel_loop3A_470 = vector.extract_strided_slice %parallel_loop3A_47 {offsets = [13], sizes = [1], strides = [1]} : vector<16xi32> to vector<1xi32>
        %parallel_loop3A_471 = vector.extract %parallel_loop3A_470[0] : i32 from vector<1xi32>
        %parallel_loop3A_472 = arith.constant 0 : i32
        %parallel_loop3A_473 = tpu.memref_slice %arg9[%parallel_loop3A_469, %parallel_loop3A_472] : memref<256x32xf32, #tpu.memory_space<vmem>> -> memref<1x32xf32, #tpu.memory_space<vmem>>
        %parallel_loop3A_474 = tpu.memref_squeeze %parallel_loop3A_473 : memref<1x32xf32, #tpu.memory_space<vmem>> -> memref<32xf32, #tpu.memory_space<vmem>>
        %parallel_loop3A_475 = arith.constant 0 : i32
        %parallel_loop3A_476 = tpu.memref_slice %arg4[%parallel_loop3A_471, %parallel_loop3A_475] : memref<1000000x32xf32, #tpu.memory_space<hbm>> -> memref<1x32xf32, #tpu.memory_space<hbm>>
        %parallel_loop3A_477 = tpu.memref_squeeze %parallel_loop3A_476 : memref<1x32xf32, #tpu.memory_space<hbm>> -> memref<32xf32, #tpu.memory_space<hbm>>
        %parallel_loop3A_478 = arith.constant 0 : i32
        %parallel_loop3A_479 = tpu.memref_slice %arg9[%parallel_loop3A_469, %parallel_loop3A_478] : memref<256x32xf32, #tpu.memory_space<vmem>> -> memref<1x32xf32, #tpu.memory_space<vmem>>
        %parallel_loop3A_480 = tpu.memref_squeeze %parallel_loop3A_479 : memref<1x32xf32, #tpu.memory_space<vmem>> -> memref<32xf32, #tpu.memory_space<vmem>>
        %parallel_loop3A_481 = arith.constant 0 : i32
        %parallel_loop3A_482 = tpu.memref_slice %arg4[%parallel_loop3A_471, %parallel_loop3A_481] : memref<1000000x32xf32, #tpu.memory_space<hbm>> -> memref<1x32xf32, #tpu.memory_space<hbm>>
        %parallel_loop3A_483 = tpu.memref_squeeze %parallel_loop3A_482 : memref<1x32xf32, #tpu.memory_space<hbm>> -> memref<32xf32, #tpu.memory_space<hbm>>
        tpu.enqueue_dma source(%parallel_loop3A_483 : memref<32xf32, #tpu.memory_space<hbm>>) target(%parallel_loop3A_480 : memref<32xf32, #tpu.memory_space<vmem>>) target_semaphore(%arg12 : memref<!tpu.dma_semaphore, #tpu.memory_space<semaphore_mem>>)
        %parallel_loop3A_484 = vector.extract_strided_slice %parallel_loop3A_49 {offsets = [13], sizes = [1], strides = [1]} : vector<16xi32> to vector<1xi32>
        %parallel_loop3A_485 = vector.extract %parallel_loop3A_484[0] : i32 from vector<1xi32>
        %parallel_loop3A_486 = arith.constant 0 : i32
        %parallel_loop3A_487 = tpu.memref_slice %arg10[%parallel_loop3A_469, %parallel_loop3A_486] : memref<256x32xf32, #tpu.memory_space<vmem>> -> memref<1x32xf32, #tpu.memory_space<vmem>>
        %parallel_loop3A_488 = tpu.memref_squeeze %parallel_loop3A_487 : memref<1x32xf32, #tpu.memory_space<vmem>> -> memref<32xf32, #tpu.memory_space<vmem>>
        %parallel_loop3A_489 = arith.constant 0 : i32
        %parallel_loop3A_490 = tpu.memref_slice %arg5[%parallel_loop3A_485, %parallel_loop3A_489] : memref<1000000x32xf32, #tpu.memory_space<hbm>> -> memref<1x32xf32, #tpu.memory_space<hbm>>
        %parallel_loop3A_491 = tpu.memref_squeeze %parallel_loop3A_490 : memref<1x32xf32, #tpu.memory_space<hbm>> -> memref<32xf32, #tpu.memory_space<hbm>>
        %parallel_loop3A_492 = arith.constant 0 : i32
        %parallel_loop3A_493 = tpu.memref_slice %arg10[%parallel_loop3A_469, %parallel_loop3A_492] : memref<256x32xf32, #tpu.memory_space<vmem>> -> memref<1x32xf32, #tpu.memory_space<vmem>>
        %parallel_loop3A_494 = tpu.memref_squeeze %parallel_loop3A_493 : memref<1x32xf32, #tpu.memory_space<vmem>> -> memref<32xf32, #tpu.memory_space<vmem>>
        %parallel_loop3A_495 = arith.constant 0 : i32
        %parallel_loop3A_496 = tpu.memref_slice %arg5[%parallel_loop3A_485, %parallel_loop3A_495] : memref<1000000x32xf32, #tpu.memory_space<hbm>> -> memref<1x32xf32, #tpu.memory_space<hbm>>
        %parallel_loop3A_497 = tpu.memref_squeeze %parallel_loop3A_496 : memref<1x32xf32, #tpu.memory_space<hbm>> -> memref<32xf32, #tpu.memory_space<hbm>>
        tpu.enqueue_dma source(%parallel_loop3A_497 : memref<32xf32, #tpu.memory_space<hbm>>) target(%parallel_loop3A_494 : memref<32xf32, #tpu.memory_space<vmem>>) target_semaphore(%arg13 : memref<!tpu.dma_semaphore, #tpu.memory_space<semaphore_mem>>)
        %parallel_loop3A_498 = arith.constant 16 : i32
        %parallel_loop3A_499 = arith.muli %parallel_loop3A_41, %parallel_loop3A_498 : i32
        %parallel_loop3A_500 = arith.constant 14 : i32
        %parallel_loop3A_501 = arith.addi %parallel_loop3A_499, %parallel_loop3A_500 : i32
        %parallel_loop3A_502 = vector.extract_strided_slice %parallel_loop3A_47 {offsets = [14], sizes = [1], strides = [1]} : vector<16xi32> to vector<1xi32>
        %parallel_loop3A_503 = vector.extract %parallel_loop3A_502[0] : i32 from vector<1xi32>
        %parallel_loop3A_504 = arith.constant 0 : i32
        %parallel_loop3A_505 = tpu.memref_slice %arg9[%parallel_loop3A_501, %parallel_loop3A_504] : memref<256x32xf32, #tpu.memory_space<vmem>> -> memref<1x32xf32, #tpu.memory_space<vmem>>
        %parallel_loop3A_506 = tpu.memref_squeeze %parallel_loop3A_505 : memref<1x32xf32, #tpu.memory_space<vmem>> -> memref<32xf32, #tpu.memory_space<vmem>>
        %parallel_loop3A_507 = arith.constant 0 : i32
        %parallel_loop3A_508 = tpu.memref_slice %arg4[%parallel_loop3A_503, %parallel_loop3A_507] : memref<1000000x32xf32, #tpu.memory_space<hbm>> -> memref<1x32xf32, #tpu.memory_space<hbm>>
        %parallel_loop3A_509 = tpu.memref_squeeze %parallel_loop3A_508 : memref<1x32xf32, #tpu.memory_space<hbm>> -> memref<32xf32, #tpu.memory_space<hbm>>
        %parallel_loop3A_510 = arith.constant 0 : i32
        %parallel_loop3A_511 = tpu.memref_slice %arg9[%parallel_loop3A_501, %parallel_loop3A_510] : memref<256x32xf32, #tpu.memory_space<vmem>> -> memref<1x32xf32, #tpu.memory_space<vmem>>
        %parallel_loop3A_512 = tpu.memref_squeeze %parallel_loop3A_511 : memref<1x32xf32, #tpu.memory_space<vmem>> -> memref<32xf32, #tpu.memory_space<vmem>>
        %parallel_loop3A_513 = arith.constant 0 : i32
        %parallel_loop3A_514 = tpu.memref_slice %arg4[%parallel_loop3A_503, %parallel_loop3A_513] : memref<1000000x32xf32, #tpu.memory_space<hbm>> -> memref<1x32xf32, #tpu.memory_space<hbm>>
        %parallel_loop3A_515 = tpu.memref_squeeze %parallel_loop3A_514 : memref<1x32xf32, #tpu.memory_space<hbm>> -> memref<32xf32, #tpu.memory_space<hbm>>
        tpu.enqueue_dma source(%parallel_loop3A_515 : memref<32xf32, #tpu.memory_space<hbm>>) target(%parallel_loop3A_512 : memref<32xf32, #tpu.memory_space<vmem>>) target_semaphore(%arg12 : memref<!tpu.dma_semaphore, #tpu.memory_space<semaphore_mem>>)
        %parallel_loop3A_516 = vector.extract_strided_slice %parallel_loop3A_49 {offsets = [14], sizes = [1], strides = [1]} : vector<16xi32> to vector<1xi32>
        %parallel_loop3A_517 = vector.extract %parallel_loop3A_516[0] : i32 from vector<1xi32>
        %parallel_loop3A_518 = arith.constant 0 : i32
        %parallel_loop3A_519 = tpu.memref_slice %arg10[%parallel_loop3A_501, %parallel_loop3A_518] : memref<256x32xf32, #tpu.memory_space<vmem>> -> memref<1x32xf32, #tpu.memory_space<vmem>>
        %parallel_loop3A_520 = tpu.memref_squeeze %parallel_loop3A_519 : memref<1x32xf32, #tpu.memory_space<vmem>> -> memref<32xf32, #tpu.memory_space<vmem>>
        %parallel_loop3A_521 = arith.constant 0 : i32
        %parallel_loop3A_522 = tpu.memref_slice %arg5[%parallel_loop3A_517, %parallel_loop3A_521] : memref<1000000x32xf32, #tpu.memory_space<hbm>> -> memref<1x32xf32, #tpu.memory_space<hbm>>
        %parallel_loop3A_523 = tpu.memref_squeeze %parallel_loop3A_522 : memref<1x32xf32, #tpu.memory_space<hbm>> -> memref<32xf32, #tpu.memory_space<hbm>>
        %parallel_loop3A_524 = arith.constant 0 : i32
        %parallel_loop3A_525 = tpu.memref_slice %arg10[%parallel_loop3A_501, %parallel_loop3A_524] : memref<256x32xf32, #tpu.memory_space<vmem>> -> memref<1x32xf32, #tpu.memory_space<vmem>>
        %parallel_loop3A_526 = tpu.memref_squeeze %parallel_loop3A_525 : memref<1x32xf32, #tpu.memory_space<vmem>> -> memref<32xf32, #tpu.memory_space<vmem>>
        %parallel_loop3A_527 = arith.constant 0 : i32
        %parallel_loop3A_528 = tpu.memref_slice %arg5[%parallel_loop3A_517, %parallel_loop3A_527] : memref<1000000x32xf32, #tpu.memory_space<hbm>> -> memref<1x32xf32, #tpu.memory_space<hbm>>
        %parallel_loop3A_529 = tpu.memref_squeeze %parallel_loop3A_528 : memref<1x32xf32, #tpu.memory_space<hbm>> -> memref<32xf32, #tpu.memory_space<hbm>>
        tpu.enqueue_dma source(%parallel_loop3A_529 : memref<32xf32, #tpu.memory_space<hbm>>) target(%parallel_loop3A_526 : memref<32xf32, #tpu.memory_space<vmem>>) target_semaphore(%arg13 : memref<!tpu.dma_semaphore, #tpu.memory_space<semaphore_mem>>)
        %parallel_loop3A_530 = arith.constant 16 : i32
        %parallel_loop3A_531 = arith.muli %parallel_loop3A_41, %parallel_loop3A_530 : i32
        %parallel_loop3A_532 = arith.constant 15 : i32
        %parallel_loop3A_533 = arith.addi %parallel_loop3A_531, %parallel_loop3A_532 : i32
        %parallel_loop3A_534 = vector.extract_strided_slice %parallel_loop3A_47 {offsets = [15], sizes = [1], strides = [1]} : vector<16xi32> to vector<1xi32>
        %parallel_loop3A_535 = vector.extract %parallel_loop3A_534[0] : i32 from vector<1xi32>
        %parallel_loop3A_536 = arith.constant 0 : i32
        %parallel_loop3A_537 = tpu.memref_slice %arg9[%parallel_loop3A_533, %parallel_loop3A_536] : memref<256x32xf32, #tpu.memory_space<vmem>> -> memref<1x32xf32, #tpu.memory_space<vmem>>
        %parallel_loop3A_538 = tpu.memref_squeeze %parallel_loop3A_537 : memref<1x32xf32, #tpu.memory_space<vmem>> -> memref<32xf32, #tpu.memory_space<vmem>>
        %parallel_loop3A_539 = arith.constant 0 : i32
        %parallel_loop3A_540 = tpu.memref_slice %arg4[%parallel_loop3A_535, %parallel_loop3A_539] : memref<1000000x32xf32, #tpu.memory_space<hbm>> -> memref<1x32xf32, #tpu.memory_space<hbm>>
        %parallel_loop3A_541 = tpu.memref_squeeze %parallel_loop3A_540 : memref<1x32xf32, #tpu.memory_space<hbm>> -> memref<32xf32, #tpu.memory_space<hbm>>
        %parallel_loop3A_542 = arith.constant 0 : i32
        %parallel_loop3A_543 = tpu.memref_slice %arg9[%parallel_loop3A_533, %parallel_loop3A_542] : memref<256x32xf32, #tpu.memory_space<vmem>> -> memref<1x32xf32, #tpu.memory_space<vmem>>
        %parallel_loop3A_544 = tpu.memref_squeeze %parallel_loop3A_543 : memref<1x32xf32, #tpu.memory_space<vmem>> -> memref<32xf32, #tpu.memory_space<vmem>>
        %parallel_loop3A_545 = arith.constant 0 : i32
        %parallel_loop3A_546 = tpu.memref_slice %arg4[%parallel_loop3A_535, %parallel_loop3A_545] : memref<1000000x32xf32, #tpu.memory_space<hbm>> -> memref<1x32xf32, #tpu.memory_space<hbm>>
        %parallel_loop3A_547 = tpu.memref_squeeze %parallel_loop3A_546 : memref<1x32xf32, #tpu.memory_space<hbm>> -> memref<32xf32, #tpu.memory_space<hbm>>
        tpu.enqueue_dma source(%parallel_loop3A_547 : memref<32xf32, #tpu.memory_space<hbm>>) target(%parallel_loop3A_544 : memref<32xf32, #tpu.memory_space<vmem>>) target_semaphore(%arg12 : memref<!tpu.dma_semaphore, #tpu.memory_space<semaphore_mem>>)
        %parallel_loop3A_548 = vector.extract_strided_slice %parallel_loop3A_49 {offsets = [15], sizes = [1], strides = [1]} : vector<16xi32> to vector<1xi32>
        %parallel_loop3A_549 = vector.extract %parallel_loop3A_548[0] : i32 from vector<1xi32>
        %parallel_loop3A_550 = arith.constant 0 : i32
        %parallel_loop3A_551 = tpu.memref_slice %arg10[%parallel_loop3A_533, %parallel_loop3A_550] : memref<256x32xf32, #tpu.memory_space<vmem>> -> memref<1x32xf32, #tpu.memory_space<vmem>>
        %parallel_loop3A_552 = tpu.memref_squeeze %parallel_loop3A_551 : memref<1x32xf32, #tpu.memory_space<vmem>> -> memref<32xf32, #tpu.memory_space<vmem>>
        %parallel_loop3A_553 = arith.constant 0 : i32
        %parallel_loop3A_554 = tpu.memref_slice %arg5[%parallel_loop3A_549, %parallel_loop3A_553] : memref<1000000x32xf32, #tpu.memory_space<hbm>> -> memref<1x32xf32, #tpu.memory_space<hbm>>
        %parallel_loop3A_555 = tpu.memref_squeeze %parallel_loop3A_554 : memref<1x32xf32, #tpu.memory_space<hbm>> -> memref<32xf32, #tpu.memory_space<hbm>>
        %parallel_loop3A_556 = arith.constant 0 : i32
        %parallel_loop3A_557 = tpu.memref_slice %arg10[%parallel_loop3A_533, %parallel_loop3A_556] : memref<256x32xf32, #tpu.memory_space<vmem>> -> memref<1x32xf32, #tpu.memory_space<vmem>>
        %parallel_loop3A_558 = tpu.memref_squeeze %parallel_loop3A_557 : memref<1x32xf32, #tpu.memory_space<vmem>> -> memref<32xf32, #tpu.memory_space<vmem>>
        %parallel_loop3A_559 = arith.constant 0 : i32
        %parallel_loop3A_560 = tpu.memref_slice %arg5[%parallel_loop3A_549, %parallel_loop3A_559] : memref<1000000x32xf32, #tpu.memory_space<hbm>> -> memref<1x32xf32, #tpu.memory_space<hbm>>
        %parallel_loop3A_561 = tpu.memref_squeeze %parallel_loop3A_560 : memref<1x32xf32, #tpu.memory_space<hbm>> -> memref<32xf32, #tpu.memory_space<hbm>>
        tpu.enqueue_dma source(%parallel_loop3A_561 : memref<32xf32, #tpu.memory_space<hbm>>) target(%parallel_loop3A_558 : memref<32xf32, #tpu.memory_space<vmem>>) target_semaphore(%arg13 : memref<!tpu.dma_semaphore, #tpu.memory_space<semaphore_mem>>)
      } {sc.loop_unroll_factor = 4 : i64, sc.parallel_access}
      %dma_wait3A = arith.constant 0 : i32
      %dma_wait3A_13 = arith.constant 0 : i32
      %dma_wait3A_14 = tpu.memref_slice %arg9[%dma_wait3A, %dma_wait3A_13] : memref<256x32xf32, #tpu.memory_space<vmem>> -> memref<256x32xf32, #tpu.memory_space<vmem>>
      %dma_wait3A_15 = arith.constant 0 : i32
      %dma_wait3A_16 = arith.constant 0 : i32
      %dma_wait3A_17 = tpu.memref_slice %arg4[%dma_wait3A_15, %dma_wait3A_16] : memref<1000000x32xf32, #tpu.memory_space<hbm>> -> memref<256x32xf32, #tpu.memory_space<hbm>>
      %dma_wait3A_18 = arith.constant 0 : i32
      %dma_wait3A_19 = arith.constant 0 : i32
      %dma_wait3A_20 = tpu.memref_slice %arg9[%dma_wait3A_18, %dma_wait3A_19] : memref<256x32xf32, #tpu.memory_space<vmem>> -> memref<256x32xf32, #tpu.memory_space<vmem>>
      %dma_wait3A_21 = arith.constant 0 : i32
      %dma_wait3A_22 = arith.constant 0 : i32
      %dma_wait3A_23 = tpu.memref_slice %arg4[%dma_wait3A_21, %dma_wait3A_22] : memref<1000000x32xf32, #tpu.memory_space<hbm>> -> memref<256x32xf32, #tpu.memory_space<hbm>>
      tpu.wait_dma2 semaphore(%arg12 : memref<!tpu.dma_semaphore, #tpu.memory_space<semaphore_mem>>) src(%dma_wait3A_23 : memref<256x32xf32, #tpu.memory_space<hbm>>) dst(%dma_wait3A_20 : memref<256x32xf32, #tpu.memory_space<vmem>>)
      %dma_wait3A_24 = arith.constant 0 : i32
      %dma_wait3A_25 = arith.constant 0 : i32
      %dma_wait3A_26 = tpu.memref_slice %arg10[%dma_wait3A_24, %dma_wait3A_25] : memref<256x32xf32, #tpu.memory_space<vmem>> -> memref<256x32xf32, #tpu.memory_space<vmem>>
      %dma_wait3A_27 = arith.constant 0 : i32
      %dma_wait3A_28 = arith.constant 0 : i32
      %dma_wait3A_29 = tpu.memref_slice %arg4[%dma_wait3A_27, %dma_wait3A_28] : memref<1000000x32xf32, #tpu.memory_space<hbm>> -> memref<256x32xf32, #tpu.memory_space<hbm>>
      %dma_wait3A_30 = arith.constant 0 : i32
      %dma_wait3A_31 = arith.constant 0 : i32
      %dma_wait3A_32 = tpu.memref_slice %arg10[%dma_wait3A_30, %dma_wait3A_31] : memref<256x32xf32, #tpu.memory_space<vmem>> -> memref<256x32xf32, #tpu.memory_space<vmem>>
      %dma_wait3A_33 = arith.constant 0 : i32
      %dma_wait3A_34 = arith.constant 0 : i32
      %dma_wait3A_35 = tpu.memref_slice %arg4[%dma_wait3A_33, %dma_wait3A_34] : memref<1000000x32xf32, #tpu.memory_space<hbm>> -> memref<256x32xf32, #tpu.memory_space<hbm>>
      tpu.wait_dma2 semaphore(%arg13 : memref<!tpu.dma_semaphore, #tpu.memory_space<semaphore_mem>>) src(%dma_wait3A_35 : memref<256x32xf32, #tpu.memory_space<hbm>>) dst(%dma_wait3A_32 : memref<256x32xf32, #tpu.memory_space<vmem>>)
      %scan3A_36 = arith.constant 0 : i32
      %scan3A_37 = arith.constant 16 : i32
      %scan3A_38 = arith.addi %scan3A_36, %scan3A_37 : i32
      %scan3A_39 = arith.constant 1 : i32
      scf.for %scan3A_41 = %scan3A_36 to %scan3A_38 step %scan3A_39  : i32 {
        %mul3A_42 = arith.constant 16 : i32
        %mul3A_43 = arith.muli %scan3A_41, %mul3A_42 : i32
        %add3A_44 = vector.broadcast %mul3A_43 : i32 to vector<16xi32>
        %add3A_45 = arith.addi %add3A_44, %iota3A : vector<16xi32>
        %broadcast_in_dim3A = arith.constant 0.000000e+00 : f32
        %broadcast_in_dim3A_46 = vector.broadcast %broadcast_in_dim3A : f32 to vector<16xf32>
        %broadcast_in_dim3A_47 = arith.constant 0 : i32
        %broadcast_in_dim3A_48 = vector.broadcast %broadcast_in_dim3A_47 : i32 to vector<16xi32>
        %gather3A = tpu.vector_load_idx %arg9[%add3A_45, %broadcast_in_dim3A_48] : memref<256x32xf32, #tpu.memory_space<vmem>>[vector<16xi32>, vector<16xi32>], vector<16xf32>,
        %gather3A_49 = tpu.vector_load_idx %arg10[%add3A_45, %broadcast_in_dim3A_48] : memref<256x32xf32, #tpu.memory_space<vmem>>[vector<16xi32>, vector<16xi32>], vector<16xf32>,
        %mul3A_50 = arith.mulf %gather3A, %gather3A_49 : vector<16xf32>
        %add3A_51 = arith.addf %broadcast_in_dim3A_46, %mul3A_50 : vector<16xf32>
        %broadcast_in_dim3A_52 = arith.constant 1 : i32
        %broadcast_in_dim3A_53 = vector.broadcast %broadcast_in_dim3A_52 : i32 to vector<16xi32>
        %gather3A_54 = tpu.vector_load_idx %arg9[%add3A_45, %broadcast_in_dim3A_53] : memref<256x32xf32, #tpu.memory_space<vmem>>[vector<16xi32>, vector<16xi32>], vector<16xf32>,
        %gather3A_55 = tpu.vector_load_idx %arg10[%add3A_45, %broadcast_in_dim3A_53] : memref<256x32xf32, #tpu.memory_space<vmem>>[vector<16xi32>, vector<16xi32>], vector<16xf32>,
        %mul3A_56 = arith.mulf %gather3A_54, %gather3A_55 : vector<16xf32>
        %add3A_57 = arith.addf %add3A_51, %mul3A_56 : vector<16xf32>
        %broadcast_in_dim3A_58 = arith.constant 2 : i32
        %broadcast_in_dim3A_59 = vector.broadcast %broadcast_in_dim3A_58 : i32 to vector<16xi32>
        %gather3A_60 = tpu.vector_load_idx %arg9[%add3A_45, %broadcast_in_dim3A_59] : memref<256x32xf32, #tpu.memory_space<vmem>>[vector<16xi32>, vector<16xi32>], vector<16xf32>,
        %gather3A_61 = tpu.vector_load_idx %arg10[%add3A_45, %broadcast_in_dim3A_59] : memref<256x32xf32, #tpu.memory_space<vmem>>[vector<16xi32>, vector<16xi32>], vector<16xf32>,
        %mul3A_62 = arith.mulf %gather3A_60, %gather3A_61 : vector<16xf32>
        %add3A_63 = arith.addf %add3A_57, %mul3A_62 : vector<16xf32>
        %broadcast_in_dim3A_64 = arith.constant 3 : i32
        %broadcast_in_dim3A_65 = vector.broadcast %broadcast_in_dim3A_64 : i32 to vector<16xi32>
        %gather3A_66 = tpu.vector_load_idx %arg9[%add3A_45, %broadcast_in_dim3A_65] : memref<256x32xf32, #tpu.memory_space<vmem>>[vector<16xi32>, vector<16xi32>], vector<16xf32>,
        %gather3A_67 = tpu.vector_load_idx %arg10[%add3A_45, %broadcast_in_dim3A_65] : memref<256x32xf32, #tpu.memory_space<vmem>>[vector<16xi32>, vector<16xi32>], vector<16xf32>,
        %mul3A_68 = arith.mulf %gather3A_66, %gather3A_67 : vector<16xf32>
        %add3A_69 = arith.addf %add3A_63, %mul3A_68 : vector<16xf32>
        %broadcast_in_dim3A_70 = arith.constant 4 : i32
        %broadcast_in_dim3A_71 = vector.broadcast %broadcast_in_dim3A_70 : i32 to vector<16xi32>
        %gather3A_72 = tpu.vector_load_idx %arg9[%add3A_45, %broadcast_in_dim3A_71] : memref<256x32xf32, #tpu.memory_space<vmem>>[vector<16xi32>, vector<16xi32>], vector<16xf32>,
        %gather3A_73 = tpu.vector_load_idx %arg10[%add3A_45, %broadcast_in_dim3A_71] : memref<256x32xf32, #tpu.memory_space<vmem>>[vector<16xi32>, vector<16xi32>], vector<16xf32>,
        %mul3A_74 = arith.mulf %gather3A_72, %gather3A_73 : vector<16xf32>
        %add3A_75 = arith.addf %add3A_69, %mul3A_74 : vector<16xf32>
        %broadcast_in_dim3A_76 = arith.constant 5 : i32
        %broadcast_in_dim3A_77 = vector.broadcast %broadcast_in_dim3A_76 : i32 to vector<16xi32>
        %gather3A_78 = tpu.vector_load_idx %arg9[%add3A_45, %broadcast_in_dim3A_77] : memref<256x32xf32, #tpu.memory_space<vmem>>[vector<16xi32>, vector<16xi32>], vector<16xf32>,
        %gather3A_79 = tpu.vector_load_idx %arg10[%add3A_45, %broadcast_in_dim3A_77] : memref<256x32xf32, #tpu.memory_space<vmem>>[vector<16xi32>, vector<16xi32>], vector<16xf32>,
        %mul3A_80 = arith.mulf %gather3A_78, %gather3A_79 : vector<16xf32>
        %add3A_81 = arith.addf %add3A_75, %mul3A_80 : vector<16xf32>
        %broadcast_in_dim3A_82 = arith.constant 6 : i32
        %broadcast_in_dim3A_83 = vector.broadcast %broadcast_in_dim3A_82 : i32 to vector<16xi32>
        %gather3A_84 = tpu.vector_load_idx %arg9[%add3A_45, %broadcast_in_dim3A_83] : memref<256x32xf32, #tpu.memory_space<vmem>>[vector<16xi32>, vector<16xi32>], vector<16xf32>,
        %gather3A_85 = tpu.vector_load_idx %arg10[%add3A_45, %broadcast_in_dim3A_83] : memref<256x32xf32, #tpu.memory_space<vmem>>[vector<16xi32>, vector<16xi32>], vector<16xf32>,
        %mul3A_86 = arith.mulf %gather3A_84, %gather3A_85 : vector<16xf32>
        %add3A_87 = arith.addf %add3A_81, %mul3A_86 : vector<16xf32>
        %broadcast_in_dim3A_88 = arith.constant 7 : i32
        %broadcast_in_dim3A_89 = vector.broadcast %broadcast_in_dim3A_88 : i32 to vector<16xi32>
        %gather3A_90 = tpu.vector_load_idx %arg9[%add3A_45, %broadcast_in_dim3A_89] : memref<256x32xf32, #tpu.memory_space<vmem>>[vector<16xi32>, vector<16xi32>], vector<16xf32>,
        %gather3A_91 = tpu.vector_load_idx %arg10[%add3A_45, %broadcast_in_dim3A_89] : memref<256x32xf32, #tpu.memory_space<vmem>>[vector<16xi32>, vector<16xi32>], vector<16xf32>,
        %mul3A_92 = arith.mulf %gather3A_90, %gather3A_91 : vector<16xf32>
        %add3A_93 = arith.addf %add3A_87, %mul3A_92 : vector<16xf32>
        %broadcast_in_dim3A_94 = arith.constant 8 : i32
        %broadcast_in_dim3A_95 = vector.broadcast %broadcast_in_dim3A_94 : i32 to vector<16xi32>
        %gather3A_96 = tpu.vector_load_idx %arg9[%add3A_45, %broadcast_in_dim3A_95] : memref<256x32xf32, #tpu.memory_space<vmem>>[vector<16xi32>, vector<16xi32>], vector<16xf32>,
        %gather3A_97 = tpu.vector_load_idx %arg10[%add3A_45, %broadcast_in_dim3A_95] : memref<256x32xf32, #tpu.memory_space<vmem>>[vector<16xi32>, vector<16xi32>], vector<16xf32>,
        %mul3A_98 = arith.mulf %gather3A_96, %gather3A_97 : vector<16xf32>
        %add3A_99 = arith.addf %add3A_93, %mul3A_98 : vector<16xf32>
        %broadcast_in_dim3A_100 = arith.constant 9 : i32
        %broadcast_in_dim3A_101 = vector.broadcast %broadcast_in_dim3A_100 : i32 to vector<16xi32>
        %gather3A_102 = tpu.vector_load_idx %arg9[%add3A_45, %broadcast_in_dim3A_101] : memref<256x32xf32, #tpu.memory_space<vmem>>[vector<16xi32>, vector<16xi32>], vector<16xf32>,
        %gather3A_103 = tpu.vector_load_idx %arg10[%add3A_45, %broadcast_in_dim3A_101] : memref<256x32xf32, #tpu.memory_space<vmem>>[vector<16xi32>, vector<16xi32>], vector<16xf32>,
        %mul3A_104 = arith.mulf %gather3A_102, %gather3A_103 : vector<16xf32>
        %add3A_105 = arith.addf %add3A_99, %mul3A_104 : vector<16xf32>
        %broadcast_in_dim3A_106 = arith.constant 10 : i32
        %broadcast_in_dim3A_107 = vector.broadcast %broadcast_in_dim3A_106 : i32 to vector<16xi32>
        %gather3A_108 = tpu.vector_load_idx %arg9[%add3A_45, %broadcast_in_dim3A_107] : memref<256x32xf32, #tpu.memory_space<vmem>>[vector<16xi32>, vector<16xi32>], vector<16xf32>,
        %gather3A_109 = tpu.vector_load_idx %arg10[%add3A_45, %broadcast_in_dim3A_107] : memref<256x32xf32, #tpu.memory_space<vmem>>[vector<16xi32>, vector<16xi32>], vector<16xf32>,
        %mul3A_110 = arith.mulf %gather3A_108, %gather3A_109 : vector<16xf32>
        %add3A_111 = arith.addf %add3A_105, %mul3A_110 : vector<16xf32>
        %broadcast_in_dim3A_112 = arith.constant 11 : i32
        %broadcast_in_dim3A_113 = vector.broadcast %broadcast_in_dim3A_112 : i32 to vector<16xi32>
        %gather3A_114 = tpu.vector_load_idx %arg9[%add3A_45, %broadcast_in_dim3A_113] : memref<256x32xf32, #tpu.memory_space<vmem>>[vector<16xi32>, vector<16xi32>], vector<16xf32>,
        %gather3A_115 = tpu.vector_load_idx %arg10[%add3A_45, %broadcast_in_dim3A_113] : memref<256x32xf32, #tpu.memory_space<vmem>>[vector<16xi32>, vector<16xi32>], vector<16xf32>,
        %mul3A_116 = arith.mulf %gather3A_114, %gather3A_115 : vector<16xf32>
        %add3A_117 = arith.addf %add3A_111, %mul3A_116 : vector<16xf32>
        %broadcast_in_dim3A_118 = arith.constant 12 : i32
        %broadcast_in_dim3A_119 = vector.broadcast %broadcast_in_dim3A_118 : i32 to vector<16xi32>
        %gather3A_120 = tpu.vector_load_idx %arg9[%add3A_45, %broadcast_in_dim3A_119] : memref<256x32xf32, #tpu.memory_space<vmem>>[vector<16xi32>, vector<16xi32>], vector<16xf32>,
        %gather3A_121 = tpu.vector_load_idx %arg10[%add3A_45, %broadcast_in_dim3A_119] : memref<256x32xf32, #tpu.memory_space<vmem>>[vector<16xi32>, vector<16xi32>], vector<16xf32>,
        %mul3A_122 = arith.mulf %gather3A_120, %gather3A_121 : vector<16xf32>
        %add3A_123 = arith.addf %add3A_117, %mul3A_122 : vector<16xf32>
        %broadcast_in_dim3A_124 = arith.constant 13 : i32
        %broadcast_in_dim3A_125 = vector.broadcast %broadcast_in_dim3A_124 : i32 to vector<16xi32>
        %gather3A_126 = tpu.vector_load_idx %arg9[%add3A_45, %broadcast_in_dim3A_125] : memref<256x32xf32, #tpu.memory_space<vmem>>[vector<16xi32>, vector<16xi32>], vector<16xf32>,
        %gather3A_127 = tpu.vector_load_idx %arg10[%add3A_45, %broadcast_in_dim3A_125] : memref<256x32xf32, #tpu.memory_space<vmem>>[vector<16xi32>, vector<16xi32>], vector<16xf32>,
        %mul3A_128 = arith.mulf %gather3A_126, %gather3A_127 : vector<16xf32>
        %add3A_129 = arith.addf %add3A_123, %mul3A_128 : vector<16xf32>
        %broadcast_in_dim3A_130 = arith.constant 14 : i32
        %broadcast_in_dim3A_131 = vector.broadcast %broadcast_in_dim3A_130 : i32 to vector<16xi32>
        %gather3A_132 = tpu.vector_load_idx %arg9[%add3A_45, %broadcast_in_dim3A_131] : memref<256x32xf32, #tpu.memory_space<vmem>>[vector<16xi32>, vector<16xi32>], vector<16xf32>,
        %gather3A_133 = tpu.vector_load_idx %arg10[%add3A_45, %broadcast_in_dim3A_131] : memref<256x32xf32, #tpu.memory_space<vmem>>[vector<16xi32>, vector<16xi32>], vector<16xf32>,
        %mul3A_134 = arith.mulf %gather3A_132, %gather3A_133 : vector<16xf32>
        %add3A_135 = arith.addf %add3A_129, %mul3A_134 : vector<16xf32>
        %broadcast_in_dim3A_136 = arith.constant 15 : i32
        %broadcast_in_dim3A_137 = vector.broadcast %broadcast_in_dim3A_136 : i32 to vector<16xi32>
        %gather3A_138 = tpu.vector_load_idx %arg9[%add3A_45, %broadcast_in_dim3A_137] : memref<256x32xf32, #tpu.memory_space<vmem>>[vector<16xi32>, vector<16xi32>], vector<16xf32>,
        %gather3A_139 = tpu.vector_load_idx %arg10[%add3A_45, %broadcast_in_dim3A_137] : memref<256x32xf32, #tpu.memory_space<vmem>>[vector<16xi32>, vector<16xi32>], vector<16xf32>,
        %mul3A_140 = arith.mulf %gather3A_138, %gather3A_139 : vector<16xf32>
        %add3A_141 = arith.addf %add3A_135, %mul3A_140 : vector<16xf32>
        %broadcast_in_dim3A_142 = arith.constant 16 : i32
        %broadcast_in_dim3A_143 = vector.broadcast %broadcast_in_dim3A_142 : i32 to vector<16xi32>
        %gather3A_144 = tpu.vector_load_idx %arg9[%add3A_45, %broadcast_in_dim3A_143] : memref<256x32xf32, #tpu.memory_space<vmem>>[vector<16xi32>, vector<16xi32>], vector<16xf32>,
        %gather3A_145 = tpu.vector_load_idx %arg10[%add3A_45, %broadcast_in_dim3A_143] : memref<256x32xf32, #tpu.memory_space<vmem>>[vector<16xi32>, vector<16xi32>], vector<16xf32>,
        %mul3A_146 = arith.mulf %gather3A_144, %gather3A_145 : vector<16xf32>
        %add3A_147 = arith.addf %add3A_141, %mul3A_146 : vector<16xf32>
        %broadcast_in_dim3A_148 = arith.constant 17 : i32
        %broadcast_in_dim3A_149 = vector.broadcast %broadcast_in_dim3A_148 : i32 to vector<16xi32>
        %gather3A_150 = tpu.vector_load_idx %arg9[%add3A_45, %broadcast_in_dim3A_149] : memref<256x32xf32, #tpu.memory_space<vmem>>[vector<16xi32>, vector<16xi32>], vector<16xf32>,
        %gather3A_151 = tpu.vector_load_idx %arg10[%add3A_45, %broadcast_in_dim3A_149] : memref<256x32xf32, #tpu.memory_space<vmem>>[vector<16xi32>, vector<16xi32>], vector<16xf32>,
        %mul3A_152 = arith.mulf %gather3A_150, %gather3A_151 : vector<16xf32>
        %add3A_153 = arith.addf %add3A_147, %mul3A_152 : vector<16xf32>
        %broadcast_in_dim3A_154 = arith.constant 18 : i32
        %broadcast_in_dim3A_155 = vector.broadcast %broadcast_in_dim3A_154 : i32 to vector<16xi32>
        %gather3A_156 = tpu.vector_load_idx %arg9[%add3A_45, %broadcast_in_dim3A_155] : memref<256x32xf32, #tpu.memory_space<vmem>>[vector<16xi32>, vector<16xi32>], vector<16xf32>,
        %gather3A_157 = tpu.vector_load_idx %arg10[%add3A_45, %broadcast_in_dim3A_155] : memref<256x32xf32, #tpu.memory_space<vmem>>[vector<16xi32>, vector<16xi32>], vector<16xf32>,
        %mul3A_158 = arith.mulf %gather3A_156, %gather3A_157 : vector<16xf32>
        %add3A_159 = arith.addf %add3A_153, %mul3A_158 : vector<16xf32>
        %broadcast_in_dim3A_160 = arith.constant 19 : i32
        %broadcast_in_dim3A_161 = vector.broadcast %broadcast_in_dim3A_160 : i32 to vector<16xi32>
        %gather3A_162 = tpu.vector_load_idx %arg9[%add3A_45, %broadcast_in_dim3A_161] : memref<256x32xf32, #tpu.memory_space<vmem>>[vector<16xi32>, vector<16xi32>], vector<16xf32>,
        %gather3A_163 = tpu.vector_load_idx %arg10[%add3A_45, %broadcast_in_dim3A_161] : memref<256x32xf32, #tpu.memory_space<vmem>>[vector<16xi32>, vector<16xi32>], vector<16xf32>,
        %mul3A_164 = arith.mulf %gather3A_162, %gather3A_163 : vector<16xf32>
        %add3A_165 = arith.addf %add3A_159, %mul3A_164 : vector<16xf32>
        %broadcast_in_dim3A_166 = arith.constant 20 : i32
        %broadcast_in_dim3A_167 = vector.broadcast %broadcast_in_dim3A_166 : i32 to vector<16xi32>
        %gather3A_168 = tpu.vector_load_idx %arg9[%add3A_45, %broadcast_in_dim3A_167] : memref<256x32xf32, #tpu.memory_space<vmem>>[vector<16xi32>, vector<16xi32>], vector<16xf32>,
        %gather3A_169 = tpu.vector_load_idx %arg10[%add3A_45, %broadcast_in_dim3A_167] : memref<256x32xf32, #tpu.memory_space<vmem>>[vector<16xi32>, vector<16xi32>], vector<16xf32>,
        %mul3A_170 = arith.mulf %gather3A_168, %gather3A_169 : vector<16xf32>
        %add3A_171 = arith.addf %add3A_165, %mul3A_170 : vector<16xf32>
        %broadcast_in_dim3A_172 = arith.constant 21 : i32
        %broadcast_in_dim3A_173 = vector.broadcast %broadcast_in_dim3A_172 : i32 to vector<16xi32>
        %gather3A_174 = tpu.vector_load_idx %arg9[%add3A_45, %broadcast_in_dim3A_173] : memref<256x32xf32, #tpu.memory_space<vmem>>[vector<16xi32>, vector<16xi32>], vector<16xf32>,
        %gather3A_175 = tpu.vector_load_idx %arg10[%add3A_45, %broadcast_in_dim3A_173] : memref<256x32xf32, #tpu.memory_space<vmem>>[vector<16xi32>, vector<16xi32>], vector<16xf32>,
        %mul3A_176 = arith.mulf %gather3A_174, %gather3A_175 : vector<16xf32>
        %add3A_177 = arith.addf %add3A_171, %mul3A_176 : vector<16xf32>
        %broadcast_in_dim3A_178 = arith.constant 22 : i32
        %broadcast_in_dim3A_179 = vector.broadcast %broadcast_in_dim3A_178 : i32 to vector<16xi32>
        %gather3A_180 = tpu.vector_load_idx %arg9[%add3A_45, %broadcast_in_dim3A_179] : memref<256x32xf32, #tpu.memory_space<vmem>>[vector<16xi32>, vector<16xi32>], vector<16xf32>,
        %gather3A_181 = tpu.vector_load_idx %arg10[%add3A_45, %broadcast_in_dim3A_179] : memref<256x32xf32, #tpu.memory_space<vmem>>[vector<16xi32>, vector<16xi32>], vector<16xf32>,
        %mul3A_182 = arith.mulf %gather3A_180, %gather3A_181 : vector<16xf32>
        %add3A_183 = arith.addf %add3A_177, %mul3A_182 : vector<16xf32>
        %broadcast_in_dim3A_184 = arith.constant 23 : i32
        %broadcast_in_dim3A_185 = vector.broadcast %broadcast_in_dim3A_184 : i32 to vector<16xi32>
        %gather3A_186 = tpu.vector_load_idx %arg9[%add3A_45, %broadcast_in_dim3A_185] : memref<256x32xf32, #tpu.memory_space<vmem>>[vector<16xi32>, vector<16xi32>], vector<16xf32>,
        %gather3A_187 = tpu.vector_load_idx %arg10[%add3A_45, %broadcast_in_dim3A_185] : memref<256x32xf32, #tpu.memory_space<vmem>>[vector<16xi32>, vector<16xi32>], vector<16xf32>,
        %mul3A_188 = arith.mulf %gather3A_186, %gather3A_187 : vector<16xf32>
        %add3A_189 = arith.addf %add3A_183, %mul3A_188 : vector<16xf32>
        %broadcast_in_dim3A_190 = arith.constant 24 : i32
        %broadcast_in_dim3A_191 = vector.broadcast %broadcast_in_dim3A_190 : i32 to vector<16xi32>
        %gather3A_192 = tpu.vector_load_idx %arg9[%add3A_45, %broadcast_in_dim3A_191] : memref<256x32xf32, #tpu.memory_space<vmem>>[vector<16xi32>, vector<16xi32>], vector<16xf32>,
        %gather3A_193 = tpu.vector_load_idx %arg10[%add3A_45, %broadcast_in_dim3A_191] : memref<256x32xf32, #tpu.memory_space<vmem>>[vector<16xi32>, vector<16xi32>], vector<16xf32>,
        %mul3A_194 = arith.mulf %gather3A_192, %gather3A_193 : vector<16xf32>
        %add3A_195 = arith.addf %add3A_189, %mul3A_194 : vector<16xf32>
        %broadcast_in_dim3A_196 = arith.constant 25 : i32
        %broadcast_in_dim3A_197 = vector.broadcast %broadcast_in_dim3A_196 : i32 to vector<16xi32>
        %gather3A_198 = tpu.vector_load_idx %arg9[%add3A_45, %broadcast_in_dim3A_197] : memref<256x32xf32, #tpu.memory_space<vmem>>[vector<16xi32>, vector<16xi32>], vector<16xf32>,
        %gather3A_199 = tpu.vector_load_idx %arg10[%add3A_45, %broadcast_in_dim3A_197] : memref<256x32xf32, #tpu.memory_space<vmem>>[vector<16xi32>, vector<16xi32>], vector<16xf32>,
        %mul3A_200 = arith.mulf %gather3A_198, %gather3A_199 : vector<16xf32>
        %add3A_201 = arith.addf %add3A_195, %mul3A_200 : vector<16xf32>
        %broadcast_in_dim3A_202 = arith.constant 26 : i32
        %broadcast_in_dim3A_203 = vector.broadcast %broadcast_in_dim3A_202 : i32 to vector<16xi32>
        %gather3A_204 = tpu.vector_load_idx %arg9[%add3A_45, %broadcast_in_dim3A_203] : memref<256x32xf32, #tpu.memory_space<vmem>>[vector<16xi32>, vector<16xi32>], vector<16xf32>,
        %gather3A_205 = tpu.vector_load_idx %arg10[%add3A_45, %broadcast_in_dim3A_203] : memref<256x32xf32, #tpu.memory_space<vmem>>[vector<16xi32>, vector<16xi32>], vector<16xf32>,
        %mul3A_206 = arith.mulf %gather3A_204, %gather3A_205 : vector<16xf32>
        %add3A_207 = arith.addf %add3A_201, %mul3A_206 : vector<16xf32>
        %broadcast_in_dim3A_208 = arith.constant 27 : i32
        %broadcast_in_dim3A_209 = vector.broadcast %broadcast_in_dim3A_208 : i32 to vector<16xi32>
        %gather3A_210 = tpu.vector_load_idx %arg9[%add3A_45, %broadcast_in_dim3A_209] : memref<256x32xf32, #tpu.memory_space<vmem>>[vector<16xi32>, vector<16xi32>], vector<16xf32>,
        %gather3A_211 = tpu.vector_load_idx %arg10[%add3A_45, %broadcast_in_dim3A_209] : memref<256x32xf32, #tpu.memory_space<vmem>>[vector<16xi32>, vector<16xi32>], vector<16xf32>,
        %mul3A_212 = arith.mulf %gather3A_210, %gather3A_211 : vector<16xf32>
        %add3A_213 = arith.addf %add3A_207, %mul3A_212 : vector<16xf32>
        %broadcast_in_dim3A_214 = arith.constant 28 : i32
        %broadcast_in_dim3A_215 = vector.broadcast %broadcast_in_dim3A_214 : i32 to vector<16xi32>
        %gather3A_216 = tpu.vector_load_idx %arg9[%add3A_45, %broadcast_in_dim3A_215] : memref<256x32xf32, #tpu.memory_space<vmem>>[vector<16xi32>, vector<16xi32>], vector<16xf32>,
        %gather3A_217 = tpu.vector_load_idx %arg10[%add3A_45, %broadcast_in_dim3A_215] : memref<256x32xf32, #tpu.memory_space<vmem>>[vector<16xi32>, vector<16xi32>], vector<16xf32>,
        %mul3A_218 = arith.mulf %gather3A_216, %gather3A_217 : vector<16xf32>
        %add3A_219 = arith.addf %add3A_213, %mul3A_218 : vector<16xf32>
        %broadcast_in_dim3A_220 = arith.constant 29 : i32
        %broadcast_in_dim3A_221 = vector.broadcast %broadcast_in_dim3A_220 : i32 to vector<16xi32>
        %gather3A_222 = tpu.vector_load_idx %arg9[%add3A_45, %broadcast_in_dim3A_221] : memref<256x32xf32, #tpu.memory_space<vmem>>[vector<16xi32>, vector<16xi32>], vector<16xf32>,
        %gather3A_223 = tpu.vector_load_idx %arg10[%add3A_45, %broadcast_in_dim3A_221] : memref<256x32xf32, #tpu.memory_space<vmem>>[vector<16xi32>, vector<16xi32>], vector<16xf32>,
        %mul3A_224 = arith.mulf %gather3A_222, %gather3A_223 : vector<16xf32>
        %add3A_225 = arith.addf %add3A_219, %mul3A_224 : vector<16xf32>
        %broadcast_in_dim3A_226 = arith.constant 30 : i32
        %broadcast_in_dim3A_227 = vector.broadcast %broadcast_in_dim3A_226 : i32 to vector<16xi32>
        %gather3A_228 = tpu.vector_load_idx %arg9[%add3A_45, %broadcast_in_dim3A_227] : memref<256x32xf32, #tpu.memory_space<vmem>>[vector<16xi32>, vector<16xi32>], vector<16xf32>,
        %gather3A_229 = tpu.vector_load_idx %arg10[%add3A_45, %broadcast_in_dim3A_227] : memref<256x32xf32, #tpu.memory_space<vmem>>[vector<16xi32>, vector<16xi32>], vector<16xf32>,
        %mul3A_230 = arith.mulf %gather3A_228, %gather3A_229 : vector<16xf32>
        %add3A_231 = arith.addf %add3A_225, %mul3A_230 : vector<16xf32>
        %broadcast_in_dim3A_232 = arith.constant 31 : i32
        %broadcast_in_dim3A_233 = vector.broadcast %broadcast_in_dim3A_232 : i32 to vector<16xi32>
        %gather3A_234 = tpu.vector_load_idx %arg9[%add3A_45, %broadcast_in_dim3A_233] : memref<256x32xf32, #tpu.memory_space<vmem>>[vector<16xi32>, vector<16xi32>], vector<16xf32>,
        %gather3A_235 = tpu.vector_load_idx %arg10[%add3A_45, %broadcast_in_dim3A_233] : memref<256x32xf32, #tpu.memory_space<vmem>>[vector<16xi32>, vector<16xi32>], vector<16xf32>,
        %mul3A_236 = arith.mulf %gather3A_234, %gather3A_235 : vector<16xf32>
        %add3A_237 = arith.addf %add3A_231, %mul3A_236 : vector<16xf32>
        %mul3A_238 = arith.constant 16 : i32
        %mul3A_239 = arith.muli %scan3A_41, %mul3A_238 : i32
        %add3A_240 = arith.addi %multiple_of3A_10, %mul3A_239 : i32
        %multiple_of3A_241 = tpu.assume_multiple %add3A_240, 16 : i32
        %swap3A = arith.index_cast %multiple_of3A_241 : i32 to index
        %swap3A_242 = tpu.vector_load %arg11[%swap3A] {strides = array<i32>} : memref<512xf32, #tpu.memory_space<vmem>>, vector<16xf32>,
        tpu.vector_store %arg11[%swap3A], %add3A_237 {strides = array<i32>} : memref<512xf32, #tpu.memory_space<vmem>>, vector<16xf32>,
      }
      %scan3A_40 = arith.constant 16 : i32
    }
    %scan3A_6 = arith.constant 2 : i32
    "tpu.region"() ({
      %run_scoped3A = tpu.sem_alloc : memref<!tpu.dma_semaphore, #tpu.memory_space<semaphore_mem>>
      %dma_start3A = tpu.memref_slice %arg6[%multiple_of3A] : memref<16384xf32, #tpu.memory_space<hbm>> -> memref<512xf32, #tpu.memory_space<hbm>>
      %dma_start3A_7 = tpu.memref_slice %arg6[%multiple_of3A] : memref<16384xf32, #tpu.memory_space<hbm>> -> memref<512xf32, #tpu.memory_space<hbm>>
      tpu.enqueue_dma source(%arg11 : memref<512xf32, #tpu.memory_space<vmem>>) target(%dma_start3A_7 : memref<512xf32, #tpu.memory_space<hbm>>) target_semaphore(%run_scoped3A : memref<!tpu.dma_semaphore, #tpu.memory_space<semaphore_mem>>)
      %dma_wait3A = tpu.memref_slice %arg6[%multiple_of3A] : memref<16384xf32, #tpu.memory_space<hbm>> -> memref<512xf32, #tpu.memory_space<hbm>>
      %dma_wait3A_8 = tpu.memref_slice %arg6[%multiple_of3A] : memref<16384xf32, #tpu.memory_space<hbm>> -> memref<512xf32, #tpu.memory_space<hbm>>
      tpu.wait_dma2 semaphore(%run_scoped3A : memref<!tpu.dma_semaphore, #tpu.memory_space<semaphore_mem>>) src(%arg11 : memref<512xf32, #tpu.memory_space<vmem>>) dst(%dma_wait3A_8 : memref<512xf32, #tpu.memory_space<hbm>>)
      tpu.yield
    }) : () -> ()
    return
  }
}

</mosaic_0001>

<sc_bundles>
// kernel: _run.3.cloned.1.call-start
scs
__scs_entry_jumppad:
0x0: {  	(pc) =	sbr.rel $0x88, $3  }
0x1: {  	(tag) =	ssettag $0x0;
	lr =	simm.s32 $0x1  }
0x2: {  	[smem:$0x3F9D] =	sst lr;
	_ =	strace $0xD0000000  }
0x3: {  	_ = 	snop  }
0x4: {  	_ = 	snop  }
0x5: {  	_ = 	snop  }
0x6: {  	_ = 	snop  }
0x7: {  	_ = 	snop  }
__scs_overlays_trampoline_lowered:
0x8: {  	[smem:$0x3FAC] =	sst s0  }
0x9: {  	[smem:$0x3FAD] =	sst s1  }
0xa: {  	[smem:$0x3FAE] =	sst s2  }
0xb: {  	[smem:$0x3FAF] =	sst s3  }
0xc: {  	[smem:$0x3FB0] =	sst s4  }
0xd: {  	[smem:$0x3FB1] =	sst s5  }
0xe: {  	[smem:$0x3FB2] =	sst s6  }
0xf: {  	[smem:$0x3FB3] =	sst s7  }
0x10: {  	[smem:$0x3FB4] =	sst s8  }
0x11: {  	[smem:$0x3FB5] =	sst s9;
	s0 =	simm.s32 @!p0 $0x0  }
0x12: {  	s1 =	sld [smem:$0x3F9B];
	s0 =	simm.s32 @p0 $0x1  }
0x13: {  	[smem:$0x3FB6] =	sst s0;
	s0 =	simm.s32 @!p1 $0x0  }
0x14: {  	s2 =	sld [smem:$0x3F9A];
	s0 =	simm.s32 @p1 $0x1  }
0x15: {  	[smem:$0x3FB7] =	sst s0;
	s0 =	simm.s32 @!p2 $0x0  }
0x16: {  	s3 =	sld [smem:$0x3FDB];
	s0 =	simm.s32 @p2 $0x1  }
0x17: {  	s4 =	simm.s32 $0x1BF5;
	[smem:$0x3FB9] =	sst s0  }
0x18: {  	s0 =	sld [smem:$0x3F9C];
	_ =	swait.ge [sflag:s4], $0x0  }
0x19: {  	s7 =	sld [smem:$0x3F9D]  }
0x1a: {  	s8 =	sadd.s32 $0xFFFFE003, lr  }
0x1b: {  	s9 =	sadd.s32 $0xFFFFFEF7, lr;
	s5 =	simm.s32 $0xFFFFFFFF;
	p2 =	slt.u32 s8, $0xFFFFF086  }
0x1c: {  	p1 =	slt.u32 s9, $0xF7A;
	s5 =	simm.s32 @!p2 $0x0  }
0x1d: {  	s5 =	simm.s32 @p1 $0x1;
	p0 =	seq.s32 s7, s2  }
0x1e: {  	s7 =	smul.u32 @!p0 $0xF7A, s2;
	p2 =	seq.s32 @!p0 s5, $0x0  }
0x1f: {  	s9 =	smul.u32 $0xF7A, s1;
	s8 =	simm.s32 @!p0 $0x1BF5;
	p2 =	por !p2, p0  }
0x20: {  	[sflag:s8] =	ssyncset.s32 @!p0 $0xFFFFF086;
	s6 =	sadd.s32 @!p0 s3, s7;
	s7 =	simm.s32 @!p0 $0x108  }
0x21: {  	s3 =	sadd.s32 s3, s9;
	s6 =	sadd.s32 @!p0 $0x88, s6;
	s7 =	simm.s32 @p2 $0x1082  }
0x22: {  	[simem:s7], [sflag:s8] =	dma.local @!p0 [hbm:s6], $0xF7A  }
0x23: {  	s9 =	sor.u32 $0xD0000000, s2;
	s6 =	simm.s32 $0x108;
	_ =	swait.ge @!p0 [sflag:s8], $0x0  }
0x24: {  	s3 =	sadd.s32 $0x88, s3;
	s6 =	simm.s32 @!p1 $0x1082;
	[sflag:s4] =	ssyncset.s32 $0xFFFFF086  }
0x25: {  	[simem:s6], [sflag:s4] =	dma.local [hbm:s3], $0xF7A  }
0x26: {  	[smem:$0x3F9D] =	sst s1;
	(tag) =	ssettag s2;
	_ =	strace s9  }
0x27: {  	s1 =	sld [smem:$0x3FAD]  }
0x28: {  	s2 =	sld [smem:$0x3FAE]  }
0x29: {  	s4 =	sld [smem:$0x3FB0]  }
0x2a: {  	p0 =	seq.s32 s5, $0x0;
	s5 =	sld [smem:$0x3FB1]  }
0x2b: {  	s6 =	sld [smem:$0x3FB2]  }
0x2c: {  	s7 =	sld [smem:$0x3FB3]  }
0x2d: {  	s3 =	simm.s32 $0x108;
	s8 =	sld [smem:$0x3FB4]  }
0x2e: {  	s3 =	simm.s32 @!p0 $0x1082;
	s9 =	sld [smem:$0x3FB5]  }
0x2f: {  	lr =	sadd.s32 s0, s3;
	s0 =	sld [smem:$0x3FAC]  }
0x30: {  	s3 =	sld [smem:$0x3FAF]  }
0x31: {  	[smem:$0x3FB8] =	sst s10  }
0x32: {  	s10 =	sld [smem:$0x3FB6];
	_ =	sdelay $0x3  }
0x33: {  	p0 =	seq.s32 s10, $0x1;
	s10 =	sld [smem:$0x3FB8];
	_ =	sdelay $0x3  }
0x34: {  	[smem:$0x3FB8] =	sst s10  }
0x35: {  	s10 =	sld [smem:$0x3FB7];
	_ =	sdelay $0x3  }
0x36: {  	p1 =	seq.s32 s10, $0x1;
	s10 =	sld [smem:$0x3FB8];
	_ =	sdelay $0x3  }
0x37: {  	[smem:$0x3FB8] =	sst s10  }
0x38: {  	s10 =	sld [smem:$0x3FB9]  }
0x39: {  	_ = 	snop;
	(pc) =	sbr.ind lr, $3  }
0x3a: {  	_ = 	snop  }
0x3b: {  	_ = 	snop  }
0x3c: {  	p2 =	seq.s32 s10, $0x1;
	s10 =	sld [smem:$0x3FB8]  }
0x3d: {  	_ =	shalt  }
0x3e: {  	_ =	shalt  }
0x3f: {  	_ =	shalt  }
0x40: {  	_ =	shalt  }
0x41: {  	_ =	shalt  }
0x42: {  	_ =	shalt  }
0x43: {  	_ =	shalt  }
0x44: {  	_ =	shalt  }
0x45: {  	_ =	shalt  }
0x46: {  	_ =	shalt  }
0x47: {  	_ =	shalt  }
0x48: {  	_ =	shalt  }
0x49: {  	_ =	shalt  }
0x4a: {  	_ =	shalt  }
0x4b: {  	_ =	shalt  }
0x4c: {  	_ =	shalt  }
0x4d: {  	_ =	shalt  }
0x4e: {  	_ =	shalt  }
0x4f: {  	_ =	shalt  }
0x50: {  	_ =	shalt  }
0x51: {  	_ =	shalt  }
0x52: {  	_ =	shalt  }
0x53: {  	_ =	shalt  }
0x54: {  	_ =	shalt  }
0x55: {  	_ =	shalt  }
0x56: {  	_ =	shalt  }
0x57: {  	_ =	shalt  }
0x58: {  	_ =	shalt  }
0x59: {  	_ =	shalt  }
0x5a: {  	_ =	shalt  }
0x5b: {  	_ =	shalt  }
0x5c: {  	_ =	shalt  }
0x5d: {  	_ =	shalt  }
0x5e: {  	_ =	shalt  }
0x5f: {  	_ =	shalt  }
0x60: {  	_ =	shalt  }
0x61: {  	_ =	shalt  }
0x62: {  	_ =	shalt  }
0x63: {  	_ =	shalt  }
0x64: {  	_ =	shalt  }
0x65: {  	_ =	shalt  }
0x66: {  	_ =	shalt  }
0x67: {  	_ =	shalt  }
0x68: {  	_ =	shalt  }
0x69: {  	_ =	shalt  }
0x6a: {  	_ =	shalt  }
0x6b: {  	_ =	shalt  }
0x6c: {  	_ =	shalt  }
0x6d: {  	_ =	shalt  }
0x6e: {  	_ =	shalt  }
0x6f: {  	_ =	shalt  }
0x70: {  	_ =	shalt  }
0x71: {  	_ =	shalt  }
0x72: {  	_ =	shalt  }
0x73: {  	_ =	shalt  }
0x74: {  	_ =	shalt  }
0x75: {  	_ =	shalt  }
0x76: {  	_ =	shalt  }
0x77: {  	_ =	shalt  }
0x78: {  	_ =	shalt  }
0x79: {  	_ =	shalt  }
0x7a: {  	_ =	shalt  }
0x7b: {  	_ =	shalt  }
0x7c: {  	_ =	shalt  }
0x7d: {  	_ =	shalt  }
0x7e: {  	_ =	shalt  }
0x7f: {  	_ =	shalt  }
0x80: {  	_ =	shalt  }
0x81: {  	_ =	shalt  }
0x82: {  	_ =	shalt  }
0x83: {  	_ =	shalt  }
0x84: {  	_ =	shalt  }
0x85: {  	_ =	shalt  }
0x86: {  	_ =	shalt  }
0x87: {  	_ =	shalt  }
.Lfunc_end0:
.L_simem_size_0:
called_computation_lowered:
.L_overlay_start_0:
0x88: {  	s2 =	sld [smem:$0x3FD9]  }
0x89: {  	s3 =	sld [smem:$0x3FFE];
	_ =	sdelay $0x1  }
0x8a: {  	s1 =	srdreg.scid  }
0x8b: {  	s0 =	sand.u32 $0x1, s1  }
0x8c: {  	s17 =	sshll.u32 s0, $0xA;
	s2 =	sadd.s32 s3, s2  }
0x8d: {  	s2 =	sadd.s32 s2, s17  }
0x8e: {  	[smem:$0x3FC4] =	sst s2  }
0x8f: {  	_ = 	snop  }
0x90: {  	s2 =	sld [smem:$0x3FC9]  }
0x91: {  	s18 =	sld [smem:$0x3FC8]  }
0x92: {  	s4 =	sld [smem:$0x3FD0];
	(tm) =	ssettm $0x1  }
0x93: {  	s5 =	sld [smem:$0x3FFB];
	_ =	sdelay $0x3  }
0x94: {  	_ =	strace s5  }
0x95: {  	s5 =	sld [smem:$0x3FFC];
	_ =	sdelay $0x3  }
0x96: {  	_ =	strace s5  }
0x97: {  	s5 =	sld [smem:$0x3FFD];
	_ =	sdelay $0x3  }
0x98: {  	_ =	strace s5  }
0x99: {  	_ =	strace $0x8FFFFFFF  }
0x9a: {  	s19 =	sld [smem:$0x3FDB];
	_ =	sdelay $0x1  }
0x9b: {  	s6 =	simm.s32 $_scs_section_size  }
0x9c: {  	s7 =	simm.s32 $_size__tile_overlayer_lowered;
	s8 =	simm.s32 $_tile_overlayer_lowered  }
0x9d: {  	s22 =	simm.s32 $0x1BFF;
	s21 =	sshll.u32 s8, $0x1;
	s5 =	sadd.s32 s6, s19  }
0x9e: {  	s9 =	simm.s32 $0x0;
	s20 =	sshll.u32 s7, $0x1;
	s7 =	sadd.s32 s21, s5  }
0x9f: {  	[timem:s9], [sflag:s22] =	dma.local [hbm:s7], s20  }
0xa0: {  	_ =	swait.ge [sflag:s22], s20  }
0xa1: {  	s6 =	ssub.s32 $0x0, s20;
	[sflag:s22] =	ssyncset.done $0x0  }
0xa2: {  	[sflag:s22] =	ssyncadd.s32 s6;
	_ =	sdelay $0x1  }
0xa3: {  	s23 =	simm.s32 $0x1B8B  }
0xa4: {  	_ =	swait.ge [sflag:s23], $0x1  }
0xa5: {  	[sflag:s23] =	ssyncset.done $0x0  }
0xa6: {  	s25 =	simm.s32 $0x1B8E;
	s24 =	sld [smem:$0x3FFE];
	[sflag:s23] =	ssyncadd.s32 $0xFFFFFFFF  }
0xa7: {  	s26 =	simm.s32 $execute0_lowered;
	[smem:$0x3FD2] =	sst s25  }
0xa8: {  	s7 =	sshll.u32 s26, $0x1;
	_ =	strace $0x80000046;
	[dreg:$0x1] =	wrdreg $0xFFFFFFFF  }
0xa9: {  	s28 =	simm.s32 $_size_execute0_lowered;
	s5 =	sadd.s32 s5, s7;
	[dreg:$0x0] =	wrdreg $0x0  }
0xaa: {  	s7 =	sshll.u32 s28, $0x1;
	[dreg:$0x2] =	wrdreg s5  }
0xab: {  	[dreg:$0x3] =	wrdreg s7  }
0xac: {  	[dreg:$0x4] =	wrdreg $0xC0  }
0xad: {  	_ =	task [dreg:s9], $0x5FFFF  }
0xae: {  	[dreg:$0x1] =	wrdreg $0xFFFFFFFF  }
0xaf: {  	[dreg:$0x0] =	wrdreg $0x60  }
0xb0: {  	[dreg:$0x2] =	wrdreg s2  }
0xb1: {  	[dreg:$0x3] =	wrdreg s18  }
0xb2: {  	[dreg:$0x4] =	wrdreg s24  }
0xb3: {  	[dreg:$0x5] =	wrdreg s4  }
0xb4: {  	[dreg:$0x6] =	wrdreg $0x9  }
0xb5: {  	_ =	task.clear_ibuf [dreg:s9], $0x7FFFF;
	_ =	strace $0x90000046  }
0xb6: {  	s29 =	simm.s32 $0x9;
	_ =	strace $0x80000048  }
0xb7: {  	_ =	swait.ge [sflag:s29], $0x1  }
0xb8: {  	[sflag:s29] =	ssyncadd.s32 $0xFFFFFFFF  }
0xb9: {  	_ =	strace $0x90000048  }
0xba: {  	_ =	sfence  }
0xbb: {  	s30 =	sld [smem:$0x0];
	_ =	sdelay $0x2  }
0xbc: {  	s31 =	sshll.u32 s1, $0xD;
	s1 =	sshrl.u32 s1, $0x2  }
0xbd: {  	s3 =	sand.u32 $0x4000, s31;
	s1 =	sadd.s32 s1, s30  }
0xbe: {  	s0 =	sor.u32 s3, s0;
	s1 =	sshll.u32 s1, $0x11  }
0xbf: {  	s0 =	sor.u32 s1, s0  }
0xc0: {  	s0 =	sadd.s32 $0x8F2B, s0  }
0xc1: {  	[sflag:s0] =	ssyncadd.remote.s32 $0x1  }
0xc2: {  	_ =	sfence.sel $0xFFFF  }
0xc3: {  	[dreg:$0x0] =	wrdreg $0xFFFFFFFF;
	(pc) =	sbr.abs _section_cstart, $3  }
0xc4: {  	[dreg:$0x1] =	wrdreg $0xFFFFFFFF  }
0xc5: {  	_ =	task.clear_ibuf [dreg:s9], $0x2FFFF;
	_ =	strace $0x9FFFFFFF  }
0xc6: {  	(tm) =	ssettm $0x7FFFFFFF  }
0xc7: {  	_ =	shalt  }
tec
execute0_lowered:
.L_overlay_start_1:
0x0: {  	(tag) =	ssettag $0x1  }
0x1: {  	s0 =	rddreg [dreg:$0x0]  }
0x2: {  	s2 =	rddreg [dreg:$0x1]  }
0x3: {  	s4 =	rddreg [dreg:$0x2]  }
0x4: {  	s5 =	rddreg [dreg:$0x3];
	s3 =	srdreg.scid  }
0x5: {  	s14 =	simm.s32 $0x0;
	s1 =	stileid.u32;
	s6 =	sand.u32 $0x1, s3  }
0x6: {  	s9 =	sshll.u32 s1, $0x7;
	s7 =	ssub.s32 $0x2, s6;
	s6 =	sshll.u32 s6, $0x6  }
0x7: {  	[smem:$0x7FF] =	sst s14;
	s6 =	sor.u32 s6, s9  }
0x8: {  	s3 =	sadd.s32 $0x400, s4;
	_ =	strace $0x80000047;
	s0 =	sadd.s32 s0, s6  }
0x9: {  	s8 =	sshrl.u32 s7, $0x1;
	s29 =	sadd.s32 s2, s6;
	[smem:$0x7FA] =	sst s0  }
0xa: {  	v0 =	vlaneseq.u32;
	s7 =	ssub.s32 s7, s8;
	s30 =	sadd.s32 s5, s6;
	[smem:$0x7FB] =	sst s29  }
0xb: {  	s4 =	sadd.s32 $0xF42800, s4;
	v0 =	vmul.u32 $0x80, v0;
	[smem:$0x7FC] =	sst s30;
	s31 =	smax.u32 s7, $0x1  }
0xc: {  	s1 =	simm.s32 $0x3;
	s2 =	simm.s32 $0x0;
	[smem:$0x7FD] =	sst s31  }
.LBB2_1:
0xd: {  	s0 =	sld [smem:$0x7FA];
	_ =	sdelay $0x1  }
0xe: {  	[smem:$0x7F9] =	sst s2  }
0xf: {  	[tilespmem:s14], [sflag:$0x3] =	stream.linear.gather [hbm4b:s0+s14], $0x200, $0x38;
	[tilespmem:$0x10600] =	vst v63  }
0x10: {  	_ =	swait.ge [sflag:s1], $0x200  }
0x11: {  	s30 =	sld [smem:$0x7FB]  }
0x12: {  	[sflag:s1] =	ssyncset.done $0x0  }
0x13: {  	s31 =	simm.s32 $0x200;
	[sflag:s1] =	ssyncadd.s32 $0xFFFFFE00  }
0x14: {  	[tilespmem:s31], [sflag:$0x3] =	stream.linear.gather [hbm4b:s30+s14], $0x200, $0x38;
	[tilespmem:$0x10600] =	vst v63  }
0x15: {  	_ =	swait.ge [sflag:s1], $0x200  }
0x16: {  	[sflag:s1] =	ssyncset.done $0x0  }
0x17: {  	p1 =	por $0x1, $0x1;
	s0 =	simm.s32 $0x0;
	[sflag:s1] =	ssyncadd.s32 $0xFFFFFE00  }
.LBB2_2:
0x18: {  	s8 =	sshll.u32 s0, $0x2  }
0x19: {  	[smem:$0x7F8] =	sst s0;
	s0 =	sshra.s32 s8, $0x2  }
0x1a: {  	s10 =	sadd.s32 $0x20, s0  }
0x1b: {  	v1 =	vld [tilespmem:s10+$0xFFFFFFE0]  }
0x1c: {  	s11 =	sadd.s32 $0x220, s0  }
0x1d: {  	v3 =	vld [tilespmem:s11+$0xFFFFFFE0];
	_ =	sdelay $0x2  }
0x1e: {  	v2 =	vshll.u32 v1, $0x4  }
0x1f: {  	(v2sf) =	vpush v2, $0x0  }
0x20: {  	v1 =	vshll.u32 v3, $0x4  }
0x21: {  	(v2sf) =	vpush v1, $0x0  }
0x22: {  	(v2sf) =	vpush v2, $0x1;
	_ =	sdelay $0x1  }
0x23: {  	(v2sf) =	vpush v1, $0x1;
	_ =	sdelay $0x1  }
0x24: {  	(v2sf) =	vpush v2, $0x2;
	_ =	sdelay $0x1  }
0x25: {  	(v2sf) =	vpush v1, $0x2;
	_ =	sdelay $0x1  }
0x26: {  	(v2sf) =	vpush v2, $0x3;
	_ =	sdelay $0x2  }
0x27: {  	s2 =	simm.s32 $0x400;
	s12 =	simm.s32 $0x8400;
	s16 =	simm.s32 $0x480  }
0x28: {  	s19 =	simm.s32 $0x8480;
	s21 =	simm.s32 $0x500;
	s9 =	spop (v2sf);
	(v2sf) =	vpush v1, $0x3  }
0x29: {  	s24 =	simm.s32 $0x8500;
	s26 =	simm.s32 $0x580;
	s30 =	simm.s32 $0x8580  }
0x2a: {  	s0 =	sand.u32 $0x1FFFFFF0, s9;
	s5 =	spop (v2sf);
	(v2sf) =	vpush v2, $0x4;
	s9 =	simm.s32 $0x8600  }
0x2b: {  	s0 =	sadd.s32 s3, s0;
	s5 =	sand.u32 $0x1FFFFFF0, s5;
	s6 =	spop (v2sf);
	(v2sf) =	vpush v1, $0x4  }
0x2c: {  	[tilespmem:s2], [sflag:$0x1] =	stream.linear.gather [hbm4b:s0+s14], $0x80, $0x38;
	[tilespmem:$0x10600] =	vst v63  }
0x2d: {  	s13 =	sadd.s32 s4, s5;
	s15 =	sand.u32 $0x1FFFFFF0, s6;
	(v2sf) =	vpush v2, $0x5;
	s18 =	spop (v2sf)  }
0x2e: {  	(v2sf) =	vpush v1, $0x5;
	[tilespmem:s12], [sflag:$0x2] =	stream.linear.gather [hbm4b:s13+s14], $0x80, $0x38;
	[tilespmem:$0x10600] =	vst v63  }
0x2f: {  	s17 =	sadd.s32 s3, s15;
	s2 =	sand.u32 $0x1FFFFFF0, s18;
	s20 =	spop (v2sf)  }
0x30: {  	(v2sf) =	vpush v2, $0x6;
	[tilespmem:s16], [sflag:$0x1] =	stream.linear.gather [hbm4b:s17+s14], $0x80, $0x38;
	[tilespmem:$0x10600] =	vst v63  }
0x31: {  	s2 =	sadd.s32 s4, s2;
	s6 =	sand.u32 $0x1FFFFFF0, s20;
	s7 =	spop (v2sf)  }
0x32: {  	[tilespmem:s19], [sflag:$0x2] =	stream.linear.gather [hbm4b:s2+s14], $0x80, $0x38;
	[tilespmem:$0x10600] =	vst v63  }
0x33: {  	s22 =	sadd.s32 s3, s6;
	s23 =	sand.u32 $0x1FFFFFF0, s7;
	s25 =	spop (v2sf)  }
0x34: {  	[tilespmem:s21], [sflag:$0x1] =	stream.linear.gather [hbm4b:s22+s14], $0x80, $0x38;
	[tilespmem:$0x10600] =	vst v63  }
0x35: {  	s0 =	simm.s32 $0x680;
	s6 =	sadd.s32 s4, s23;
	s5 =	sand.u32 $0x1FFFFFF0, s25  }
0x36: {  	[tilespmem:s24], [sflag:$0x2] =	stream.linear.gather [hbm4b:s6+s14], $0x80, $0x38;
	[tilespmem:$0x10600] =	vst v63  }
0x37: {  	s18 =	simm.s32 $0x8680;
	s5 =	sadd.s32 s3, s5;
	s28 =	spop (v2sf)  }
0x38: {  	(v2sf) =	vpush v1, $0x6;
	[tilespmem:s26], [sflag:$0x1] =	stream.linear.gather [hbm4b:s5+s14], $0x80, $0x38;
	[tilespmem:$0x10600] =	vst v63  }
0x39: {  	s7 =	simm.s32 $0x600;
	s6 =	sand.u32 $0x1FFFFFF0, s28;
	s29 =	spop (v2sf);
	(v2sf) =	vpush v2, $0x7  }
0x3a: {  	s21 =	simm.s32 $0x700;
	s31 =	sadd.s32 s4, s6;
	(v2sf) =	vpush v1, $0x7;
	s8 =	spop (v2sf)  }
0x3b: {  	[tilespmem:s30], [sflag:$0x2] =	stream.linear.gather [hbm4b:s31+s14], $0x80, $0x38;
	[tilespmem:$0x10600] =	vst v63  }
0x3c: {  	s24 =	simm.s32 $0x8700;
	s1 =	sand.u32 $0x1FFFFFF0, s29;
	s12 =	spop (v2sf)  }
0x3d: {  	s6 =	sadd.s32 s3, s1;
	s5 =	sand.u32 $0x1FFFFFF0, s8;
	(v2sf) =	vpush v2, $0x8;
	s13 =	spop (v2sf)  }
0x3e: {  	(v2sf) =	vpush v1, $0x8;
	[tilespmem:s7], [sflag:$0x1] =	stream.linear.gather [hbm4b:s6+s14], $0x80, $0x38;
	[tilespmem:$0x10600] =	vst v63  }
0x3f: {  	s5 =	sadd.s32 s4, s5;
	s6 =	sand.u32 $0x1FFFFFF0, s12;
	s17 =	spop (v2sf)  }
0x40: {  	(v2sf) =	vpush v2, $0x9;
	[tilespmem:s9], [sflag:$0x2] =	stream.linear.gather [hbm4b:s5+s14], $0x80, $0x38;
	[tilespmem:$0x10600] =	vst v63  }
0x41: {  	s28 =	simm.s32 $0x780;
	s16 =	sand.u32 $0x1FFFFFF0, s13;
	s15 =	sadd.s32 s3, s6  }
0x42: {  	(v2sf) =	vpush v1, $0x9;
	[tilespmem:s0], [sflag:$0x1] =	stream.linear.gather [hbm4b:s15+s14], $0x80, $0x38;
	[tilespmem:$0x10600] =	vst v63  }
0x43: {  	s31 =	simm.s32 $0x8780;
	s19 =	sadd.s32 s4, s16;
	s20 =	sand.u32 $0x1FFFFFF0, s17  }
0x44: {  	(v2sf) =	vpush v2, $0xA;
	[tilespmem:s18], [sflag:$0x2] =	stream.linear.gather [hbm4b:s19+s14], $0x80, $0x38;
	[tilespmem:$0x10600] =	vst v63  }
0x45: {  	s7 =	simm.s32 $0x800;
	s12 =	simm.s32 $0x8800;
	s22 =	sadd.s32 s3, s20  }
0x46: {  	[tilespmem:s21], [sflag:$0x1] =	stream.linear.gather [hbm4b:s22+s14], $0x80, $0x38;
	[tilespmem:$0x10600] =	vst v63  }
0x47: {  	s16 =	simm.s32 $0x880;
	s0 =	simm.s32 $0xB00;
	s23 =	spop (v2sf)  }
0x48: {  	s18 =	simm.s32 $0x8880;
	(v2sf) =	vpush v1, $0xA;
	s2 =	sand.u32 $0x1FFFFFF0, s23;
	s25 =	spop (v2sf)  }
0x49: {  	s2 =	sadd.s32 s4, s2;
	s6 =	sand.u32 $0x1FFFFFF0, s25;
	s26 =	spop (v2sf)  }
0x4a: {  	(v2sf) =	vpush v2, $0xB;
	[tilespmem:s24], [sflag:$0x2] =	stream.linear.gather [hbm4b:s2+s14], $0x80, $0x38;
	[tilespmem:$0x10600] =	vst v63  }
0x4b: {  	s21 =	simm.s32 $0x900;
	s29 =	sadd.s32 s3, s6;
	s30 =	sand.u32 $0x1FFFFFF0, s26  }
0x4c: {  	s1 =	spop (v2sf);
	(v2sf) =	vpush v1, $0xB;
	s24 =	simm.s32 $0x8900;
	s26 =	simm.s32 $0x980  }
0x4d: {  	s6 =	sadd.s32 s4, s30;
	s5 =	sand.u32 $0x1FFFFFF0, s1;
	s8 =	spop (v2sf)  }
0x4e: {  	(v2sf) =	vpush v2, $0xC;
	[tilespmem:s28], [sflag:$0x1] =	stream.linear.gather [hbm4b:s29+s14], $0x80, $0x38;
	[tilespmem:$0x10600] =	vst v63  }
0x4f: {  	s30 =	simm.s32 $0x8980;
	s5 =	sadd.s32 s3, s5;
	s9 =	spop (v2sf)  }
0x50: {  	(v2sf) =	vpush v1, $0xC;
	[tilespmem:s31], [sflag:$0x2] =	stream.linear.gather [hbm4b:s6+s14], $0x80, $0x38;
	[tilespmem:$0x10600] =	vst v63  }
0x51: {  	s15 =	sand.u32 $0x1FFFFFF0, s9;
	s17 =	spop (v2sf);
	s6 =	sand.u32 $0x1FFFFFF0, s8  }
0x52: {  	(v2sf) =	vpush v2, $0xD;
	[tilespmem:s7], [sflag:$0x1] =	stream.linear.gather [hbm4b:s5+s14], $0x80, $0x38;
	[tilespmem:$0x10600] =	vst v63  }
0x53: {  	s9 =	simm.s32 $0x8A00;
	s19 =	spop (v2sf);
	s13 =	sadd.s32 s4, s6  }
0x54: {  	(v2sf) =	vpush v1, $0xD;
	[tilespmem:s12], [sflag:$0x2] =	stream.linear.gather [hbm4b:s13+s14], $0x80, $0x38;
	[tilespmem:$0x10600] =	vst v63  }
0x55: {  	s6 =	sadd.s32 s3, s15;
	s5 =	sand.u32 $0x1FFFFFF0, s17;
	s7 =	simm.s32 $0xA00  }
0x56: {  	[tilespmem:s16], [sflag:$0x1] =	stream.linear.gather [hbm4b:s6+s14], $0x80, $0x38;
	[tilespmem:$0x10600] =	vst v63  }
0x57: {  	s5 =	sadd.s32 s4, s5;
	s6 =	sand.u32 $0x1FFFFFF0, s19;
	s20 =	spop (v2sf)  }
0x58: {  	[tilespmem:s18], [sflag:$0x2] =	stream.linear.gather [hbm4b:s5+s14], $0x80, $0x38;
	(v2sf) =	vpush v2, $0xE;
	[tilespmem:$0x10600] =	vst v63  }
0x59: {  	s22 =	sadd.s32 s3, s6;
	s23 =	sand.u32 $0x1FFFFFF0, s20;
	s25 =	spop (v2sf)  }
0x5a: {  	(v2sf) =	vpush v1, $0xE;
	[tilespmem:s21], [sflag:$0x1] =	stream.linear.gather [hbm4b:s22+s14], $0x80, $0x38;
	[tilespmem:$0x10600] =	vst v63  }
0x5b: {  	s6 =	sadd.s32 s4, s23;
	(v2sf) =	vpush v2, $0xF;
	s5 =	sand.u32 $0x1FFFFFF0, s25;
	s28 =	spop (v2sf)  }
0x5c: {  	[tilespmem:s24], [sflag:$0x2] =	stream.linear.gather [hbm4b:s6+s14], $0x80, $0x38;
	[tilespmem:$0x10600] =	vst v63  }
0x5d: {  	s5 =	sadd.s32 s3, s5;
	(v2sf) =	vpush v1, $0xF;
	s6 =	sand.u32 $0x1FFFFFF0, s28;
	s29 =	spop (v2sf)  }
0x5e: {  	[tilespmem:s26], [sflag:$0x1] =	stream.linear.gather [hbm4b:s5+s14], $0x80, $0x38;
	[tilespmem:$0x10600] =	vst v63  }
0x5f: {  	s31 =	sadd.s32 s4, s6;
	s1 =	sand.u32 $0x1FFFFFF0, s29;
	s8 =	spop (v2sf)  }
0x60: {  	[tilespmem:s30], [sflag:$0x2] =	stream.linear.gather [hbm4b:s31+s14], $0x80, $0x38;
	[tilespmem:$0x10600] =	vst v63  }
0x61: {  	s6 =	sadd.s32 s3, s1;
	s5 =	sand.u32 $0x1FFFFFF0, s8;
	s12 =	spop (v2sf)  }
0x62: {  	[tilespmem:s7], [sflag:$0x1] =	stream.linear.gather [hbm4b:s6+s14], $0x80, $0x38;
	[tilespmem:$0x10600] =	vst v63  }
0x63: {  	s5 =	sadd.s32 s4, s5;
	s13 =	spop (v2sf);
	s6 =	sand.u32 $0x1FFFFFF0, s12  }
0x64: {  	[tilespmem:s9], [sflag:$0x2] =	stream.linear.gather [hbm4b:s5+s14], $0x80, $0x38;
	[tilespmem:$0x10600] =	vst v63  }
0x65: {  	s15 =	simm.s32 $0xA80;
	s17 =	sand.u32 $0x1FFFFFF0, s13;
	s16 =	sadd.s32 s3, s6  }
0x66: {  	[tilespmem:s15], [sflag:$0x1] =	stream.linear.gather [hbm4b:s16+s14], $0x80, $0x38;
	[tilespmem:$0x10600] =	vst v63  }
0x67: {  	s18 =	simm.s32 $0x8A80;
	s6 =	sadd.s32 s4, s17;
	s19 =	spop (v2sf)  }
0x68: {  	[tilespmem:s18], [sflag:$0x2] =	stream.linear.gather [hbm4b:s6+s14], $0x80, $0x38;
	[tilespmem:$0x10600] =	vst v63  }
0x69: {  	s20 =	simm.s32 $0x8B00;
	s5 =	sand.u32 $0x1FFFFFF0, s19;
	s21 =	spop (v2sf)  }
0x6a: {  	s5 =	sadd.s32 s3, s5;
	s6 =	sand.u32 $0x1FFFFFF0, s21;
	s22 =	spop (v2sf)  }
0x6b: {  	[tilespmem:s0], [sflag:$0x1] =	stream.linear.gather [hbm4b:s5+s14], $0x80, $0x38;
	[tilespmem:$0x10600] =	vst v63  }
0x6c: {  	s23 =	sadd.s32 s4, s6;
	s24 =	sand.u32 $0x1FFFFFF0, s22;
	s25 =	spop (v2sf)  }
0x6d: {  	[tilespmem:s20], [sflag:$0x2] =	stream.linear.gather [hbm4b:s23+s14], $0x80, $0x38;
	[tilespmem:$0x10600] =	vst v63  }
0x6e: {  	s26 =	simm.s32 $0xB80;
	s28 =	sadd.s32 s3, s24;
	s29 =	sand.u32 $0x1FFFFFF0, s25  }
0x6f: {  	[tilespmem:s26], [sflag:$0x1] =	stream.linear.gather [hbm4b:s28+s14], $0x80, $0x38;
	[tilespmem:$0x10600] =	vst v63  }
0x70: {  	s30 =	simm.s32 $0x8B80;
	s31 =	sadd.s32 s4, s29  }
0x71: {  	[tilespmem:s30], [sflag:$0x2] =	stream.linear.gather [hbm4b:s31+s14], $0x80, $0x38;
	[tilespmem:$0x10600] =	vst v63  }
0x72: {  	p0 =	por p1, p1;
	s8 =	sadd.s32 $0x40, s10;
	s17 =	simm.s32 $0x0;
	v2 =	vld [tilespmem:s10+$0xFFFFFFF0]  }
0x73: {  	s9 =	sadd.s32 $0x40, s11;
	s0 =	simm.s32 $0x8000;
	s25 =	simm.s32 $0x0;
	v1 =	vld [tilespmem:s11+$0xFFFFFFF0]  }
.LBB2_3:
0x74: {  	[smem:$0x7D9] =	sst s11  }
0x75: {  	[dreg:$0x6] =	wrdreg s0  }
0x76: {  	[dreg:$0x5] =	wrdreg s17;
	s21 =	sadd.s32 $0x2380, s25  }
0x77: {  	s22 =	sadd.s32 $0xA380, s25;
	[dreg:$0x8] =	wrdreg s21  }
0x78: {  	s23 =	sadd.s32 $0xA280, s25;
	[dreg:$0x7] =	wrdreg s22  }
0x79: {  	s26 =	sadd.s32 $0x2300, s25;
	[dreg:$0xb] =	wrdreg s23  }
0x7a: {  	s28 =	sadd.s32 $0xA300, s25;
	[dreg:$0xa] =	wrdreg s26  }
0x7b: {  	s29 =	sadd.s32 $0x2200, s25;
	[dreg:$0x9] =	wrdreg s28  }
0x7c: {  	s30 =	sadd.s32 $0xA200, s25;
	[dreg:$0xe] =	wrdreg s29  }
0x7d: {  	s31 =	sadd.s32 $0x2280, s25;
	[dreg:$0xd] =	wrdreg s30  }
0x7e: {  	s1 =	sadd.s32 $0xA100, s25;
	[dreg:$0xc] =	wrdreg s31  }
0x7f: {  	s2 =	sadd.s32 $0x2180, s25;
	[dreg:$0x11] =	wrdreg s1  }
0x80: {  	s5 =	sadd.s32 $0xA180, s25;
	[dreg:$0x10] =	wrdreg s2  }
0x81: {  	s6 =	sadd.s32 $0x2080, s25;
	[dreg:$0xf] =	wrdreg s5  }
0x82: {  	s7 =	sadd.s32 $0xA080, s25;
	[dreg:$0x14] =	wrdreg s6  }
0x83: {  	s11 =	sadd.s32 $0x2100, s25;
	[dreg:$0x13] =	wrdreg s7  }
0x84: {  	s12 =	sadd.s32 $0x9F80, s25;
	[dreg:$0x12] =	wrdreg s11  }
0x85: {  	s13 =	sadd.s32 $0x2000, s25;
	[dreg:$0x17] =	wrdreg s12  }
0x86: {  	s15 =	sadd.s32 $0xA000, s25;
	[dreg:$0x16] =	wrdreg s13  }
0x87: {  	s16 =	sadd.s32 $0x1F00, s25;
	[dreg:$0x15] =	wrdreg s15  }
0x88: {  	s17 =	sadd.s32 $0x9F00, s25;
	[dreg:$0x1a] =	wrdreg s16  }
0x89: {  	s18 =	sadd.s32 $0x1F80, s25;
	[dreg:$0x19] =	wrdreg s17  }
0x8a: {  	s19 =	sadd.s32 $0x9E00, s25;
	[dreg:$0x18] =	wrdreg s18;
	v2 =	vshll.u32 v2, $0x4  }
0x8b: {  	s20 =	sadd.s32 $0x1E80, s25;
	[dreg:$0x1e] =	wrdreg s19;
	v1 =	vshll.u32 v1, $0x4;
	(v2sf) =	vpush v2, $0x0  }
0x8c: {  	[dreg:$0x1d] =	wrdreg s20;
	s21 =	sadd.s32 $0x9E80, s25;
	(v2sf) =	vpush v1, $0x0  }
0x8d: {  	s22 =	sadd.s32 $0x1D80, s25;
	(v2sf) =	vpush v2, $0x1;
	[dreg:$0x1c] =	wrdreg s21  }
0x8e: {  	s23 =	sadd.s32 $0x9D80, s25;
	[smem:$0x7F0] =	sst s22  }
0x8f: {  	s26 =	sadd.s32 $0x1E00, s25;
	[smem:$0x7F1] =	sst s23  }
0x90: {  	s28 =	sadd.s32 $0x9C80, s25;
	[dreg:$0x1f] =	wrdreg s26  }
0x91: {  	s29 =	sadd.s32 $0x1D00, s25;
	[smem:$0x7ED] =	sst s28  }
0x92: {  	s30 =	sadd.s32 $0x9D00, s25;
	[smem:$0x7EE] =	sst s29  }
0x93: {  	s31 =	sadd.s32 $0x9280, s25;
	[smem:$0x7EF] =	sst s30  }
0x94: {  	s1 =	sadd.s32 $0x1300, s25;
	[smem:$0x7D6] =	sst s31  }
0x95: {  	s2 =	sadd.s32 $0x9300, s25;
	[smem:$0x7D7] =	sst s1  }
0x96: {  	s24 =	sshra.s32 s0, $0x2;
	s5 =	sadd.s32 $0x1200, s25;
	[smem:$0x7D8] =	sst s2  }
0x97: {  	s0 =	sadd.s32 $0x8D00, s25;
	s6 =	sadd.s32 $0x9200, s25;
	[smem:$0x7D3] =	sst s5;
	(v2sf) =	vpush v1, $0x1  }
0x98: {  	s7 =	sadd.s32 $0x1280, s25;
	s11 =	sadd.s32 $0x9100, s25;
	[smem:$0x7D4] =	sst s6  }
0x99: {  	s12 =	sadd.s32 $0x1180, s25;
	s13 =	sadd.s32 $0x9180, s25;
	[smem:$0x7D5] =	sst s7;
	(v2sf) =	vpush v2, $0x2  }
0x9a: {  	s15 =	sadd.s32 $0x1100, s25;
	s18 =	sadd.s32 $0x8F80, s25;
	[smem:$0x7D0] =	sst s11  }
0x9b: {  	s17 =	sadd.s32 $0x1000, s25;
	s20 =	sadd.s32 $0xF00, s25;
	[smem:$0x7E6] =	sst s10;
	(v2sf) =	vpush v1, $0x2  }
0x9c: {  	s19 =	sadd.s32 $0x8F00, s25;
	s5 =	smov.u32 s10;
	[smem:$0x7D1] =	sst s12  }
0x9d: {  	[smem:$0x7D2] =	sst s13;
	s6 =	sadd.s32 $0x1080, s25;
	s7 =	sadd.s32 $0x9080, s25;
	(v2sf) =	vpush v2, $0x3  }
0x9e: {  	[smem:$0x7CF] =	sst s15;
	s2 =	sadd.s32 $0x9000, s25;
	s13 =	sadd.s32 $0xF80, s25  }
0x9f: {  	s23 =	sadd.s32 $0x8E00, s25;
	s22 =	sadd.s32 $0xE80, s25;
	s21 =	sadd.s32 $0x8E80, s25;
	(v2sf) =	vpush v1, $0x3  }
0xa0: {  	s29 =	sadd.s32 $0xD80, s25;
	s28 =	sadd.s32 $0x8D80, s25;
	s26 =	sadd.s32 $0xE00, s25  }
0xa1: {  	s30 =	sadd.s32 $0x8C80, s25;
	s31 =	sadd.s32 $0xD00, s25;
	s1 =	sadd.s32 $0x8C00, s25;
	(v2sf) =	vpush v2, $0x4  }
0xa2: {  	s10 =	sadd.s32 $0xC80, s25;
	s12 =	sadd.s32 $0xC00, s25;
	s16 =	spop (v2sf)  }
0xa3: {  	[dreg:$0x1b] =	wrdreg s9;
	s11 =	sand.u32 $0x1FFFFFF0, s16;
	s15 =	spop (v2sf);
	(v2sf) =	vpush v1, $0x4  }
0xa4: {  	s11 =	sadd.s32 s3, s11;
	s15 =	sand.u32 $0x1FFFFFF0, s15;
	s16 =	spop (v2sf)  }
0xa5: {  	(v2sf) =	vpush v2, $0x5;
	[tilespmem:s12], [sflag:$0x1] =	stream.linear.gather [hbm4b:s11+s14], $0x80, $0x38;
	[tilespmem:$0x10600] =	vst v63  }
0xa6: {  	s12 =	sadd.s32 s4, s15;
	s15 =	sand.u32 $0x1FFFFFF0, s16;
	s16 =	spop (v2sf)  }
0xa7: {  	(v2sf) =	vpush v1, $0x5;
	[tilespmem:s1], [sflag:$0x2] =	stream.linear.gather [hbm4b:s12+s14], $0x80, $0x38;
	[tilespmem:$0x10600] =	vst v63  }
0xa8: {  	s12 =	sadd.s32 s3, s15;
	s15 =	sand.u32 $0x1FFFFFF0, s16;
	s16 =	spop (v2sf)  }
0xa9: {  	(v2sf) =	vpush v2, $0x6;
	[tilespmem:s10], [sflag:$0x1] =	stream.linear.gather [hbm4b:s12+s14], $0x80, $0x38;
	[tilespmem:$0x10600] =	vst v63  }
0xaa: {  	s11 =	sadd.s32 s4, s15;
	s15 =	sand.u32 $0x1FFFFFF0, s16;
	s16 =	spop (v2sf)  }
0xab: {  	(v2sf) =	vpush v1, $0x6;
	[tilespmem:s30], [sflag:$0x2] =	stream.linear.gather [hbm4b:s11+s14], $0x80, $0x38;
	[tilespmem:$0x10600] =	vst v63  }
0xac: {  	s10 =	sadd.s32 s3, s15;
	s12 =	sand.u32 $0x1FFFFFF0, s16;
	s15 =	spop (v2sf)  }
0xad: {  	(v2sf) =	vpush v2, $0x7;
	[tilespmem:s31], [sflag:$0x1] =	stream.linear.gather [hbm4b:s10+s14], $0x80, $0x38;
	[tilespmem:$0x10600] =	vst v63  }
0xae: {  	s16 =	sadd.s32 s4, s12;
	s30 =	sand.u32 $0x1FFFFFF0, s15;
	s31 =	spop (v2sf)  }
0xaf: {  	(v2sf) =	vpush v1, $0x7;
	[tilespmem:s0], [sflag:$0x2] =	stream.linear.gather [hbm4b:s16+s14], $0x80, $0x38;
	[tilespmem:$0x10600] =	vst v63  }
0xb0: {  	s12 =	sadd.s32 s3, s30;
	s15 =	sand.u32 $0x1FFFFFF0, s31;
	s16 =	spop (v2sf)  }
0xb1: {  	(v2sf) =	vpush v2, $0x8;
	[tilespmem:s29], [sflag:$0x1] =	stream.linear.gather [hbm4b:s12+s14], $0x80, $0x38;
	[tilespmem:$0x10600] =	vst v63  }
0xb2: {  	s30 =	sand.u32 $0x1FFFFFF0, s16;
	s29 =	sadd.s32 s4, s15;
	s31 =	spop (v2sf)  }
0xb3: {  	(v2sf) =	vpush v1, $0x8;
	[tilespmem:s28], [sflag:$0x2] =	stream.linear.gather [hbm4b:s29+s14], $0x80, $0x38;
	[tilespmem:$0x10600] =	vst v63  }
0xb4: {  	s1 =	sadd.s32 s3, s30;
	s10 =	sand.u32 $0x1FFFFFF0, s31;
	s11 =	spop (v2sf)  }
0xb5: {  	[tilespmem:s26], [sflag:$0x1] =	stream.linear.gather [hbm4b:s1+s14], $0x80, $0x38;
	[tilespmem:$0x10600] =	vst v63  }
0xb6: {  	(v2sf) =	vpush v2, $0x9;
	s12 =	sadd.s32 s4, s10;
	s15 =	sand.u32 $0x1FFFFFF0, s11;
	s16 =	spop (v2sf)  }
0xb7: {  	(v2sf) =	vpush v1, $0x9;
	[tilespmem:s23], [sflag:$0x2] =	stream.linear.gather [hbm4b:s12+s14], $0x80, $0x38;
	[tilespmem:$0x10600] =	vst v63  }
0xb8: {  	s26 =	sand.u32 $0x1FFFFFF0, s16;
	s28 =	spop (v2sf);
	s23 =	sadd.s32 s3, s15  }
0xb9: {  	(v2sf) =	vpush v2, $0xA;
	[tilespmem:s22], [sflag:$0x1] =	stream.linear.gather [hbm4b:s23+s14], $0x80, $0x38;
	[tilespmem:$0x10600] =	vst v63  }
0xba: {  	s29 =	sadd.s32 s4, s26;
	s30 =	sand.u32 $0x1FFFFFF0, s28;
	s31 =	spop (v2sf)  }
0xbb: {  	[tilespmem:s21], [sflag:$0x2] =	stream.linear.gather [hbm4b:s29+s14], $0x80, $0x38;
	[tilespmem:$0x10600] =	vst v63  }
0xbc: {  	(v2sf) =	vpush v1, $0xA;
	s1 =	sadd.s32 s3, s30;
	s10 =	sand.u32 $0x1FFFFFF0, s31;
	s11 =	spop (v2sf)  }
0xbd: {  	[tilespmem:s20], [sflag:$0x1] =	stream.linear.gather [hbm4b:s1+s14], $0x80, $0x38;
	[tilespmem:$0x10600] =	vst v63  }
0xbe: {  	(v2sf) =	vpush v2, $0xB;
	s12 =	sadd.s32 s4, s10;
	s15 =	sand.u32 $0x1FFFFFF0, s11;
	s16 =	spop (v2sf)  }
0xbf: {  	[tilespmem:s19], [sflag:$0x2] =	stream.linear.gather [hbm4b:s12+s14], $0x80, $0x38;
	[tilespmem:$0x10600] =	vst v63  }
0xc0: {  	s0 =	sadd.s32 $0x1400, s25;
	(v2sf) =	vpush v1, $0xB;
	s20 =	sadd.s32 s3, s15;
	s22 =	spop (v2sf)  }
0xc1: {  	[tilespmem:s13], [sflag:$0x1] =	stream.linear.gather [hbm4b:s20+s14], $0x80, $0x38;
	[tilespmem:$0x10600] =	vst v63  }
0xc2: {  	s21 =	sand.u32 $0x1FFFFFF0, s16;
	(v2sf) =	vpush v2, $0xC;
	s26 =	sand.u32 $0x1FFFFFF0, s22;
	s28 =	spop (v2sf)  }
0xc3: {  	s23 =	sadd.s32 s4, s21;
	s29 =	sadd.s32 s3, s26;
	s30 =	sand.u32 $0x1FFFFFF0, s28  }
0xc4: {  	[tilespmem:s18], [sflag:$0x2] =	stream.linear.gather [hbm4b:s23+s14], $0x80, $0x38;
	[tilespmem:$0x10600] =	vst v63  }
0xc5: {  	s26 =	sld [smem:$0x7CF];
	(v2sf) =	vpush v1, $0xC;
	s31 =	spop (v2sf);
	s11 =	sadd.s32 s4, s30  }
0xc6: {  	s12 =	sand.u32 $0x1FFFFFF0, s31;
	s13 =	spop (v2sf);
	s31 =	sld [smem:$0x7D0]  }
0xc7: {  	(v2sf) =	vpush v2, $0xD;
	[tilespmem:s17], [sflag:$0x1] =	stream.linear.gather [hbm4b:s29+s14], $0x80, $0x38;
	[tilespmem:$0x10600] =	vst v63  }
0xc8: {  	s15 =	sadd.s32 s3, s12;
	s16 =	sand.u32 $0x1FFFFFF0, s13;
	s17 =	spop (v2sf)  }
0xc9: {  	(v2sf) =	vpush v1, $0xD;
	s18 =	sadd.s32 s4, s16;
	s16 =	sld [smem:$0x7D2];
	s19 =	sand.u32 $0x1FFFFFF0, s17  }
0xca: {  	[tilespmem:s2], [sflag:$0x2] =	stream.linear.gather [hbm4b:s11+s14], $0x80, $0x38;
	[tilespmem:$0x10600] =	vst v63  }
0xcb: {  	s20 =	spop (v2sf);
	s21 =	sadd.s32 s3, s19;
	s11 =	sld [smem:$0x7D1]  }
0xcc: {  	(v2sf) =	vpush v2, $0xE;
	[tilespmem:s6], [sflag:$0x1] =	stream.linear.gather [hbm4b:s15+s14], $0x80, $0x38;
	[tilespmem:$0x10600] =	vst v63  }
0xcd: {  	s22 =	sand.u32 $0x1FFFFFF0, s20;
	s23 =	spop (v2sf);
	s20 =	sld [smem:$0x7D3]  }
0xce: {  	[tilespmem:s7], [sflag:$0x2] =	stream.linear.gather [hbm4b:s18+s14], $0x80, $0x38;
	[tilespmem:$0x10600] =	vst v63  }
0xcf: {  	(v2sf) =	vpush v1, $0xE;
	s28 =	sadd.s32 s4, s22;
	s29 =	sand.u32 $0x1FFFFFF0, s23;
	s30 =	spop (v2sf)  }
0xd0: {  	[tilespmem:s26], [sflag:$0x1] =	stream.linear.gather [hbm4b:s21+s14], $0x80, $0x38;
	[tilespmem:$0x10600] =	vst v63  }
0xd1: {  	(v2sf) =	vpush v2, $0xF;
	s6 =	sadd.s32 s3, s29;
	s7 =	sand.u32 $0x1FFFFFF0, s30;
	s10 =	spop (v2sf)  }
0xd2: {  	s12 =	sadd.s32 s4, s7;
	s26 =	sld [smem:$0x7D4];
	s13 =	sand.u32 $0x1FFFFFF0, s10  }
0xd3: {  	[tilespmem:s31], [sflag:$0x2] =	stream.linear.gather [hbm4b:s28+s14], $0x80, $0x38;
	[tilespmem:$0x10600] =	vst v63  }
0xd4: {  	s10 =	sld [smem:$0x7D6];
	s17 =	sadd.s32 s3, s13;
	s15 =	spop (v2sf)  }
0xd5: {  	[tilespmem:s11], [sflag:$0x1] =	stream.linear.gather [hbm4b:s6+s14], $0x80, $0x38;
	[tilespmem:$0x10600] =	vst v63  }
0xd6: {  	s31 =	sld [smem:$0x7D5];
	s18 =	sand.u32 $0x1FFFFFF0, s15;
	s19 =	spop (v2sf)  }
0xd7: {  	s15 =	sld [smem:$0x7D7];
	s6 =	sadd.s32 $0x1A80, s25;
	s21 =	sadd.s32 s4, s18  }
0xd8: {  	s22 =	sand.u32 $0x1FFFFFF0, s19;
	s23 =	spop (v2sf);
	s19 =	smov.u32 s8  }
0xd9: {  	[tilespmem:s16], [sflag:$0x2] =	stream.linear.gather [hbm4b:s12+s14], $0x80, $0x38;
	[tilespmem:$0x10600] =	vst v63  }
0xda: {  	[smem:$0x7E0] =	sst s6;
	s6 =	sadd.s32 $0x1500, s25;
	s28 =	sadd.s32 s3, s22  }
0xdb: {  	(v2sf) =	vpush v1, $0xF;
	s29 =	sand.u32 $0x1FFFFFF0, s23;
	s22 =	sadd.s32 $0x9380, s25;
	s30 =	spop (v2sf)  }
0xdc: {  	[tilespmem:s20], [sflag:$0x1] =	stream.linear.gather [hbm4b:s17+s14], $0x80, $0x38;
	[tilespmem:$0x10600] =	vst v63  }
0xdd: {  	s1 =	sadd.s32 s4, s29;
	s29 =	sadd.s32 $0x1C00, s25;
	s20 =	sld [smem:$0x7D8]  }
0xde: {  	s2 =	sand.u32 $0x1FFFFFF0, s30;
	s7 =	spop (v2sf);
	[smem:$0x7EA] =	sst s29  }
0xdf: {  	s30 =	sadd.s32 $0x9C00, s25;
	s29 =	sadd.s32 $0x9780, s25;
	s11 =	sadd.s32 s3, s2  }
0xe0: {  	s12 =	sand.u32 $0x1FFFFFF0, s7;
	s13 =	spop (v2sf);
	[smem:$0x7EB] =	sst s30  }
0xe1: {  	[tilespmem:s26], [sflag:$0x2] =	stream.linear.gather [hbm4b:s21+s14], $0x80, $0x38;
	[tilespmem:$0x10600] =	vst v63  }
0xe2: {  	s7 =	sadd.s32 $0x9A80, s25;
	s16 =	sadd.s32 s4, s12;
	s12 =	sld [smem:$0x7D9]  }
0xe3: {  	s30 =	sadd.s32 $0x1800, s25;
	s26 =	sadd.s32 $0x1C80, s25;
	[smem:$0x7E1] =	sst s7  }
0xe4: {  	[tilespmem:s31], [sflag:$0x1] =	stream.linear.gather [hbm4b:s28+s14], $0x80, $0x38;
	[tilespmem:$0x10600] =	vst v63  }
0xe5: {  	s17 =	sand.u32 $0x1FFFFFF0, s13;
	s13 =	sadd.s32 $0x9900, s25;
	[smem:$0x7EC] =	sst s26  }
0xe6: {  	[tilespmem:s10], [sflag:$0x2] =	stream.linear.gather [hbm4b:s1+s14], $0x80, $0x38;
	[tilespmem:$0x10600] =	vst v63  }
0xe7: {  	s21 =	sadd.s32 $0x1380, s25;
	[smem:$0x7DB] =	sst s13;
	s28 =	sadd.s32 $0x9B80, s25;
	v1 =	vld [tilespmem:s8+$0xFFFFFFE0]  }
0xe8: {  	s7 =	sadd.s32 $0x9500, s25;
	s31 =	sadd.s32 $0x1B00, s25;
	[smem:$0x7E5] =	sst s28  }
0xe9: {  	v3 =	vld [tilespmem:s9+$0xFFFFFFE0];
	[tilespmem:s15], [sflag:$0x1] =	stream.linear.gather [hbm4b:s11+s14], $0x80, $0x38  }
0xea: {  	s26 =	sadd.s32 $0x9700, s25;
	s18 =	spop (v2sf);
	[smem:$0x7E2] =	sst s31  }
0xeb: {  	[tilespmem:s20], [sflag:$0x2] =	stream.linear.gather [hbm4b:s16+s14], $0x80, $0x38;
	[tilespmem:$0x10600] =	vst v63  }
0xec: {  	s1 =	sadd.s32 s3, s17;
	s2 =	sand.u32 $0x1FFFFFF0, s18;
	s10 =	sadd.s32 $0x1A00, s25;
	v2 =	vshll.u32 v1, $0x4  }
0xed: {  	[tilespmem:s21], [sflag:$0x1] =	stream.linear.gather [hbm4b:s1+s14], $0x80, $0x38;
	(v2sf) =	vpush v2, $0x0;
	[tilespmem:$0x10600] =	vst v63  }
0xee: {  	s17 =	sadd.s32 $0x8B00, s24;
	s23 =	sadd.s32 s4, s2;
	[smem:$0x7DE] =	sst s10;
	v1 =	vshll.u32 v3, $0x4  }
0xef: {  	(v2sf) =	vpush v1, $0x0;
	[tilespmem:s22], [sflag:$0x2] =	stream.linear.gather [hbm4b:s23+s14], $0x80, $0x38;
	[tilespmem:$0x10600] =	vst v63  }
0xf0: {  	s31 =	sadd.s32 $0x1880, s25;
	s18 =	sadd.s32 $0x8A00, s24;
	[smem:$0x7F7] =	sst s17;
	(v2sf) =	vpush v2, $0x1;
	v3 =	vld [tilespmem:s5+$0x0]  }
0xf1: {  	s28 =	sadd.s32 $0x1780, s25;
	s2 =	sadd.s32 $0x1B80, s25;
	[smem:$0x7F3] =	sst s18;
	v5 =	vld [tilespmem:s12+$0x0]  }
0xf2: {  	s8 =	sadd.s32 $0x1980, s25;
	s9 =	sadd.s32 $0x9980, s25;
	[smem:$0x7E4] =	sst s2  }
0xf3: {  	s10 =	sadd.s32 $0x1680, s25;
	s17 =	sadd.s32 $0x680, s24;
	[smem:$0x7DC] =	sst s8  }
0xf4: {  	s18 =	sadd.s32 $0xA00, s24;
	[smem:$0x7DD] =	sst s9;
	s15 =	sadd.s32 $0x9880, s25  }
0xf5: {  	s11 =	sadd.s32 $0x1900, s25;
	s9 =	sadd.s32 $0x1600, s25;
	[smem:$0x7E9] =	sst s17;
	v4 =	vshll.u32 v3, $0x4  }
0xf6: {  	s8 =	sadd.s32 $0x1580, s25;
	s2 =	sadd.s32 $0x1480, s25;
	[smem:$0x7F2] =	sst s18;
	v3 =	vshll.u32 v5, $0x4;
	(v2sf) =	vpush v4, $0x0  }
0xf7: {  	[smem:$0x7DA] =	sst s11;
	s11 =	sadd.s32 $0x9680, s25;
	s16 =	sadd.s32 $0xB00, s24;
	(v2sf) =	vpush v3, $0x0  }
0xf8: {  	s20 =	sadd.s32 $0x9800, s25;
	[smem:$0x7F6] =	sst s16;
	s1 =	sadd.s32 $0x9B00, s25;
	(v2sf) =	vpush v4, $0x1  }
0xf9: {  	s21 =	sadd.s32 $0x1700, s25;
	[smem:$0x7E3] =	sst s1;
	s1 =	sadd.s32 $0x9400, s25  }
0xfa: {  	s23 =	sadd.s32 $0x9580, s25;
	s22 =	sadd.s32 $0x9600, s25;
	s5 =	sadd.s32 $0x9A00, s25;
	(v2sf) =	vpush v3, $0x1  }
0xfb: {  	[smem:$0x7DF] =	sst s5;
	s5 =	sadd.s32 $0x9480, s25;
	s25 =	sadd.s32 $0xA80, s24  }
0xfc: {  	s16 =	sadd.s32 $0x8A80, s24;
	[smem:$0x7F4] =	sst s25;
	(v2sf) =	vpush v4, $0x2;
	s25 =	spop (v2sf)  }
0xfd: {  	s13 =	sadd.s32 $0x400, s24;
	[smem:$0x7F5] =	sst s16;
	s16 =	sand.u32 $0x1FFFFFF0, s25  }
0xfe: {  	s18 =	spop (v2sf);
	(v2sf) =	vpush v3, $0x2;
	s25 =	sadd.s32 $0x8600, s24;
	s16 =	sadd.s32 s3, s16  }
0xff: {  	s17 =	sand.u32 $0x1FFFFFF0, s18;
	s18 =	spop (v2sf);
	[smem:$0x7E8] =	sst s25  }
0x100: {  	(v2sf) =	vpush v4, $0x3;
	[tilespmem:s13], [sflag:$0x1] =	stream.linear.gather [hbm4b:s16+s14], $0x80, $0x38;
	[tilespmem:$0x10600] =	vst v63  }
0x101: {  	s13 =	sadd.s32 $0x8400, s24;
	s17 =	sadd.s32 s4, s17;
	s18 =	sand.u32 $0x1FFFFFF0, s18  }
0x102: {  	(v2sf) =	vpush v3, $0x3;
	[tilespmem:s13], [sflag:$0x2] =	stream.linear.gather [hbm4b:s17+s14], $0x80, $0x38;
	[tilespmem:$0x10600] =	vst v63  }
0x103: {  	s25 =	sadd.s32 $0x8580, s24;
	s18 =	sadd.s32 s3, s18;
	s17 =	sadd.s32 $0x480, s24  }
0x104: {  	(v2sf) =	vpush v4, $0x4;
	[tilespmem:s17], [sflag:$0x1] =	stream.linear.gather [hbm4b:s18+s14], $0x80, $0x38;
	[tilespmem:$0x10600] =	vst v63  }
0x105: {  	s16 =	sadd.s32 $0x580, s24;
	s17 =	sadd.s32 $0x600, s24;
	s18 =	spop (v2sf)  }
0x106: {  	[smem:$0x7E7] =	sst s17;
	s17 =	sand.u32 $0x1FFFFFF0, s18;
	s13 =	spop (v2sf);
	(v2sf) =	vpush v3, $0x4  }
0x107: {  	s17 =	sadd.s32 s3, s17;
	s18 =	sand.u32 $0x1FFFFFF0, s13;
	s13 =	spop (v2sf)  }
0x108: {  	(v2sf) =	vpush v4, $0x5;
	[tilespmem:s0], [sflag:$0x1] =	stream.linear.gather [hbm4b:s17+s14], $0x80, $0x38;
	[tilespmem:$0x10600] =	vst v63  }
0x109: {  	s17 =	sadd.s32 s4, s18;
	s13 =	sand.u32 $0x1FFFFFF0, s13;
	s18 =	spop (v2sf)  }
0x10a: {  	(v2sf) =	vpush v3, $0x5;
	[tilespmem:s1], [sflag:$0x2] =	stream.linear.gather [hbm4b:s17+s14], $0x80, $0x38;
	[tilespmem:$0x10600] =	vst v63  }
0x10b: {  	s1 =	sadd.s32 s3, s13;
	s13 =	sand.u32 $0x1FFFFFF0, s18;
	s18 =	spop (v2sf)  }
0x10c: {  	(v2sf) =	vpush v4, $0x6;
	[tilespmem:s2], [sflag:$0x1] =	stream.linear.gather [hbm4b:s1+s14], $0x80, $0x38;
	[tilespmem:$0x10600] =	vst v63  }
0x10d: {  	s2 =	sadd.s32 s4, s13;
	s13 =	sand.u32 $0x1FFFFFF0, s18;
	s18 =	spop (v2sf)  }
0x10e: {  	(v2sf) =	vpush v3, $0x6;
	[tilespmem:s5], [sflag:$0x2] =	stream.linear.gather [hbm4b:s2+s14], $0x80, $0x38;
	[tilespmem:$0x10600] =	vst v63  }
0x10f: {  	s5 =	sadd.s32 s3, s13;
	s13 =	sand.u32 $0x1FFFFFF0, s18;
	s18 =	spop (v2sf)  }
0x110: {  	(v2sf) =	vpush v4, $0x7;
	[tilespmem:s6], [sflag:$0x1] =	stream.linear.gather [hbm4b:s5+s14], $0x80, $0x38;
	[tilespmem:$0x10600] =	vst v63  }
0x111: {  	s1 =	sadd.s32 s4, s13;
	s5 =	sand.u32 $0x1FFFFFF0, s18;
	s6 =	spop (v2sf)  }
0x112: {  	(v2sf) =	vpush v3, $0x7;
	[tilespmem:s7], [sflag:$0x2] =	stream.linear.gather [hbm4b:s1+s14], $0x80, $0x38;
	[tilespmem:$0x10600] =	vst v63  }
0x113: {  	s13 =	sand.u32 $0x1FFFFFF0, s6;
	s18 =	spop (v2sf);
	s7 =	sadd.s32 s3, s5  }
0x114: {  	(v2sf) =	vpush v4, $0x8;
	[tilespmem:s8], [sflag:$0x1] =	stream.linear.gather [hbm4b:s7+s14], $0x80, $0x38;
	[tilespmem:$0x10600] =	vst v63  }
0x115: {  	s1 =	sadd.s32 s4, s13;
	s2 =	sand.u32 $0x1FFFFFF0, s18;
	s5 =	spop (v2sf)  }
0x116: {  	(v2sf) =	vpush v3, $0x8;
	[tilespmem:s23], [sflag:$0x2] =	stream.linear.gather [hbm4b:s1+s14], $0x80, $0x38;
	[tilespmem:$0x10600] =	vst v63  }
0x117: {  	s6 =	sadd.s32 s3, s2;
	s7 =	sand.u32 $0x1FFFFFF0, s5;
	s8 =	spop (v2sf);
	(v2sf) =	vpush v4, $0x9  }
0x118: {  	[tilespmem:s9], [sflag:$0x1] =	stream.linear.gather [hbm4b:s6+s14], $0x80, $0x38;
	[tilespmem:$0x10600] =	vst v63  }
0x119: {  	s13 =	sadd.s32 s4, s7;
	s18 =	sand.u32 $0x1FFFFFF0, s8;
	s23 =	spop (v2sf);
	(v2sf) =	vpush v3, $0x9  }
0x11a: {  	[tilespmem:s22], [sflag:$0x2] =	stream.linear.gather [hbm4b:s13+s14], $0x80, $0x38;
	[tilespmem:$0x10600] =	vst v63  }
0x11b: {  	s1 =	sadd.s32 s3, s18;
	s2 =	sand.u32 $0x1FFFFFF0, s23;
	s5 =	spop (v2sf);
	(v2sf) =	vpush v4, $0xA  }
0x11c: {  	[tilespmem:s10], [sflag:$0x1] =	stream.linear.gather [hbm4b:s1+s14], $0x80, $0x38;
	[tilespmem:$0x10600] =	vst v63  }
0x11d: {  	s6 =	sadd.s32 s4, s2;
	s7 =	sand.u32 $0x1FFFFFF0, s5;
	s8 =	spop (v2sf)  }
0x11e: {  	[tilespmem:s11], [sflag:$0x2] =	stream.linear.gather [hbm4b:s6+s14], $0x80, $0x38;
	[tilespmem:$0x10600] =	vst v63  }
0x11f: {  	s9 =	sadd.s32 s3, s7;
	(v2sf) =	vpush v3, $0xA;
	s10 =	sand.u32 $0x1FFFFFF0, s8;
	s11 =	spop (v2sf)  }
0x120: {  	[tilespmem:s21], [sflag:$0x1] =	stream.linear.gather [hbm4b:s9+s14], $0x80, $0x38;
	[tilespmem:$0x10600] =	vst v63  }
0x121: {  	(v2sf) =	vpush v4, $0xB;
	s13 =	sadd.s32 s4, s10;
	s18 =	sand.u32 $0x1FFFFFF0, s11;
	s21 =	spop (v2sf)  }
0x122: {  	[tilespmem:s26], [sflag:$0x2] =	stream.linear.gather [hbm4b:s13+s14], $0x80, $0x38;
	[tilespmem:$0x10600] =	vst v63  }
0x123: {  	s17 =	rddreg [dreg:$0x5];
	(v2sf) =	vpush v3, $0xB;
	s22 =	sadd.s32 s3, s18;
	s26 =	spop (v2sf)  }
0x124: {  	[tilespmem:s28], [sflag:$0x1] =	stream.linear.gather [hbm4b:s22+s14], $0x80, $0x38;
	[tilespmem:$0x10600] =	vst v63  }
0x125: {  	s17 =	sadd.s32 $0x4, s17;
	s23 =	sand.u32 $0x1FFFFFF0, s21;
	s6 =	spop (v2sf)  }
0x126: {  	(v2sf) =	vpush v4, $0xC;
	s1 =	sadd.s32 s4, s23;
	s5 =	sand.u32 $0x1FFFFFF0, s26;
	s9 =	spop (v2sf)  }
0x127: {  	[tilespmem:s29], [sflag:$0x2] =	stream.linear.gather [hbm4b:s1+s14], $0x80, $0x38;
	[tilespmem:$0x10600] =	vst v63  }
0x128: {  	(v2sf) =	vpush v3, $0xC;
	s7 =	sadd.s32 s3, s5;
	s8 =	sand.u32 $0x1FFFFFF0, s6;
	s13 =	spop (v2sf)  }
0x129: {  	[tilespmem:s30], [sflag:$0x1] =	stream.linear.gather [hbm4b:s7+s14], $0x80, $0x38;
	[tilespmem:$0x10600] =	vst v63  }
0x12a: {  	(v2sf) =	vpush v4, $0xD;
	s10 =	sadd.s32 s4, s8;
	s11 =	sand.u32 $0x1FFFFFF0, s9;
	s21 =	spop (v2sf)  }
0x12b: {  	s18 =	sadd.s32 s3, s11;
	s11 =	sld [smem:$0x7DC];
	s23 =	sand.u32 $0x1FFFFFF0, s21  }
0x12c: {  	[tilespmem:s20], [sflag:$0x2] =	stream.linear.gather [hbm4b:s10+s14], $0x80, $0x38;
	[tilespmem:$0x10600] =	vst v63  }
0x12d: {  	(v2sf) =	vpush v3, $0xD;
	s7 =	sld [smem:$0x7DB];
	s20 =	sand.u32 $0x1FFFFFF0, s13;
	s28 =	sadd.s32 s3, s23  }
0x12e: {  	(v2sf) =	vpush v4, $0xE;
	s22 =	sadd.s32 s4, s20;
	s26 =	spop (v2sf);
	s20 =	sld [smem:$0x7DD]  }
0x12f: {  	[tilespmem:s31], [sflag:$0x1] =	stream.linear.gather [hbm4b:s18+s14], $0x80, $0x38;
	[tilespmem:$0x10600] =	vst v63  }
0x130: {  	s29 =	sand.u32 $0x1FFFFFF0, s26;
	s31 =	sld [smem:$0x7DA];
	s30 =	spop (v2sf)  }
0x131: {  	[tilespmem:s15], [sflag:$0x2] =	stream.linear.gather [hbm4b:s22+s14], $0x80, $0x38;
	[tilespmem:$0x10600] =	vst v63  }
0x132: {  	(v2sf) =	vpush v3, $0xE;
	s26 =	sld [smem:$0x7DE];
	s2 =	sand.u32 $0x1FFFFFF0, s30;
	s6 =	spop (v2sf)  }
0x133: {  	[tilespmem:s31], [sflag:$0x1] =	stream.linear.gather [hbm4b:s28+s14], $0x80, $0x38;
	[tilespmem:$0x10600] =	vst v63  }
0x134: {  	(v2sf) =	vpush v4, $0xF;
	s1 =	sadd.s32 s4, s29;
	s8 =	sadd.s32 s3, s2;
	s9 =	sand.u32 $0x1FFFFFF0, s6  }
0x135: {  	s31 =	sld [smem:$0x7DF];
	s10 =	spop (v2sf);
	s13 =	sadd.s32 s4, s9  }
0x136: {  	[tilespmem:s7], [sflag:$0x2] =	stream.linear.gather [hbm4b:s1+s14], $0x80, $0x38;
	[tilespmem:$0x10600] =	vst v63  }
0x137: {  	s15 =	sand.u32 $0x1FFFFFF0, s10;
	s7 =	sld [smem:$0x7E0];
	s18 =	spop (v2sf)  }
0x138: {  	(v2sf) =	vpush v3, $0xF;
	[tilespmem:s11], [sflag:$0x1] =	stream.linear.gather [hbm4b:s8+s14], $0x80, $0x38;
	[tilespmem:$0x10600] =	vst v63  }
0x139: {  	s21 =	sadd.s32 s3, s15;
	s22 =	sand.u32 $0x1FFFFFF0, s18;
	s23 =	spop (v2sf)  }
0x13a: {  	(v2sf) =	vpush v1, $0x1;
	s11 =	sld [smem:$0x7E1];
	s28 =	sadd.s32 s4, s22;
	s29 =	sand.u32 $0x1FFFFFF0, s23  }
0x13b: {  	(v2sf) =	vpush v2, $0x2;
	[tilespmem:s20], [sflag:$0x2] =	stream.linear.gather [hbm4b:s13+s14], $0x80, $0x38;
	[tilespmem:$0x10600] =	vst v63  }
0x13c: {  	s30 =	spop (v2sf);
	s1 =	sadd.s32 s3, s29;
	s20 =	sld [smem:$0x7E2]  }
0x13d: {  	(v2sf) =	vpush v1, $0x2;
	s2 =	sand.u32 $0x1FFFFFF0, s30;
	s29 =	sld [smem:$0x7E4];
	s6 =	spop (v2sf)  }
0x13e: {  	[tilespmem:s26], [sflag:$0x1] =	stream.linear.gather [hbm4b:s21+s14], $0x80, $0x38;
	[tilespmem:$0x10600] =	vst v63  }
0x13f: {  	(v2sf) =	vpush v2, $0x3;
	s30 =	sadd.s32 $0x500, s24;
	s8 =	sadd.s32 s4, s2;
	s9 =	sand.u32 $0x1FFFFFF0, s6  }
0x140: {  	(v2sf) =	vpush v1, $0x3;
	[tilespmem:s31], [sflag:$0x2] =	stream.linear.gather [hbm4b:s28+s14], $0x80, $0x38;
	[tilespmem:$0x10600] =	vst v63  }
0x141: {  	s26 =	sld [smem:$0x7E3];
	s13 =	sadd.s32 s3, s9;
	s10 =	spop (v2sf)  }
0x142: {  	[tilespmem:s7], [sflag:$0x1] =	stream.linear.gather [hbm4b:s1+s14], $0x80, $0x38;
	[tilespmem:$0x10600] =	vst v63  }
0x143: {  	s28 =	sadd.s32 $0x8500, s24;
	s15 =	sand.u32 $0x1FFFFFF0, s10;
	s18 =	spop (v2sf)  }
0x144: {  	[tilespmem:s11], [sflag:$0x2] =	stream.linear.gather [hbm4b:s8+s14], $0x80, $0x38;
	[tilespmem:$0x10600] =	vst v63  }
0x145: {  	s10 =	sld [smem:$0x7E6];
	s21 =	sadd.s32 s4, s15;
	s22 =	sand.u32 $0x1FFFFFF0, s18  }
0x146: {  	(v2sf) =	vpush v2, $0x4;
	[tilespmem:s20], [sflag:$0x1] =	stream.linear.gather [hbm4b:s13+s14], $0x80, $0x38;
	[tilespmem:$0x10600] =	vst v63  }
0x147: {  	s7 =	sld [smem:$0x7E5];
	s23 =	spop (v2sf);
	s1 =	sadd.s32 s3, s22  }
0x148: {  	(v2sf) =	vpush v1, $0x4;
	[tilespmem:s26], [sflag:$0x2] =	stream.linear.gather [hbm4b:s21+s14], $0x80, $0x38;
	[tilespmem:$0x10600] =	vst v63  }
0x149: {  	s8 =	sadd.s32 $0x8480, s24;
	s2 =	sand.u32 $0x1FFFFFF0, s23;
	s31 =	spop (v2sf)  }
0x14a: {  	(v2sf) =	vpush v2, $0x5;
	s2 =	sadd.s32 s4, s2;
	s5 =	sand.u32 $0x1FFFFFF0, s31;
	s9 =	spop (v2sf)  }
0x14b: {  	[tilespmem:s29], [sflag:$0x1] =	stream.linear.gather [hbm4b:s1+s14], $0x80, $0x38;
	[tilespmem:$0x10600] =	vst v63  }
0x14c: {  	(v2sf) =	vpush v1, $0x5;
	s5 =	sadd.s32 s4, s5;
	s6 =	sand.u32 $0x1FFFFFF0, s9;
	s11 =	spop (v2sf)  }
0x14d: {  	[tilespmem:s7], [sflag:$0x2] =	stream.linear.gather [hbm4b:s2+s14], $0x80, $0x38;
	[tilespmem:$0x10600] =	vst v63  }
0x14e: {  	(v2sf) =	vpush v2, $0x6;
	s13 =	sadd.s32 s3, s6;
	s15 =	sand.u32 $0x1FFFFFF0, s11;
	s18 =	spop (v2sf);
	v3 =	vld [tilespmem:s10+$0x10]  }
0x14f: {  	s20 =	sadd.s32 s4, s15;
	s21 =	sand.u32 $0x1FFFFFF0, s18;
	s22 =	spop (v2sf);
	v62 =	vld [tilespmem:s12+$0x10]  }
0x150: {  	[tilespmem:s8], [sflag:$0x2] =	stream.linear.gather [hbm4b:s5+s14], $0x80, $0x38;
	[tilespmem:$0x10600] =	vst v63  }
0x151: {  	s18 =	sld [smem:$0x7E9];
	s23 =	sadd.s32 s3, s21;
	s26 =	sand.u32 $0x1FFFFFF0, s22  }
0x152: {  	[tilespmem:s30], [sflag:$0x1] =	stream.linear.gather [hbm4b:s13+s14], $0x80, $0x38;
	[tilespmem:$0x10600] =	vst v63  }
0x153: {  	s12 =	sld [smem:$0x7E8];
	s21 =	sadd.s32 $0x700, s24;
	s29 =	sadd.s32 s4, s26;
	v63 =	vshll.u32 v3, $0x4  }
0x154: {  	[tilespmem:s28], [sflag:$0x2] =	stream.linear.gather [hbm4b:s20+s14], $0x80, $0x38;
	v3 =	vshll.u32 v62, $0x4;
	(v2sf) =	vpush v63, $0x0;
	[tilespmem:$0x10600] =	vst v63  }
0x155: {  	s8 =	sld [smem:$0x7E7];
	s28 =	spop (v2sf);
	s20 =	sadd.s32 $0x8680, s24;
	(v2sf) =	vpush v3, $0x0  }
0x156: {  	[tilespmem:s16], [sflag:$0x1] =	stream.linear.gather [hbm4b:s23+s14], $0x80, $0x38;
	[tilespmem:$0x10600] =	vst v63  }
0x157: {  	s30 =	sand.u32 $0x1FFFFFF0, s28;
	s31 =	spop (v2sf);
	s28 =	sld [smem:$0x7EA]  }
0x158: {  	(v2sf) =	vpush v63, $0x1;
	[tilespmem:s25], [sflag:$0x2] =	stream.linear.gather [hbm4b:s29+s14], $0x80, $0x38;
	[tilespmem:$0x10600] =	vst v63  }
0x159: {  	s5 =	sadd.s32 s3, s30;
	s6 =	sand.u32 $0x1FFFFFF0, s31;
	s7 =	spop (v2sf);
	(v2sf) =	vpush v3, $0x1  }
0x15a: {  	(v2sf) =	vpush v63, $0x2;
	[tilespmem:s8], [sflag:$0x1] =	stream.linear.gather [hbm4b:s5+s14], $0x80, $0x38;
	[tilespmem:$0x10600] =	vst v63  }
0x15b: {  	s9 =	sadd.s32 s4, s6;
	s10 =	sand.u32 $0x1FFFFFF0, s7;
	s11 =	spop (v2sf)  }
0x15c: {  	[tilespmem:s12], [sflag:$0x2] =	stream.linear.gather [hbm4b:s9+s14], $0x80, $0x38;
	[tilespmem:$0x10600] =	vst v63  }
0x15d: {  	s13 =	sadd.s32 s3, s10;
	(v2sf) =	vpush v3, $0x2;
	s15 =	sand.u32 $0x1FFFFFF0, s11;
	s16 =	spop (v2sf)  }
0x15e: {  	[tilespmem:s18], [sflag:$0x1] =	stream.linear.gather [hbm4b:s13+s14], $0x80, $0x38;
	[tilespmem:$0x10600] =	vst v63  }
0x15f: {  	s7 =	sadd.s32 $0x980, s24;
	(v2sf) =	vpush v63, $0x3;
	s1 =	sadd.s32 s4, s15;
	s2 =	sand.u32 $0x1FFFFFF0, s16  }
0x160: {  	[tilespmem:s20], [sflag:$0x2] =	stream.linear.gather [hbm4b:s1+s14], $0x80, $0x38;
	[tilespmem:$0x10600] =	vst v63  }
0x161: {  	s10 =	sld [smem:$0x7EB];
	s8 =	sadd.s32 $0x8900, s24;
	(v2sf) =	vpush v3, $0x3;
	s22 =	sadd.s32 s3, s2  }
0x162: {  	[tilespmem:s21], [sflag:$0x1] =	stream.linear.gather [hbm4b:s22+s14], $0x80, $0x38;
	[tilespmem:$0x10600] =	vst v63  }
0x163: {  	s5 =	sadd.s32 $0x8800, s24;
	s15 =	sld [smem:$0x7EC];
	(v2sf) =	vpush v63, $0x4;
	s23 =	spop (v2sf)  }
0x164: {  	s9 =	sadd.s32 $0x8980, s24;
	s0 =	sand.u32 $0x1FFFFFF0, s23;
	s25 =	spop (v2sf)  }
0x165: {  	s1 =	sadd.s32 $0x900, s24;
	s0 =	sadd.s32 s3, s0;
	s2 =	sand.u32 $0x1FFFFFF0, s25  }
0x166: {  	[tilespmem:s28], [sflag:$0x1] =	stream.linear.gather [hbm4b:s0+s14], $0x80, $0x38;
	[tilespmem:$0x10600] =	vst v63  }
0x167: {  	s21 =	sld [smem:$0x7ED];
	(v2sf) =	vpush v3, $0x4;
	s26 =	spop (v2sf);
	s29 =	sadd.s32 s4, s2  }
0x168: {  	s30 =	sand.u32 $0x1FFFFFF0, s26;
	s31 =	spop (v2sf);
	s26 =	sld [smem:$0x7EE]  }
0x169: {  	s11 =	sadd.s32 s3, s30;
	s12 =	sand.u32 $0x1FFFFFF0, s31;
	s13 =	spop (v2sf)  }
0x16a: {  	[tilespmem:s10], [sflag:$0x2] =	stream.linear.gather [hbm4b:s29+s14], $0x80, $0x38;
	[tilespmem:$0x10600] =	vst v63  }
0x16b: {  	(v2sf) =	vpush v63, $0x5;
	s31 =	sld [smem:$0x7EF];
	s16 =	sadd.s32 s4, s12;
	s18 =	sand.u32 $0x1FFFFFF0, s13  }
0x16c: {  	s20 =	spop (v2sf);
	(v2sf) =	vpush v3, $0x5;
	s12 =	sld [smem:$0x7F0];
	s22 =	sadd.s32 s3, s18  }
0x16d: {  	[tilespmem:s15], [sflag:$0x1] =	stream.linear.gather [hbm4b:s11+s14], $0x80, $0x38;
	[tilespmem:$0x10600] =	vst v63  }
0x16e: {  	s23 =	sand.u32 $0x1FFFFFF0, s20;
	s25 =	spop (v2sf);
	s18 =	sld [smem:$0x7F1]  }
0x16f: {  	(v2sf) =	vpush v63, $0x6;
	[tilespmem:s21], [sflag:$0x2] =	stream.linear.gather [hbm4b:s16+s14], $0x80, $0x38;
	[tilespmem:$0x10600] =	vst v63  }
0x170: {  	(v2sf) =	vpush v3, $0x6;
	s28 =	sadd.s32 s4, s23;
	s29 =	sand.u32 $0x1FFFFFF0, s25;
	s30 =	spop (v2sf)  }
0x171: {  	[tilespmem:s26], [sflag:$0x1] =	stream.linear.gather [hbm4b:s22+s14], $0x80, $0x38;
	[tilespmem:$0x10600] =	vst v63  }
0x172: {  	(v2sf) =	vpush v63, $0x7;
	s6 =	sadd.s32 s3, s29;
	s10 =	sand.u32 $0x1FFFFFF0, s30;
	s11 =	spop (v2sf)  }
0x173: {  	[tilespmem:s31], [sflag:$0x2] =	stream.linear.gather [hbm4b:s28+s14], $0x80, $0x38;
	[tilespmem:$0x10600] =	vst v63  }
0x174: {  	(v2sf) =	vpush v3, $0x7;
	s13 =	sadd.s32 s4, s10;
	s15 =	sand.u32 $0x1FFFFFF0, s11;
	s21 =	rddreg [dreg:$0x1f]  }
0x175: {  	[tilespmem:s12], [sflag:$0x1] =	stream.linear.gather [hbm4b:s6+s14], $0x80, $0x38;
	[tilespmem:$0x10600] =	vst v63  }
0x176: {  	s2 =	sadd.s32 s3, s15;
	s15 =	rddreg [dreg:$0x1c];
	s16 =	spop (v2sf)  }
0x177: {  	[tilespmem:s18], [sflag:$0x2] =	stream.linear.gather [hbm4b:s13+s14], $0x80, $0x38;
	[tilespmem:$0x10600] =	vst v63  }
0x178: {  	s0 =	sadd.s32 $0x8880, s24;
	s22 =	rddreg [dreg:$0x1e];
	(v2sf) =	vpush v63, $0x8;
	s20 =	sand.u32 $0x1FFFFFF0, s16  }
0x179: {  	[tilespmem:s21], [sflag:$0x1] =	stream.linear.gather [hbm4b:s2+s14], $0x80, $0x38;
	[tilespmem:$0x10600] =	vst v63  }
0x17a: {  	s28 =	rddreg [dreg:$0x1d];
	(v2sf) =	vpush v3, $0x8;
	s6 =	sadd.s32 s4, s20;
	s23 =	spop (v2sf)  }
0x17b: {  	s2 =	sadd.s32 $0x880, s24;
	s21 =	rddreg [dreg:$0x1a];
	s25 =	spop (v2sf)  }
0x17c: {  	[tilespmem:s22], [sflag:$0x2] =	stream.linear.gather [hbm4b:s6+s14], $0x80, $0x38;
	[tilespmem:$0x10600] =	vst v63  }
0x17d: {  	(v2sf) =	vpush v63, $0x9;
	s10 =	sand.u32 $0x1FFFFFF0, s23;
	s6 =	sadd.s32 $0x800, s24;
	s11 =	sand.u32 $0x1FFFFFF0, s25  }
0x17e: {  	s10 =	sadd.s32 s3, s10;
	s26 =	spop (v2sf);
	s29 =	sadd.s32 s4, s11  }
0x17f: {  	(v2sf) =	vpush v3, $0x9;
	s30 =	sand.u32 $0x1FFFFFF0, s26;
	s31 =	spop (v2sf);
	s26 =	rddreg [dreg:$0x19]  }
0x180: {  	(v2sf) =	vpush v63, $0xA;
	[tilespmem:s28], [sflag:$0x1] =	stream.linear.gather [hbm4b:s10+s14], $0x80, $0x38;
	[tilespmem:$0x10600] =	vst v63  }
0x181: {  	s16 =	sadd.s32 s3, s30;
	s18 =	sand.u32 $0x1FFFFFF0, s31;
	s20 =	spop (v2sf)  }
0x182: {  	(v2sf) =	vpush v3, $0xA;
	[tilespmem:s15], [sflag:$0x2] =	stream.linear.gather [hbm4b:s29+s14], $0x80, $0x38;
	[tilespmem:$0x10600] =	vst v63  }
0x183: {  	s31 =	rddreg [dreg:$0x18];
	s23 =	sand.u32 $0x1FFFFFF0, s20;
	s25 =	spop (v2sf)  }
0x184: {  	[tilespmem:s21], [sflag:$0x1] =	stream.linear.gather [hbm4b:s16+s14], $0x80, $0x38;
	[tilespmem:$0x10600] =	vst v63  }
0x185: {  	(v2sf) =	vpush v63, $0xB;
	s22 =	sadd.s32 s4, s18;
	s28 =	sadd.s32 s3, s23;
	s29 =	sand.u32 $0x1FFFFFF0, s25  }
0x186: {  	[tilespmem:s26], [sflag:$0x2] =	stream.linear.gather [hbm4b:s22+s14], $0x80, $0x38;
	[tilespmem:$0x10600] =	vst v63  }
0x187: {  	(v2sf) =	vpush v3, $0xB;
	s11 =	sadd.s32 s4, s29;
	s16 =	rddreg [dreg:$0x17];
	s30 =	spop (v2sf)  }
0x188: {  	[tilespmem:s31], [sflag:$0x1] =	stream.linear.gather [hbm4b:s28+s14], $0x80, $0x38;
	[tilespmem:$0x10600] =	vst v63  }
0x189: {  	s22 =	rddreg [dreg:$0x16];
	s12 =	sand.u32 $0x1FFFFFF0, s30;
	s15 =	spop (v2sf)  }
0x18a: {  	[tilespmem:s16], [sflag:$0x2] =	stream.linear.gather [hbm4b:s11+s14], $0x80, $0x38;
	[tilespmem:$0x10600] =	vst v63  }
0x18b: {  	(v2sf) =	vpush v63, $0xC;
	s28 =	rddreg [dreg:$0x15];
	s18 =	sadd.s32 s3, s12;
	s20 =	sand.u32 $0x1FFFFFF0, s15  }
0x18c: {  	s21 =	spop (v2sf);
	s15 =	rddreg [dreg:$0x14];
	s23 =	sadd.s32 s4, s20  }
0x18d: {  	(v2sf) =	vpush v3, $0xC;
	[tilespmem:s22], [sflag:$0x1] =	stream.linear.gather [hbm4b:s18+s14], $0x80, $0x38;
	[tilespmem:$0x10600] =	vst v63  }
0x18e: {  	(v2sf) =	vpush v63, $0xD;
	s25 =	sand.u32 $0x1FFFFFF0, s21;
	s21 =	rddreg [dreg:$0x13];
	s26 =	spop (v2sf)  }
0x18f: {  	s29 =	sadd.s32 s3, s25;
	s30 =	sand.u32 $0x1FFFFFF0, s26;
	s31 =	spop (v2sf)  }
0x190: {  	[tilespmem:s28], [sflag:$0x2] =	stream.linear.gather [hbm4b:s23+s14], $0x80, $0x38;
	[tilespmem:$0x10600] =	vst v63  }
0x191: {  	(v2sf) =	vpush v3, $0xD;
	s26 =	rddreg [dreg:$0x12];
	s16 =	sadd.s32 s4, s30;
	s20 =	spop (v2sf)  }
0x192: {  	s18 =	sand.u32 $0x1FFFFFF0, s31;
	s31 =	rddreg [dreg:$0x11];
	s23 =	sand.u32 $0x1FFFFFF0, s20  }
0x193: {  	(v2sf) =	vpush v63, $0xE;
	[tilespmem:s15], [sflag:$0x1] =	stream.linear.gather [hbm4b:s29+s14], $0x80, $0x38;
	[tilespmem:$0x10600] =	vst v63  }
0x194: {  	s22 =	sadd.s32 s3, s18;
	s25 =	spop (v2sf);
	s28 =	sadd.s32 s4, s23  }
0x195: {  	(v2sf) =	vpush v3, $0xE;
	[tilespmem:s21], [sflag:$0x2] =	stream.linear.gather [hbm4b:s16+s14], $0x80, $0x38;
	[tilespmem:$0x10600] =	vst v63  }
0x196: {  	s29 =	sand.u32 $0x1FFFFFF0, s25;
	s30 =	spop (v2sf);
	s16 =	rddreg [dreg:$0x10]  }
0x197: {  	[tilespmem:s26], [sflag:$0x1] =	stream.linear.gather [hbm4b:s22+s14], $0x80, $0x38;
	[tilespmem:$0x10600] =	vst v63  }
0x198: {  	s11 =	sadd.s32 s3, s29;
	s12 =	sand.u32 $0x1FFFFFF0, s30;
	s22 =	rddreg [dreg:$0xf]  }
0x199: {  	(v2sf) =	vpush v63, $0xF;
	[tilespmem:s31], [sflag:$0x2] =	stream.linear.gather [hbm4b:s28+s14], $0x80, $0x38;
	[tilespmem:$0x10600] =	vst v63  }
0x19a: {  	s18 =	sadd.s32 s4, s12;
	s28 =	rddreg [dreg:$0xe];
	s15 =	spop (v2sf)  }
0x19b: {  	(v2sf) =	vpush v3, $0xF;
	[tilespmem:s16], [sflag:$0x1] =	stream.linear.gather [hbm4b:s11+s14], $0x80, $0x38;
	[tilespmem:$0x10600] =	vst v63  }
0x19c: {  	s20 =	sand.u32 $0x1FFFFFF0, s15;
	s21 =	spop (v2sf);
	s15 =	rddreg [dreg:$0xd]  }
0x19d: {  	(v2sf) =	vpush v1, $0x6;
	s23 =	sadd.s32 s3, s20;
	s25 =	sand.u32 $0x1FFFFFF0, s21;
	s26 =	spop (v2sf)  }
0x19e: {  	[tilespmem:s22], [sflag:$0x2] =	stream.linear.gather [hbm4b:s18+s14], $0x80, $0x38;
	[tilespmem:$0x10600] =	vst v63  }
0x19f: {  	(v2sf) =	vpush v2, $0x7;
	s21 =	rddreg [dreg:$0xc];
	s29 =	sadd.s32 s4, s25;
	s30 =	sand.u32 $0x1FFFFFF0, s26  }
0x1a0: {  	(v2sf) =	vpush v1, $0x7;
	s26 =	rddreg [dreg:$0xb];
	s31 =	spop (v2sf);
	s16 =	sadd.s32 s3, s30  }
0x1a1: {  	[tilespmem:s28], [sflag:$0x1] =	stream.linear.gather [hbm4b:s23+s14], $0x80, $0x38;
	[tilespmem:$0x10600] =	vst v63  }
0x1a2: {  	(v2sf) =	vpush v2, $0x8;
	s18 =	sand.u32 $0x1FFFFFF0, s31;
	s20 =	spop (v2sf);
	s31 =	rddreg [dreg:$0xa]  }
0x1a3: {  	[tilespmem:s15], [sflag:$0x2] =	stream.linear.gather [hbm4b:s29+s14], $0x80, $0x38;
	[tilespmem:$0x10600] =	vst v63  }
0x1a4: {  	s22 =	sadd.s32 s4, s18;
	s23 =	sand.u32 $0x1FFFFFF0, s20;
	s25 =	spop (v2sf)  }
0x1a5: {  	[tilespmem:s21], [sflag:$0x1] =	stream.linear.gather [hbm4b:s16+s14], $0x80, $0x38;
	[tilespmem:$0x10600] =	vst v63  }
0x1a6: {  	(v2sf) =	vpush v1, $0x8;
	s18 =	sadd.s32 $0x8780, s24;
	s20 =	rddreg [dreg:$0x8];
	s29 =	sand.u32 $0x1FFFFFF0, s25  }
0x1a7: {  	[tilespmem:s26], [sflag:$0x2] =	stream.linear.gather [hbm4b:s22+s14], $0x80, $0x38;
	[tilespmem:$0x10600] =	vst v63  }
0x1a8: {  	(v2sf) =	vpush v2, $0x9;
	s28 =	sadd.s32 s3, s23;
	s30 =	spop (v2sf);
	s11 =	sadd.s32 s4, s29  }
0x1a9: {  	[tilespmem:s31], [sflag:$0x1] =	stream.linear.gather [hbm4b:s28+s14], $0x80, $0x38;
	[tilespmem:$0x10600] =	vst v63  }
0x1aa: {  	(v2sf) =	vpush v1, $0x9;
	s12 =	sand.u32 $0x1FFFFFF0, s30;
	s15 =	spop (v2sf);
	s16 =	rddreg [dreg:$0x9]  }
0x1ab: {  	[tilespmem:s16], [sflag:$0x2] =	stream.linear.gather [hbm4b:s11+s14], $0x80, $0x38;
	[tilespmem:$0x10600] =	vst v63  }
0x1ac: {  	s23 =	rddreg [dreg:$0x7];
	(v2sf) =	vpush v2, $0xA;
	s11 =	sadd.s32 s3, s12;
	s22 =	spop (v2sf)  }
0x1ad: {  	[tilespmem:s20], [sflag:$0x1] =	stream.linear.gather [hbm4b:s11+s14], $0x80, $0x38;
	[tilespmem:$0x10600] =	vst v63  }
0x1ae: {  	s25 =	sadd.s32 $0x8700, s24;
	s12 =	sand.u32 $0x1FFFFFF0, s15;
	(v2sf) =	vpush v1, $0xA;
	s26 =	spop (v2sf)  }
0x1af: {  	s12 =	sadd.s32 s4, s12;
	s13 =	sand.u32 $0x1FFFFFF0, s22;
	(v2sf) =	vpush v2, $0xB;
	s28 =	spop (v2sf)  }
0x1b0: {  	[tilespmem:s23], [sflag:$0x2] =	stream.linear.gather [hbm4b:s12+s14], $0x80, $0x38;
	[tilespmem:$0x10600] =	vst v63  }
0x1b1: {  	s13 =	sadd.s32 s4, s13;
	s15 =	sand.u32 $0x1FFFFFF0, s26;
	(v2sf) =	vpush v1, $0xB;
	s31 =	spop (v2sf)  }
0x1b2: {  	(v2sf) =	vpush v2, $0xC;
	[tilespmem:s25], [sflag:$0x2] =	stream.linear.gather [hbm4b:s13+s14], $0x80, $0x38;
	[tilespmem:$0x10600] =	vst v63  }
0x1b3: {  	s21 =	sadd.s32 $0x780, s24;
	s29 =	sadd.s32 s3, s15;
	s30 =	sand.u32 $0x1FFFFFF0, s28  }
0x1b4: {  	[tilespmem:s21], [sflag:$0x1] =	stream.linear.gather [hbm4b:s29+s14], $0x80, $0x38;
	[tilespmem:$0x10600] =	vst v63  }
0x1b5: {  	s12 =	sadd.s32 s4, s30;
	s15 =	spop (v2sf);
	s13 =	sand.u32 $0x1FFFFFF0, s31  }
0x1b6: {  	(v2sf) =	vpush v1, $0xC;
	[tilespmem:s18], [sflag:$0x2] =	stream.linear.gather [hbm4b:s12+s14], $0x80, $0x38;
	[tilespmem:$0x10600] =	vst v63  }
0x1b7: {  	s20 =	spop (v2sf);
	s16 =	sadd.s32 s3, s13;
	s18 =	sand.u32 $0x1FFFFFF0, s15  }
0x1b8: {  	(v2sf) =	vpush v2, $0xD;
	[tilespmem:s6], [sflag:$0x1] =	stream.linear.gather [hbm4b:s16+s14], $0x80, $0x38;
	[tilespmem:$0x10600] =	vst v63  }
0x1b9: {  	s22 =	sand.u32 $0x1FFFFFF0, s20;
	s23 =	spop (v2sf);
	s21 =	sadd.s32 s4, s18  }
0x1ba: {  	[tilespmem:s5], [sflag:$0x2] =	stream.linear.gather [hbm4b:s21+s14], $0x80, $0x38;
	[tilespmem:$0x10600] =	vst v63  }
0x1bb: {  	s25 =	sadd.s32 s3, s22;
	s26 =	sand.u32 $0x1FFFFFF0, s23;
	s28 =	spop (v2sf)  }
0x1bc: {  	(v2sf) =	vpush v1, $0xD;
	[tilespmem:s2], [sflag:$0x1] =	stream.linear.gather [hbm4b:s25+s14], $0x80, $0x38;
	[tilespmem:$0x10600] =	vst v63  }
0x1bd: {  	s29 =	sadd.s32 s4, s26;
	s30 =	sand.u32 $0x1FFFFFF0, s28;
	s31 =	spop (v2sf)  }
0x1be: {  	(v2sf) =	vpush v2, $0xE;
	s26 =	sld [smem:$0x7F2];
	s2 =	sadd.s32 s3, s30;
	s6 =	spop (v2sf)  }
0x1bf: {  	[tilespmem:s0], [sflag:$0x2] =	stream.linear.gather [hbm4b:s29+s14], $0x80, $0x38;
	[tilespmem:$0x10600] =	vst v63  }
0x1c0: {  	(v2sf) =	vpush v1, $0xE;
	s5 =	sand.u32 $0x1FFFFFF0, s31;
	s31 =	sld [smem:$0x7F3];
	s12 =	spop (v2sf)  }
0x1c1: {  	s10 =	sadd.s32 s4, s5;
	s11 =	sand.u32 $0x1FFFFFF0, s6;
	s16 =	spop (v2sf)  }
0x1c2: {  	(v2sf) =	vpush v2, $0xF;
	[tilespmem:s1], [sflag:$0x1] =	stream.linear.gather [hbm4b:s2+s14], $0x80, $0x38;
	[tilespmem:$0x10600] =	vst v63  }
0x1c3: {  	s13 =	sadd.s32 s3, s11;
	s15 =	sand.u32 $0x1FFFFFF0, s12;
	s20 =	sand.u32 $0x1FFFFFF0, s16  }
0x1c4: {  	[tilespmem:s8], [sflag:$0x2] =	stream.linear.gather [hbm4b:s10+s14], $0x80, $0x38;
	[tilespmem:$0x10600] =	vst v63  }
0x1c5: {  	s18 =	sadd.s32 s4, s15;
	s21 =	spop (v2sf);
	s22 =	sadd.s32 s3, s20  }
0x1c6: {  	(v2sf) =	vpush v1, $0xF;
	[tilespmem:s7], [sflag:$0x1] =	stream.linear.gather [hbm4b:s13+s14], $0x80, $0x38;
	[tilespmem:$0x10600] =	vst v63  }
0x1c7: {  	s23 =	sand.u32 $0x1FFFFFF0, s21;
	s25 =	spop (v2sf);
	s20 =	sld [smem:$0x7F6]  }
0x1c8: {  	[tilespmem:s9], [sflag:$0x2] =	stream.linear.gather [hbm4b:s18+s14], $0x80, $0x38;
	[tilespmem:$0x10600] =	vst v63  }
0x1c9: {  	s28 =	sadd.s32 s4, s23;
	s29 =	sand.u32 $0x1FFFFFF0, s25;
	s25 =	sld [smem:$0x7F7]  }
0x1ca: {  	[tilespmem:s26], [sflag:$0x1] =	stream.linear.gather [hbm4b:s22+s14], $0x80, $0x38;
	[tilespmem:$0x10600] =	vst v63  }
0x1cb: {  	s30 =	spop (v2sf);
	s6 =	sadd.s32 s3, s29;
	s9 =	sld [smem:$0x7F4]  }
0x1cc: {  	[tilespmem:s31], [sflag:$0x2] =	stream.linear.gather [hbm4b:s28+s14], $0x80, $0x38;
	[tilespmem:$0x10600] =	vst v63  }
0x1cd: {  	s8 =	spop (v2sf);
	s7 =	sand.u32 $0x1FFFFFF0, s30;
	s13 =	sld [smem:$0x7F5]  }
0x1ce: {  	[tilespmem:s9], [sflag:$0x1] =	stream.linear.gather [hbm4b:s6+s14], $0x80, $0x38;
	[tilespmem:$0x10600] =	vst v63  }
0x1cf: {  	s11 =	sand.u32 $0x1FFFFFF0, s8;
	s10 =	sadd.s32 s4, s7;
	s12 =	spop (v2sf)  }
0x1d0: {  	[tilespmem:s13], [sflag:$0x2] =	stream.linear.gather [hbm4b:s10+s14], $0x80, $0x38;
	[tilespmem:$0x10600] =	vst v63  }
0x1d1: {  	s15 =	sadd.s32 s3, s11;
	s16 =	sand.u32 $0x1FFFFFF0, s12;
	s18 =	spop (v2sf)  }
0x1d2: {  	[tilespmem:s20], [sflag:$0x1] =	stream.linear.gather [hbm4b:s15+s14], $0x80, $0x38;
	[tilespmem:$0x10600] =	vst v63  }
0x1d3: {  	p1 =	slt.u32 s17, $0xC;
	s21 =	sadd.s32 s4, s16;
	s22 =	sand.u32 $0x1FFFFFF0, s18  }
0x1d4: {  	[tilespmem:s25], [sflag:$0x2] =	stream.linear.gather [hbm4b:s21+s14], $0x80, $0x38;
	[tilespmem:$0x10600] =	vst v63  }
0x1d5: {  	s26 =	sadd.s32 $0xB80, s24;
	s23 =	spop (v2sf);
	s1 =	sadd.s32 s3, s22  }
0x1d6: {  	[tilespmem:s26], [sflag:$0x1] =	stream.linear.gather [hbm4b:s1+s14], $0x80, $0x38;
	[tilespmem:$0x10600] =	vst v63  }
.Ltmp0:
0x1d7: {  	s30 =	rddreg [dreg:$0x6];
	s2 =	sand.u32 $0x1FFFFFF0, s23;
	(pc) =	sbr.rel @p1 .LBB2_3-.Ltmp0, $4  }
0x1d8: {  	s28 =	sadd.s32 $0x8B80, s24;
	s31 =	rddreg [dreg:$0x1b];
	s29 =	sadd.s32 s4, s2  }
0x1d9: {  	[tilespmem:s28], [sflag:$0x2] =	stream.linear.gather [hbm4b:s29+s14], $0x80, $0x38;
	[tilespmem:$0x10600] =	vst v63  }
0x1da: {  	s8 =	sadd.s32 $0x40, s19;
	s0 =	sadd.s32 $0x8000, s30;
	s11 =	smov.u32 s31;
	v2 =	vld [tilespmem:s19+$0xFFFFFFF0]  }
0x1db: {  	s9 =	sadd.s32 $0x40, s31;
	s10 =	smov.u32 s19;
	s25 =	smov.u32 s24;
	v1 =	vld [tilespmem:s11+$0xFFFFFFF0]  }
0x1dc: {  	_ =	sdelay $0x2  }
0x1dd: {  	v2 =	vshll.u32 v2, $0x4  }
0x1de: {  	(v2sf) =	vpush v2, $0x0  }
0x1df: {  	v1 =	vshll.u32 v1, $0x4  }
0x1e0: {  	(v2sf) =	vpush v1, $0x0;
	_ =	sdelay $0x1  }
0x1e1: {  	(v2sf) =	vpush v2, $0x1;
	_ =	sdelay $0x2  }
0x1e2: {  	(v2sf) =	vpush v1, $0x1;
	_ =	sdelay $0x7  }
0x1e3: {  	s0 =	spop (v2sf);
	(v2sf) =	vpush v2, $0x2;
	_ =	sdelay $0x1  }
0x1e4: {  	s5 =	spop (v2sf);
	(v2sf) =	vpush v1, $0x2;
	_ =	sdelay $0x1  }
0x1e5: {  	s7 =	spop (v2sf);
	(v2sf) =	vpush v2, $0x3;
	_ =	sdelay $0x2  }
0x1e6: {  	s9 =	spop (v2sf);
	(v2sf) =	vpush v1, $0x3;
	_ =	sdelay $0x4  }
0x1e7: {  	s0 =	sand.u32 $0x1FFFFFF0, s0  }
0x1e8: {  	s1 =	sadd.s32 $0xC00, s25;
	s0 =	sadd.s32 s3, s0  }
0x1e9: {  	[tilespmem:s1], [sflag:$0x1] =	stream.linear.gather [hbm4b:s0+s14], $0x80, $0x38;
	[tilespmem:$0x10600] =	vst v63  }
0x1ea: {  	s13 =	spop (v2sf);
	(v2sf) =	vpush v2, $0x4  }
0x1eb: {  	s0 =	sand.u32 $0x1FFFFFF0, s5  }
0x1ec: {  	s6 =	sadd.s32 $0x8C00, s25;
	s0 =	sadd.s32 s4, s0;
	s16 =	spop (v2sf);
	(v2sf) =	vpush v1, $0x4  }
0x1ed: {  	[tilespmem:s6], [sflag:$0x2] =	stream.linear.gather [hbm4b:s0+s14], $0x80, $0x38;
	[tilespmem:$0x10600] =	vst v63  }
0x1ee: {  	s0 =	sand.u32 $0x1FFFFFF0, s7;
	s18 =	spop (v2sf);
	(v2sf) =	vpush v2, $0x5  }
0x1ef: {  	s8 =	sadd.s32 $0xC80, s25;
	s0 =	sadd.s32 s3, s0  }
0x1f0: {  	[tilespmem:s8], [sflag:$0x1] =	stream.linear.gather [hbm4b:s0+s14], $0x80, $0x38;
	[tilespmem:$0x10600] =	vst v63  }
0x1f1: {  	s20 =	spop (v2sf);
	(v2sf) =	vpush v1, $0x5  }
0x1f2: {  	s0 =	sand.u32 $0x1FFFFFF0, s9  }
0x1f3: {  	s12 =	sadd.s32 $0x8C80, s25;
	s0 =	sadd.s32 s4, s0  }
0x1f4: {  	[tilespmem:s12], [sflag:$0x2] =	stream.linear.gather [hbm4b:s0+s14], $0x80, $0x38;
	[tilespmem:$0x10600] =	vst v63  }
0x1f5: {  	s0 =	sand.u32 $0x1FFFFFF0, s13  }
0x1f6: {  	s15 =	sadd.s32 $0xD00, s25;
	s0 =	sadd.s32 s3, s0  }
0x1f7: {  	[tilespmem:s15], [sflag:$0x1] =	stream.linear.gather [hbm4b:s0+s14], $0x80, $0x38;
	[tilespmem:$0x10600] =	vst v63  }
0x1f8: {  	s0 =	sand.u32 $0x1FFFFFF0, s16  }
0x1f9: {  	s17 =	sadd.s32 $0x8D00, s25;
	s0 =	sadd.s32 s4, s0;
	s22 =	spop (v2sf);
	(v2sf) =	vpush v2, $0x6  }
0x1fa: {  	[tilespmem:s17], [sflag:$0x2] =	stream.linear.gather [hbm4b:s0+s14], $0x80, $0x38;
	[tilespmem:$0x10600] =	vst v63  }
0x1fb: {  	s24 =	spop (v2sf);
	(v2sf) =	vpush v1, $0x6  }
0x1fc: {  	s0 =	sand.u32 $0x1FFFFFF0, s18  }
0x1fd: {  	s19 =	sadd.s32 $0xD80, s25;
	s0 =	sadd.s32 s3, s0;
	s28 =	spop (v2sf);
	(v2sf) =	vpush v2, $0x7  }
0x1fe: {  	[tilespmem:s19], [sflag:$0x1] =	stream.linear.gather [hbm4b:s0+s14], $0x80, $0x38;
	[tilespmem:$0x10600] =	vst v63  }
0x1ff: {  	s0 =	sand.u32 $0x1FFFFFF0, s20  }
0x200: {  	s21 =	sadd.s32 $0x8D80, s25;
	s0 =	sadd.s32 s4, s0;
	s30 =	spop (v2sf);
	(v2sf) =	vpush v1, $0x7  }
0x201: {  	[tilespmem:s21], [sflag:$0x2] =	stream.linear.gather [hbm4b:s0+s14], $0x80, $0x38;
	[tilespmem:$0x10600] =	vst v63  }
0x202: {  	s0 =	sand.u32 $0x1FFFFFF0, s22  }
0x203: {  	s23 =	sadd.s32 $0xE00, s25;
	s0 =	sadd.s32 s3, s0  }
0x204: {  	[tilespmem:s23], [sflag:$0x1] =	stream.linear.gather [hbm4b:s0+s14], $0x80, $0x38;
	[tilespmem:$0x10600] =	vst v63  }
0x205: {  	s0 =	sand.u32 $0x1FFFFFF0, s24  }
0x206: {  	s26 =	sadd.s32 $0x8E00, s25;
	s0 =	sadd.s32 s4, s0  }
0x207: {  	[tilespmem:s26], [sflag:$0x2] =	stream.linear.gather [hbm4b:s0+s14], $0x80, $0x38;
	[tilespmem:$0x10600] =	vst v63  }
0x208: {  	s1 =	spop (v2sf);
	(v2sf) =	vpush v2, $0x8  }
0x209: {  	s0 =	sand.u32 $0x1FFFFFF0, s28  }
0x20a: {  	s29 =	sadd.s32 $0xE80, s25;
	s0 =	sadd.s32 s3, s0;
	s5 =	spop (v2sf);
	(v2sf) =	vpush v1, $0x8  }
0x20b: {  	[tilespmem:s29], [sflag:$0x1] =	stream.linear.gather [hbm4b:s0+s14], $0x80, $0x38;
	[tilespmem:$0x10600] =	vst v63  }
0x20c: {  	s0 =	sand.u32 $0x1FFFFFF0, s30;
	s7 =	spop (v2sf);
	(v2sf) =	vpush v2, $0x9  }
0x20d: {  	s31 =	sadd.s32 $0x8E80, s25;
	s0 =	sadd.s32 s4, s0  }
0x20e: {  	[tilespmem:s31], [sflag:$0x2] =	stream.linear.gather [hbm4b:s0+s14], $0x80, $0x38;
	[tilespmem:$0x10600] =	vst v63  }
0x20f: {  	s9 =	spop (v2sf);
	(v2sf) =	vpush v1, $0x9  }
0x210: {  	s0 =	sand.u32 $0x1FFFFFF0, s1  }
0x211: {  	s2 =	sadd.s32 $0xF00, s25;
	s0 =	sadd.s32 s3, s0  }
0x212: {  	[tilespmem:s2], [sflag:$0x1] =	stream.linear.gather [hbm4b:s0+s14], $0x80, $0x38;
	[tilespmem:$0x10600] =	vst v63  }
0x213: {  	s0 =	sand.u32 $0x1FFFFFF0, s5  }
0x214: {  	s6 =	sadd.s32 $0x8F00, s25;
	s0 =	sadd.s32 s4, s0  }
0x215: {  	[tilespmem:s6], [sflag:$0x2] =	stream.linear.gather [hbm4b:s0+s14], $0x80, $0x38;
	[tilespmem:$0x10600] =	vst v63  }
0x216: {  	s0 =	sand.u32 $0x1FFFFFF0, s7  }
0x217: {  	s8 =	sadd.s32 $0xF80, s25;
	s0 =	sadd.s32 s3, s0;
	s13 =	spop (v2sf);
	(v2sf) =	vpush v2, $0xA  }
0x218: {  	[tilespmem:s8], [sflag:$0x1] =	stream.linear.gather [hbm4b:s0+s14], $0x80, $0x38;
	[tilespmem:$0x10600] =	vst v63  }
0x219: {  	s16 =	spop (v2sf);
	(v2sf) =	vpush v1, $0xA  }
0x21a: {  	s0 =	sand.u32 $0x1FFFFFF0, s9  }
0x21b: {  	s12 =	sadd.s32 $0x8F80, s25;
	s0 =	sadd.s32 s4, s0;
	s18 =	spop (v2sf);
	(v2sf) =	vpush v2, $0xB  }
0x21c: {  	[tilespmem:s12], [sflag:$0x2] =	stream.linear.gather [hbm4b:s0+s14], $0x80, $0x38;
	[tilespmem:$0x10600] =	vst v63  }
0x21d: {  	s0 =	sand.u32 $0x1FFFFFF0, s13  }
0x21e: {  	s15 =	sadd.s32 $0x1000, s25;
	s0 =	sadd.s32 s3, s0;
	s20 =	spop (v2sf);
	(v2sf) =	vpush v1, $0xB  }
0x21f: {  	[tilespmem:s15], [sflag:$0x1] =	stream.linear.gather [hbm4b:s0+s14], $0x80, $0x38;
	[tilespmem:$0x10600] =	vst v63  }
0x220: {  	s0 =	sand.u32 $0x1FFFFFF0, s16  }
0x221: {  	s17 =	sadd.s32 $0x9000, s25;
	s0 =	sadd.s32 s4, s0  }
0x222: {  	[tilespmem:s17], [sflag:$0x2] =	stream.linear.gather [hbm4b:s0+s14], $0x80, $0x38;
	[tilespmem:$0x10600] =	vst v63  }
0x223: {  	s0 =	sand.u32 $0x1FFFFFF0, s18  }
0x224: {  	s19 =	sadd.s32 $0x1080, s25;
	s0 =	sadd.s32 s3, s0  }
0x225: {  	[tilespmem:s19], [sflag:$0x1] =	stream.linear.gather [hbm4b:s0+s14], $0x80, $0x38;
	[tilespmem:$0x10600] =	vst v63  }
0x226: {  	s22 =	spop (v2sf);
	(v2sf) =	vpush v2, $0xC  }
0x227: {  	s0 =	sand.u32 $0x1FFFFFF0, s20  }
0x228: {  	s21 =	sadd.s32 $0x9080, s25;
	s0 =	sadd.s32 s4, s0;
	s24 =	spop (v2sf);
	(v2sf) =	vpush v1, $0xC  }
0x229: {  	[tilespmem:s21], [sflag:$0x2] =	stream.linear.gather [hbm4b:s0+s14], $0x80, $0x38;
	[tilespmem:$0x10600] =	vst v63  }
0x22a: {  	s0 =	sand.u32 $0x1FFFFFF0, s22;
	s28 =	spop (v2sf);
	(v2sf) =	vpush v2, $0xD  }
0x22b: {  	s23 =	sadd.s32 $0x1100, s25;
	s0 =	sadd.s32 s3, s0  }
0x22c: {  	[tilespmem:s23], [sflag:$0x1] =	stream.linear.gather [hbm4b:s0+s14], $0x80, $0x38;
	[tilespmem:$0x10600] =	vst v63  }
0x22d: {  	s30 =	spop (v2sf);
	(v2sf) =	vpush v1, $0xD  }
0x22e: {  	s0 =	sand.u32 $0x1FFFFFF0, s24  }
0x22f: {  	s26 =	sadd.s32 $0x9100, s25;
	s0 =	sadd.s32 s4, s0  }
0x230: {  	[tilespmem:s26], [sflag:$0x2] =	stream.linear.gather [hbm4b:s0+s14], $0x80, $0x38;
	[tilespmem:$0x10600] =	vst v63  }
0x231: {  	s0 =	sand.u32 $0x1FFFFFF0, s28  }
0x232: {  	s29 =	sadd.s32 $0x1180, s25;
	s0 =	sadd.s32 s3, s0  }
0x233: {  	[tilespmem:s29], [sflag:$0x1] =	stream.linear.gather [hbm4b:s0+s14], $0x80, $0x38;
	[tilespmem:$0x10600] =	vst v63  }
0x234: {  	s0 =	sand.u32 $0x1FFFFFF0, s30  }
0x235: {  	s31 =	sadd.s32 $0x9180, s25;
	s0 =	sadd.s32 s4, s0;
	s1 =	spop (v2sf);
	(v2sf) =	vpush v2, $0xE  }
0x236: {  	[tilespmem:s31], [sflag:$0x2] =	stream.linear.gather [hbm4b:s0+s14], $0x80, $0x38;
	[tilespmem:$0x10600] =	vst v63  }
0x237: {  	s5 =	spop (v2sf);
	(v2sf) =	vpush v1, $0xE  }
0x238: {  	s0 =	sand.u32 $0x1FFFFFF0, s1  }
0x239: {  	s2 =	sadd.s32 $0x1200, s25;
	s0 =	sadd.s32 s3, s0;
	s7 =	spop (v2sf)  }
0x23a: {  	(v2sf) =	vpush v2, $0xF;
	[tilespmem:s2], [sflag:$0x1] =	stream.linear.gather [hbm4b:s0+s14], $0x80, $0x38;
	[tilespmem:$0x10600] =	vst v63  }
0x23b: {  	s0 =	sand.u32 $0x1FFFFFF0, s5  }
0x23c: {  	s6 =	sadd.s32 $0x9200, s25;
	s9 =	spop (v2sf);
	s0 =	sadd.s32 s4, s0  }
0x23d: {  	(v2sf) =	vpush v1, $0xF;
	[tilespmem:s6], [sflag:$0x2] =	stream.linear.gather [hbm4b:s0+s14], $0x80, $0x38;
	[tilespmem:$0x10600] =	vst v63  }
0x23e: {  	s0 =	sand.u32 $0x1FFFFFF0, s7  }
0x23f: {  	s8 =	sadd.s32 $0x1280, s25;
	s0 =	sadd.s32 s3, s0  }
0x240: {  	[tilespmem:s8], [sflag:$0x1] =	stream.linear.gather [hbm4b:s0+s14], $0x80, $0x38;
	[tilespmem:$0x10600] =	vst v63  }
0x241: {  	s0 =	sand.u32 $0x1FFFFFF0, s9  }
0x242: {  	s12 =	sadd.s32 $0x9280, s25;
	s0 =	sadd.s32 s4, s0  }
0x243: {  	[tilespmem:s12], [sflag:$0x2] =	stream.linear.gather [hbm4b:s0+s14], $0x80, $0x38;
	[tilespmem:$0x10600] =	vst v63  }
0x244: {  	s13 =	spop (v2sf)  }
0x245: {  	s0 =	sand.u32 $0x1FFFFFF0, s13  }
0x246: {  	s15 =	sadd.s32 $0x1300, s25;
	s16 =	spop (v2sf);
	s0 =	sadd.s32 s3, s0  }
0x247: {  	[tilespmem:s15], [sflag:$0x1] =	stream.linear.gather [hbm4b:s0+s14], $0x80, $0x38;
	[tilespmem:$0x10600] =	vst v63  }
0x248: {  	s0 =	sand.u32 $0x1FFFFFF0, s16  }
0x249: {  	s17 =	sadd.s32 $0x9300, s25;
	s18 =	spop (v2sf);
	s0 =	sadd.s32 s4, s0  }
0x24a: {  	[tilespmem:s17], [sflag:$0x2] =	stream.linear.gather [hbm4b:s0+s14], $0x80, $0x38;
	[tilespmem:$0x10600] =	vst v63  }
0x24b: {  	s0 =	sand.u32 $0x1FFFFFF0, s18  }
0x24c: {  	s19 =	sadd.s32 $0x1380, s25;
	s20 =	spop (v2sf);
	s0 =	sadd.s32 s3, s0  }
0x24d: {  	[tilespmem:s19], [sflag:$0x1] =	stream.linear.gather [hbm4b:s0+s14], $0x80, $0x38;
	[tilespmem:$0x10600] =	vst v63  }
0x24e: {  	s0 =	sand.u32 $0x1FFFFFF0, s20  }
0x24f: {  	s21 =	sadd.s32 $0x9380, s25;
	s0 =	sadd.s32 s4, s0  }
0x250: {  	[tilespmem:s21], [sflag:$0x2] =	stream.linear.gather [hbm4b:s0+s14], $0x80, $0x38;
	[tilespmem:$0x10600] =	vst v63  }
0x251: {  	v1 =	vld [tilespmem:s10+$0x0];
	_ =	sdelay $0x1  }
0x252: {  	v3 =	vld [tilespmem:s11+$0x0];
	_ =	sdelay $0x2  }
0x253: {  	v2 =	vshll.u32 v1, $0x4  }
0x254: {  	(v2sf) =	vpush v2, $0x0  }
0x255: {  	v1 =	vshll.u32 v3, $0x4  }
0x256: {  	(v2sf) =	vpush v1, $0x0;
	_ =	sdelay $0x1  }
0x257: {  	(v2sf) =	vpush v2, $0x1;
	_ =	sdelay $0x2  }
0x258: {  	(v2sf) =	vpush v1, $0x1;
	_ =	sdelay $0x7  }
0x259: {  	s22 =	spop (v2sf);
	(v2sf) =	vpush v2, $0x2;
	_ =	sdelay $0x1  }
0x25a: {  	s24 =	spop (v2sf);
	(v2sf) =	vpush v1, $0x2;
	_ =	sdelay $0x1  }
0x25b: {  	s28 =	spop (v2sf);
	(v2sf) =	vpush v2, $0x3;
	_ =	sdelay $0x2  }
0x25c: {  	s30 =	spop (v2sf);
	(v2sf) =	vpush v1, $0x3;
	_ =	sdelay $0x4  }
0x25d: {  	s0 =	sand.u32 $0x1FFFFFF0, s22  }
0x25e: {  	s23 =	sadd.s32 $0x1400, s25;
	s0 =	sadd.s32 s3, s0  }
0x25f: {  	[tilespmem:s23], [sflag:$0x1] =	stream.linear.gather [hbm4b:s0+s14], $0x80, $0x38;
	[tilespmem:$0x10600] =	vst v63  }
0x260: {  	s1 =	spop (v2sf);
	(v2sf) =	vpush v2, $0x4  }
0x261: {  	s0 =	sand.u32 $0x1FFFFFF0, s24  }
0x262: {  	s26 =	sadd.s32 $0x9400, s25;
	s0 =	sadd.s32 s4, s0;
	s5 =	spop (v2sf);
	(v2sf) =	vpush v1, $0x4  }
0x263: {  	[tilespmem:s26], [sflag:$0x2] =	stream.linear.gather [hbm4b:s0+s14], $0x80, $0x38;
	[tilespmem:$0x10600] =	vst v63  }
0x264: {  	s0 =	sand.u32 $0x1FFFFFF0, s28;
	s7 =	spop (v2sf);
	(v2sf) =	vpush v2, $0x5  }
0x265: {  	s29 =	sadd.s32 $0x1480, s25;
	s0 =	sadd.s32 s3, s0  }
0x266: {  	[tilespmem:s29], [sflag:$0x1] =	stream.linear.gather [hbm4b:s0+s14], $0x80, $0x38;
	[tilespmem:$0x10600] =	vst v63  }
0x267: {  	s9 =	spop (v2sf);
	(v2sf) =	vpush v1, $0x5  }
0x268: {  	s0 =	sand.u32 $0x1FFFFFF0, s30  }
0x269: {  	s31 =	sadd.s32 $0x9480, s25;
	s0 =	sadd.s32 s4, s0  }
0x26a: {  	[tilespmem:s31], [sflag:$0x2] =	stream.linear.gather [hbm4b:s0+s14], $0x80, $0x38;
	[tilespmem:$0x10600] =	vst v63  }
0x26b: {  	s0 =	sand.u32 $0x1FFFFFF0, s1  }
0x26c: {  	s2 =	sadd.s32 $0x1500, s25;
	s0 =	sadd.s32 s3, s0  }
0x26d: {  	[tilespmem:s2], [sflag:$0x1] =	stream.linear.gather [hbm4b:s0+s14], $0x80, $0x38;
	[tilespmem:$0x10600] =	vst v63  }
0x26e: {  	s0 =	sand.u32 $0x1FFFFFF0, s5  }
0x26f: {  	s6 =	sadd.s32 $0x9500, s25;
	s0 =	sadd.s32 s4, s0;
	s13 =	spop (v2sf);
	(v2sf) =	vpush v2, $0x6  }
0x270: {  	[tilespmem:s6], [sflag:$0x2] =	stream.linear.gather [hbm4b:s0+s14], $0x80, $0x38;
	[tilespmem:$0x10600] =	vst v63  }
0x271: {  	s16 =	spop (v2sf);
	(v2sf) =	vpush v1, $0x6  }
0x272: {  	s0 =	sand.u32 $0x1FFFFFF0, s7  }
0x273: {  	s8 =	sadd.s32 $0x1580, s25;
	s0 =	sadd.s32 s3, s0;
	s18 =	spop (v2sf);
	(v2sf) =	vpush v2, $0x7  }
0x274: {  	[tilespmem:s8], [sflag:$0x1] =	stream.linear.gather [hbm4b:s0+s14], $0x80, $0x38;
	[tilespmem:$0x10600] =	vst v63  }
0x275: {  	s0 =	sand.u32 $0x1FFFFFF0, s9  }
0x276: {  	s12 =	sadd.s32 $0x9580, s25;
	s0 =	sadd.s32 s4, s0;
	s20 =	spop (v2sf);
	(v2sf) =	vpush v1, $0x7  }
0x277: {  	[tilespmem:s12], [sflag:$0x2] =	stream.linear.gather [hbm4b:s0+s14], $0x80, $0x38;
	[tilespmem:$0x10600] =	vst v63  }
0x278: {  	s0 =	sand.u32 $0x1FFFFFF0, s13  }
0x279: {  	s15 =	sadd.s32 $0x1600, s25;
	s0 =	sadd.s32 s3, s0  }
0x27a: {  	[tilespmem:s15], [sflag:$0x1] =	stream.linear.gather [hbm4b:s0+s14], $0x80, $0x38;
	[tilespmem:$0x10600] =	vst v63  }
0x27b: {  	s0 =	sand.u32 $0x1FFFFFF0, s16  }
0x27c: {  	s17 =	sadd.s32 $0x9600, s25;
	s0 =	sadd.s32 s4, s0  }
0x27d: {  	[tilespmem:s17], [sflag:$0x2] =	stream.linear.gather [hbm4b:s0+s14], $0x80, $0x38;
	[tilespmem:$0x10600] =	vst v63  }
0x27e: {  	s22 =	spop (v2sf);
	(v2sf) =	vpush v2, $0x8  }
0x27f: {  	s0 =	sand.u32 $0x1FFFFFF0, s18  }
0x280: {  	s19 =	sadd.s32 $0x1680, s25;
	s0 =	sadd.s32 s3, s0;
	s24 =	spop (v2sf);
	(v2sf) =	vpush v1, $0x8  }
0x281: {  	[tilespmem:s19], [sflag:$0x1] =	stream.linear.gather [hbm4b:s0+s14], $0x80, $0x38;
	[tilespmem:$0x10600] =	vst v63  }
0x282: {  	s0 =	sand.u32 $0x1FFFFFF0, s20;
	s28 =	spop (v2sf);
	(v2sf) =	vpush v2, $0x9  }
0x283: {  	s21 =	sadd.s32 $0x9680, s25;
	s0 =	sadd.s32 s4, s0  }
0x284: {  	[tilespmem:s21], [sflag:$0x2] =	stream.linear.gather [hbm4b:s0+s14], $0x80, $0x38;
	[tilespmem:$0x10600] =	vst v63  }
0x285: {  	s30 =	spop (v2sf);
	(v2sf) =	vpush v1, $0x9  }
0x286: {  	s0 =	sand.u32 $0x1FFFFFF0, s22  }
0x287: {  	s23 =	sadd.s32 $0x1700, s25;
	s0 =	sadd.s32 s3, s0  }
0x288: {  	[tilespmem:s23], [sflag:$0x1] =	stream.linear.gather [hbm4b:s0+s14], $0x80, $0x38;
	[tilespmem:$0x10600] =	vst v63  }
0x289: {  	s0 =	sand.u32 $0x1FFFFFF0, s24  }
0x28a: {  	s26 =	sadd.s32 $0x9700, s25;
	s0 =	sadd.s32 s4, s0  }
0x28b: {  	[tilespmem:s26], [sflag:$0x2] =	stream.linear.gather [hbm4b:s0+s14], $0x80, $0x38;
	[tilespmem:$0x10600] =	vst v63  }
0x28c: {  	s0 =	sand.u32 $0x1FFFFFF0, s28  }
0x28d: {  	s29 =	sadd.s32 $0x1780, s25;
	s0 =	sadd.s32 s3, s0;
	s1 =	spop (v2sf);
	(v2sf) =	vpush v2, $0xA  }
0x28e: {  	[tilespmem:s29], [sflag:$0x1] =	stream.linear.gather [hbm4b:s0+s14], $0x80, $0x38;
	[tilespmem:$0x10600] =	vst v63  }
0x28f: {  	s5 =	spop (v2sf);
	(v2sf) =	vpush v1, $0xA  }
0x290: {  	s0 =	sand.u32 $0x1FFFFFF0, s30  }
0x291: {  	s31 =	sadd.s32 $0x9780, s25;
	s0 =	sadd.s32 s4, s0;
	s7 =	spop (v2sf);
	(v2sf) =	vpush v2, $0xB  }
0x292: {  	[tilespmem:s31], [sflag:$0x2] =	stream.linear.gather [hbm4b:s0+s14], $0x80, $0x38;
	[tilespmem:$0x10600] =	vst v63  }
0x293: {  	s0 =	sand.u32 $0x1FFFFFF0, s1  }
0x294: {  	s2 =	sadd.s32 $0x1800, s25;
	s0 =	sadd.s32 s3, s0;
	s9 =	spop (v2sf);
	(v2sf) =	vpush v1, $0xB  }
0x295: {  	[tilespmem:s2], [sflag:$0x1] =	stream.linear.gather [hbm4b:s0+s14], $0x80, $0x38;
	[tilespmem:$0x10600] =	vst v63  }
0x296: {  	s0 =	sand.u32 $0x1FFFFFF0, s5  }
0x297: {  	s6 =	sadd.s32 $0x9800, s25;
	s0 =	sadd.s32 s4, s0  }
0x298: {  	[tilespmem:s6], [sflag:$0x2] =	stream.linear.gather [hbm4b:s0+s14], $0x80, $0x38;
	[tilespmem:$0x10600] =	vst v63  }
0x299: {  	s0 =	sand.u32 $0x1FFFFFF0, s7  }
0x29a: {  	s8 =	sadd.s32 $0x1880, s25;
	s0 =	sadd.s32 s3, s0  }
0x29b: {  	[tilespmem:s8], [sflag:$0x1] =	stream.linear.gather [hbm4b:s0+s14], $0x80, $0x38;
	[tilespmem:$0x10600] =	vst v63  }
0x29c: {  	s13 =	spop (v2sf);
	(v2sf) =	vpush v2, $0xC  }
0x29d: {  	s0 =	sand.u32 $0x1FFFFFF0, s9  }
0x29e: {  	s12 =	sadd.s32 $0x9880, s25;
	s0 =	sadd.s32 s4, s0;
	s16 =	spop (v2sf);
	(v2sf) =	vpush v1, $0xC  }
0x29f: {  	[tilespmem:s12], [sflag:$0x2] =	stream.linear.gather [hbm4b:s0+s14], $0x80, $0x38;
	[tilespmem:$0x10600] =	vst v63  }
0x2a0: {  	s0 =	sand.u32 $0x1FFFFFF0, s13;
	s18 =	spop (v2sf);
	(v2sf) =	vpush v2, $0xD  }
0x2a1: {  	s15 =	sadd.s32 $0x1900, s25;
	s0 =	sadd.s32 s3, s0  }
0x2a2: {  	[tilespmem:s15], [sflag:$0x1] =	stream.linear.gather [hbm4b:s0+s14], $0x80, $0x38;
	[tilespmem:$0x10600] =	vst v63  }
0x2a3: {  	s20 =	spop (v2sf);
	(v2sf) =	vpush v1, $0xD  }
0x2a4: {  	s0 =	sand.u32 $0x1FFFFFF0, s16  }
0x2a5: {  	s17 =	sadd.s32 $0x9900, s25;
	s0 =	sadd.s32 s4, s0  }
0x2a6: {  	[tilespmem:s17], [sflag:$0x2] =	stream.linear.gather [hbm4b:s0+s14], $0x80, $0x38;
	[tilespmem:$0x10600] =	vst v63  }
0x2a7: {  	s0 =	sand.u32 $0x1FFFFFF0, s18  }
0x2a8: {  	s19 =	sadd.s32 $0x1980, s25;
	s0 =	sadd.s32 s3, s0  }
0x2a9: {  	[tilespmem:s19], [sflag:$0x1] =	stream.linear.gather [hbm4b:s0+s14], $0x80, $0x38;
	[tilespmem:$0x10600] =	vst v63  }
0x2aa: {  	s0 =	sand.u32 $0x1FFFFFF0, s20  }
0x2ab: {  	s21 =	sadd.s32 $0x9980, s25;
	s0 =	sadd.s32 s4, s0;
	s22 =	spop (v2sf);
	(v2sf) =	vpush v2, $0xE  }
0x2ac: {  	[tilespmem:s21], [sflag:$0x2] =	stream.linear.gather [hbm4b:s0+s14], $0x80, $0x38;
	[tilespmem:$0x10600] =	vst v63  }
0x2ad: {  	s24 =	spop (v2sf);
	(v2sf) =	vpush v1, $0xE  }
0x2ae: {  	s0 =	sand.u32 $0x1FFFFFF0, s22  }
0x2af: {  	s23 =	sadd.s32 $0x1A00, s25;
	s0 =	sadd.s32 s3, s0;
	s28 =	spop (v2sf)  }
0x2b0: {  	(v2sf) =	vpush v2, $0xF;
	[tilespmem:s23], [sflag:$0x1] =	stream.linear.gather [hbm4b:s0+s14], $0x80, $0x38;
	[tilespmem:$0x10600] =	vst v63  }
0x2b1: {  	s0 =	sand.u32 $0x1FFFFFF0, s24  }
0x2b2: {  	s26 =	sadd.s32 $0x9A00, s25;
	s30 =	spop (v2sf);
	s0 =	sadd.s32 s4, s0  }
0x2b3: {  	(v2sf) =	vpush v1, $0xF;
	[tilespmem:s26], [sflag:$0x2] =	stream.linear.gather [hbm4b:s0+s14], $0x80, $0x38;
	[tilespmem:$0x10600] =	vst v63  }
0x2b4: {  	s0 =	sand.u32 $0x1FFFFFF0, s28  }
0x2b5: {  	s29 =	sadd.s32 $0x1A80, s25;
	s0 =	sadd.s32 s3, s0  }
0x2b6: {  	[tilespmem:s29], [sflag:$0x1] =	stream.linear.gather [hbm4b:s0+s14], $0x80, $0x38;
	[tilespmem:$0x10600] =	vst v63  }
0x2b7: {  	s0 =	sand.u32 $0x1FFFFFF0, s30  }
0x2b8: {  	s31 =	sadd.s32 $0x9A80, s25;
	s0 =	sadd.s32 s4, s0  }
0x2b9: {  	[tilespmem:s31], [sflag:$0x2] =	stream.linear.gather [hbm4b:s0+s14], $0x80, $0x38;
	[tilespmem:$0x10600] =	vst v63  }
0x2ba: {  	s1 =	spop (v2sf)  }
0x2bb: {  	s0 =	sand.u32 $0x1FFFFFF0, s1  }
0x2bc: {  	s2 =	sadd.s32 $0x1B00, s25;
	s5 =	spop (v2sf);
	s0 =	sadd.s32 s3, s0  }
0x2bd: {  	[tilespmem:s2], [sflag:$0x1] =	stream.linear.gather [hbm4b:s0+s14], $0x80, $0x38;
	[tilespmem:$0x10600] =	vst v63  }
0x2be: {  	s0 =	sand.u32 $0x1FFFFFF0, s5  }
0x2bf: {  	s6 =	sadd.s32 $0x9B00, s25;
	s7 =	spop (v2sf);
	s0 =	sadd.s32 s4, s0  }
0x2c0: {  	[tilespmem:s6], [sflag:$0x2] =	stream.linear.gather [hbm4b:s0+s14], $0x80, $0x38;
	[tilespmem:$0x10600] =	vst v63  }
0x2c1: {  	s0 =	sand.u32 $0x1FFFFFF0, s7  }
0x2c2: {  	s8 =	sadd.s32 $0x1B80, s25;
	s9 =	spop (v2sf);
	s0 =	sadd.s32 s3, s0  }
0x2c3: {  	[tilespmem:s8], [sflag:$0x1] =	stream.linear.gather [hbm4b:s0+s14], $0x80, $0x38;
	[tilespmem:$0x10600] =	vst v63  }
0x2c4: {  	s0 =	sand.u32 $0x1FFFFFF0, s9  }
0x2c5: {  	s12 =	sadd.s32 $0x9B80, s25;
	s0 =	sadd.s32 s4, s0  }
0x2c6: {  	[tilespmem:s12], [sflag:$0x2] =	stream.linear.gather [hbm4b:s0+s14], $0x80, $0x38;
	[tilespmem:$0x10600] =	vst v63  }
0x2c7: {  	v1 =	vld [tilespmem:s10+$0x10];
	_ =	sdelay $0x1  }
0x2c8: {  	v3 =	vld [tilespmem:s11+$0x10];
	_ =	sdelay $0x2  }
0x2c9: {  	v2 =	vshll.u32 v1, $0x4  }
0x2ca: {  	(v2sf) =	vpush v2, $0x0  }
0x2cb: {  	v1 =	vshll.u32 v3, $0x4  }
0x2cc: {  	(v2sf) =	vpush v1, $0x0;
	_ =	sdelay $0x1  }
0x2cd: {  	(v2sf) =	vpush v2, $0x1;
	_ =	sdelay $0x2  }
0x2ce: {  	(v2sf) =	vpush v1, $0x1;
	_ =	sdelay $0x7  }
0x2cf: {  	s13 =	spop (v2sf);
	(v2sf) =	vpush v2, $0x2;
	_ =	sdelay $0x1  }
0x2d0: {  	s16 =	spop (v2sf);
	(v2sf) =	vpush v1, $0x2;
	_ =	sdelay $0x1  }
0x2d1: {  	s18 =	spop (v2sf);
	(v2sf) =	vpush v2, $0x3;
	_ =	sdelay $0x2  }
0x2d2: {  	s20 =	spop (v2sf);
	(v2sf) =	vpush v1, $0x3;
	_ =	sdelay $0x4  }
0x2d3: {  	s0 =	sand.u32 $0x1FFFFFF0, s13  }
0x2d4: {  	s15 =	sadd.s32 $0x1C00, s25;
	s0 =	sadd.s32 s3, s0  }
0x2d5: {  	[tilespmem:s15], [sflag:$0x1] =	stream.linear.gather [hbm4b:s0+s14], $0x80, $0x38;
	[tilespmem:$0x10600] =	vst v63  }
0x2d6: {  	s22 =	spop (v2sf);
	(v2sf) =	vpush v2, $0x4  }
0x2d7: {  	s0 =	sand.u32 $0x1FFFFFF0, s16  }
0x2d8: {  	s17 =	sadd.s32 $0x9C00, s25;
	s0 =	sadd.s32 s4, s0;
	s24 =	spop (v2sf);
	(v2sf) =	vpush v1, $0x4  }
0x2d9: {  	[tilespmem:s17], [sflag:$0x2] =	stream.linear.gather [hbm4b:s0+s14], $0x80, $0x38;
	[tilespmem:$0x10600] =	vst v63  }
0x2da: {  	s0 =	sand.u32 $0x1FFFFFF0, s18;
	s28 =	spop (v2sf);
	(v2sf) =	vpush v2, $0x5  }
0x2db: {  	s19 =	sadd.s32 $0x1C80, s25;
	s0 =	sadd.s32 s3, s0  }
0x2dc: {  	[tilespmem:s19], [sflag:$0x1] =	stream.linear.gather [hbm4b:s0+s14], $0x80, $0x38;
	[tilespmem:$0x10600] =	vst v63  }
0x2dd: {  	s30 =	spop (v2sf);
	(v2sf) =	vpush v1, $0x5  }
0x2de: {  	s0 =	sand.u32 $0x1FFFFFF0, s20  }
0x2df: {  	s21 =	sadd.s32 $0x9C80, s25;
	s0 =	sadd.s32 s4, s0  }
0x2e0: {  	[tilespmem:s21], [sflag:$0x2] =	stream.linear.gather [hbm4b:s0+s14], $0x80, $0x38;
	[tilespmem:$0x10600] =	vst v63  }
0x2e1: {  	s0 =	sand.u32 $0x1FFFFFF0, s22  }
0x2e2: {  	s23 =	sadd.s32 $0x1D00, s25;
	s0 =	sadd.s32 s3, s0  }
0x2e3: {  	[tilespmem:s23], [sflag:$0x1] =	stream.linear.gather [hbm4b:s0+s14], $0x80, $0x38;
	[tilespmem:$0x10600] =	vst v63  }
0x2e4: {  	s0 =	sand.u32 $0x1FFFFFF0, s24  }
0x2e5: {  	s26 =	sadd.s32 $0x9D00, s25;
	s0 =	sadd.s32 s4, s0;
	s1 =	spop (v2sf);
	(v2sf) =	vpush v2, $0x6  }
0x2e6: {  	[tilespmem:s26], [sflag:$0x2] =	stream.linear.gather [hbm4b:s0+s14], $0x80, $0x38;
	[tilespmem:$0x10600] =	vst v63  }
0x2e7: {  	s5 =	spop (v2sf);
	(v2sf) =	vpush v1, $0x6  }
0x2e8: {  	s0 =	sand.u32 $0x1FFFFFF0, s28  }
0x2e9: {  	s29 =	sadd.s32 $0x1D80, s25;
	s0 =	sadd.s32 s3, s0;
	s7 =	spop (v2sf);
	(v2sf) =	vpush v2, $0x7  }
0x2ea: {  	[tilespmem:s29], [sflag:$0x1] =	stream.linear.gather [hbm4b:s0+s14], $0x80, $0x38;
	[tilespmem:$0x10600] =	vst v63  }
0x2eb: {  	s0 =	sand.u32 $0x1FFFFFF0, s30  }
0x2ec: {  	s31 =	sadd.s32 $0x9D80, s25;
	s0 =	sadd.s32 s4, s0;
	s9 =	spop (v2sf);
	(v2sf) =	vpush v1, $0x7  }
0x2ed: {  	[tilespmem:s31], [sflag:$0x2] =	stream.linear.gather [hbm4b:s0+s14], $0x80, $0x38;
	[tilespmem:$0x10600] =	vst v63  }
0x2ee: {  	s0 =	sand.u32 $0x1FFFFFF0, s1  }
0x2ef: {  	s2 =	sadd.s32 $0x1E00, s25;
	s0 =	sadd.s32 s3, s0  }
0x2f0: {  	[tilespmem:s2], [sflag:$0x1] =	stream.linear.gather [hbm4b:s0+s14], $0x80, $0x38;
	[tilespmem:$0x10600] =	vst v63  }
0x2f1: {  	s0 =	sand.u32 $0x1FFFFFF0, s5  }
0x2f2: {  	s6 =	sadd.s32 $0x9E00, s25;
	s0 =	sadd.s32 s4, s0  }
0x2f3: {  	[tilespmem:s6], [sflag:$0x2] =	stream.linear.gather [hbm4b:s0+s14], $0x80, $0x38;
	[tilespmem:$0x10600] =	vst v63  }
0x2f4: {  	s11 =	spop (v2sf);
	(v2sf) =	vpush v2, $0x8  }
0x2f5: {  	s0 =	sand.u32 $0x1FFFFFF0, s7  }
0x2f6: {  	s8 =	sadd.s32 $0x1E80, s25;
	s0 =	sadd.s32 s3, s0;
	s13 =	spop (v2sf);
	(v2sf) =	vpush v1, $0x8  }
0x2f7: {  	[tilespmem:s8], [sflag:$0x1] =	stream.linear.gather [hbm4b:s0+s14], $0x80, $0x38;
	[tilespmem:$0x10600] =	vst v63  }
0x2f8: {  	s0 =	sand.u32 $0x1FFFFFF0, s9;
	s16 =	spop (v2sf);
	(v2sf) =	vpush v2, $0x9  }
0x2f9: {  	s10 =	sadd.s32 $0x9E80, s25;
	s0 =	sadd.s32 s4, s0  }
0x2fa: {  	[tilespmem:s10], [sflag:$0x2] =	stream.linear.gather [hbm4b:s0+s14], $0x80, $0x38;
	[tilespmem:$0x10600] =	vst v63  }
0x2fb: {  	s18 =	spop (v2sf);
	(v2sf) =	vpush v1, $0x9  }
0x2fc: {  	s0 =	sand.u32 $0x1FFFFFF0, s11  }
0x2fd: {  	s12 =	sadd.s32 $0x1F00, s25;
	s0 =	sadd.s32 s3, s0  }
0x2fe: {  	[tilespmem:s12], [sflag:$0x1] =	stream.linear.gather [hbm4b:s0+s14], $0x80, $0x38;
	[tilespmem:$0x10600] =	vst v63  }
0x2ff: {  	s0 =	sand.u32 $0x1FFFFFF0, s13  }
0x300: {  	s15 =	sadd.s32 $0x9F00, s25;
	s0 =	sadd.s32 s4, s0  }
0x301: {  	[tilespmem:s15], [sflag:$0x2] =	stream.linear.gather [hbm4b:s0+s14], $0x80, $0x38;
	[tilespmem:$0x10600] =	vst v63  }
0x302: {  	s0 =	sand.u32 $0x1FFFFFF0, s16  }
0x303: {  	s17 =	sadd.s32 $0x1F80, s25;
	s0 =	sadd.s32 s3, s0;
	s20 =	spop (v2sf);
	(v2sf) =	vpush v2, $0xA  }
0x304: {  	[tilespmem:s17], [sflag:$0x1] =	stream.linear.gather [hbm4b:s0+s14], $0x80, $0x38;
	[tilespmem:$0x10600] =	vst v63  }
0x305: {  	s22 =	spop (v2sf);
	(v2sf) =	vpush v1, $0xA  }
0x306: {  	s0 =	sand.u32 $0x1FFFFFF0, s18  }
0x307: {  	s19 =	sadd.s32 $0x9F80, s25;
	s0 =	sadd.s32 s4, s0;
	s24 =	spop (v2sf);
	(v2sf) =	vpush v2, $0xB  }
0x308: {  	[tilespmem:s19], [sflag:$0x2] =	stream.linear.gather [hbm4b:s0+s14], $0x80, $0x38;
	[tilespmem:$0x10600] =	vst v63  }
0x309: {  	s0 =	sand.u32 $0x1FFFFFF0, s20  }
0x30a: {  	s21 =	sadd.s32 $0x2000, s25;
	s0 =	sadd.s32 s3, s0;
	s28 =	spop (v2sf);
	(v2sf) =	vpush v1, $0xB  }
0x30b: {  	[tilespmem:s21], [sflag:$0x1] =	stream.linear.gather [hbm4b:s0+s14], $0x80, $0x38;
	[tilespmem:$0x10600] =	vst v63  }
0x30c: {  	s0 =	sand.u32 $0x1FFFFFF0, s22  }
0x30d: {  	s23 =	sadd.s32 $0xA000, s25;
	s0 =	sadd.s32 s4, s0  }
0x30e: {  	[tilespmem:s23], [sflag:$0x2] =	stream.linear.gather [hbm4b:s0+s14], $0x80, $0x38;
	[tilespmem:$0x10600] =	vst v63  }
0x30f: {  	s0 =	sand.u32 $0x1FFFFFF0, s24  }
0x310: {  	s26 =	sadd.s32 $0x2080, s25;
	s0 =	sadd.s32 s3, s0  }
0x311: {  	[tilespmem:s26], [sflag:$0x1] =	stream.linear.gather [hbm4b:s0+s14], $0x80, $0x38;
	[tilespmem:$0x10600] =	vst v63  }
0x312: {  	s30 =	spop (v2sf);
	(v2sf) =	vpush v2, $0xC  }
0x313: {  	s0 =	sand.u32 $0x1FFFFFF0, s28  }
0x314: {  	s29 =	sadd.s32 $0xA080, s25;
	s0 =	sadd.s32 s4, s0;
	s2 =	spop (v2sf);
	(v2sf) =	vpush v1, $0xC  }
0x315: {  	[tilespmem:s29], [sflag:$0x2] =	stream.linear.gather [hbm4b:s0+s14], $0x80, $0x38;
	[tilespmem:$0x10600] =	vst v63  }
0x316: {  	s0 =	sand.u32 $0x1FFFFFF0, s30;
	s6 =	spop (v2sf);
	(v2sf) =	vpush v2, $0xD  }
0x317: {  	s31 =	sadd.s32 $0x2100, s25;
	s0 =	sadd.s32 s3, s0  }
0x318: {  	[tilespmem:s31], [sflag:$0x1] =	stream.linear.gather [hbm4b:s0+s14], $0x80, $0x38;
	[tilespmem:$0x10600] =	vst v63  }
0x319: {  	s8 =	spop (v2sf);
	(v2sf) =	vpush v1, $0xD  }
0x31a: {  	s0 =	sand.u32 $0x1FFFFFF0, s2  }
0x31b: {  	s5 =	sadd.s32 $0xA100, s25;
	s0 =	sadd.s32 s4, s0  }
0x31c: {  	[tilespmem:s5], [sflag:$0x2] =	stream.linear.gather [hbm4b:s0+s14], $0x80, $0x38;
	[tilespmem:$0x10600] =	vst v63  }
0x31d: {  	s0 =	sand.u32 $0x1FFFFFF0, s6  }
0x31e: {  	s7 =	sadd.s32 $0x2180, s25;
	s0 =	sadd.s32 s3, s0  }
0x31f: {  	[tilespmem:s7], [sflag:$0x1] =	stream.linear.gather [hbm4b:s0+s14], $0x80, $0x38;
	[tilespmem:$0x10600] =	vst v63  }
0x320: {  	s0 =	sand.u32 $0x1FFFFFF0, s8  }
0x321: {  	s9 =	sadd.s32 $0xA180, s25;
	s0 =	sadd.s32 s4, s0;
	s10 =	spop (v2sf);
	(v2sf) =	vpush v2, $0xE  }
0x322: {  	[tilespmem:s9], [sflag:$0x2] =	stream.linear.gather [hbm4b:s0+s14], $0x80, $0x38;
	[tilespmem:$0x10600] =	vst v63  }
0x323: {  	s12 =	spop (v2sf);
	(v2sf) =	vpush v1, $0xE  }
0x324: {  	s0 =	sand.u32 $0x1FFFFFF0, s10  }
0x325: {  	s11 =	sadd.s32 $0x2200, s25;
	s0 =	sadd.s32 s3, s0;
	s15 =	spop (v2sf)  }
0x326: {  	(v2sf) =	vpush v2, $0xF;
	[tilespmem:s11], [sflag:$0x1] =	stream.linear.gather [hbm4b:s0+s14], $0x80, $0x38;
	[tilespmem:$0x10600] =	vst v63  }
0x327: {  	s0 =	sand.u32 $0x1FFFFFF0, s12  }
0x328: {  	s13 =	sadd.s32 $0xA200, s25;
	s17 =	spop (v2sf);
	s0 =	sadd.s32 s4, s0  }
0x329: {  	(v2sf) =	vpush v1, $0xF;
	[tilespmem:s13], [sflag:$0x2] =	stream.linear.gather [hbm4b:s0+s14], $0x80, $0x38;
	[tilespmem:$0x10600] =	vst v63  }
0x32a: {  	s0 =	sand.u32 $0x1FFFFFF0, s15  }
0x32b: {  	s16 =	sadd.s32 $0x2280, s25;
	s0 =	sadd.s32 s3, s0  }
0x32c: {  	[tilespmem:s16], [sflag:$0x1] =	stream.linear.gather [hbm4b:s0+s14], $0x80, $0x38;
	[tilespmem:$0x10600] =	vst v63  }
0x32d: {  	s0 =	sand.u32 $0x1FFFFFF0, s17  }
0x32e: {  	s18 =	sadd.s32 $0xA280, s25;
	s0 =	sadd.s32 s4, s0  }
0x32f: {  	[tilespmem:s18], [sflag:$0x2] =	stream.linear.gather [hbm4b:s0+s14], $0x80, $0x38;
	[tilespmem:$0x10600] =	vst v63  }
0x330: {  	s19 =	spop (v2sf)  }
0x331: {  	s0 =	sand.u32 $0x1FFFFFF0, s19  }
0x332: {  	s20 =	sadd.s32 $0x2300, s25;
	s21 =	spop (v2sf);
	s0 =	sadd.s32 s3, s0  }
0x333: {  	[tilespmem:s20], [sflag:$0x1] =	stream.linear.gather [hbm4b:s0+s14], $0x80, $0x38;
	[tilespmem:$0x10600] =	vst v63  }
0x334: {  	s0 =	sand.u32 $0x1FFFFFF0, s21  }
0x335: {  	s22 =	sadd.s32 $0xA300, s25;
	s23 =	spop (v2sf);
	s0 =	sadd.s32 s4, s0  }
0x336: {  	[tilespmem:s22], [sflag:$0x2] =	stream.linear.gather [hbm4b:s0+s14], $0x80, $0x38;
	[tilespmem:$0x10600] =	vst v63  }
0x337: {  	s0 =	sand.u32 $0x1FFFFFF0, s23  }
0x338: {  	s24 =	sadd.s32 $0x2380, s25;
	s26 =	spop (v2sf);
	s0 =	sadd.s32 s3, s0  }
0x339: {  	[tilespmem:s24], [sflag:$0x1] =	stream.linear.gather [hbm4b:s0+s14], $0x80, $0x38;
	[tilespmem:$0x10600] =	vst v63  }
0x33a: {  	s28 =	sadd.s32 $0xA380, s25;
	s0 =	sand.u32 $0x1FFFFFF0, s26  }
0x33b: {  	s29 =	simm.s32 $0x1;
	s2 =	simm.s32 $0x0;
	s0 =	sadd.s32 s4, s0  }
0x33c: {  	v1 =	vmov s2;
	[tilespmem:s28], [sflag:$0x2] =	stream.linear.gather [hbm4b:s0+s14], $0x80, $0x38;
	[tilespmem:$0x10600] =	vst v63  }
0x33d: {  	v1 =	vshll.u32 v1, $0x7;
	_ =	swait.ge [sflag:s29], $0x8000  }
0x33e: {  	v1 =	vor.u32 v0, v1;
	[sflag:s29] =	ssyncset.done $0x0  }
0x33f: {  	s30 =	simm.s32 $0x2;
	[sflag:s29] =	ssyncadd.s32 $0xFFFF8000  }
0x340: {  	v2 =	vor.u32 $0x1, v1;
	_ =	swait.ge [sflag:s30], $0x8000  }
0x341: {  	[sflag:s30] =	ssyncset.done $0x0  }
0x342: {  	s9 =	simm.s32 $0x8400;
	v3 =	vor.u32 $0x2, v1;
	[sflag:s30] =	ssyncadd.s32 $0xFFFF8000  }
0x343: {  	s8 =	simm.s32 $0x400;
	v4 =	vld.idx.msk [tilespmem:v1+s9+$0x0], $0xffff  }
0x344: {  	v6 =	vor.u32 $0x3, v1;
	v5 =	vld.idx.msk [tilespmem:v1+s8+$0x0], $0xffff  }
0x345: {  	v7 =	vld.idx.msk [tilespmem:v2+s8+$0x0], $0xffff  }
0x346: {  	v8 =	vor.u32 $0x4, v1;
	v2 =	vld.idx.msk [tilespmem:v2+s9+$0x0], $0xffff  }
0x347: {  	v9 =	vld.idx.msk [tilespmem:v3+s8+$0x0], $0xffff  }
0x348: {  	v10 =	vor.u32 $0x5, v1;
	v3 =	vld.idx.msk [tilespmem:v3+s9+$0x0], $0xffff  }
0x349: {  	v11 =	vld.idx.msk [tilespmem:v6+s8+$0x0], $0xffff;
	v4 =	vmul.f32 v4, v5  }
0x34a: {  	v5 =	vld.idx.msk [tilespmem:v6+s9+$0x0], $0xffff;
	v6 =	vor.u32 $0x6, v1  }
0x34b: {  	v12 =	vld.idx.msk [tilespmem:v8+s8+$0x0], $0xffff;
	v2 =	vmul.f32 v2, v7;
	v4 =	vadd.f32 $0.0e+00, v4  }
0x34c: {  	v23 =	vor.u32 $0x7, v1;
	v7 =	vld.idx.msk [tilespmem:v8+s9+$0x0], $0xffff  }
0x34d: {  	v13 =	vld.idx.msk [tilespmem:v10+s8+$0x0], $0xffff;
	v3 =	vmul.f32 v3, v9;
	v2 =	vadd.f32 v2, v4  }
0x34e: {  	v24 =	vor.u32 $0x8, v1;
	v4 =	vld.idx.msk [tilespmem:v10+s9+$0x0], $0xffff  }
0x34f: {  	v25 =	vld.idx.msk [tilespmem:v6+s8+$0x0], $0xffff;
	v2 =	vadd.f32 v3, v2;
	v3 =	vmul.f32 v5, v11  }
0x350: {  	v5 =	vld.idx.msk [tilespmem:v6+s9+$0x0], $0xffff;
	v6 =	vor.u32 $0x9, v1  }
0x351: {  	v26 =	vld.idx.msk [tilespmem:v23+s8+$0x0], $0xffff;
	v2 =	vadd.f32 v3, v2;
	v3 =	vmul.f32 v7, v12  }
0x352: {  	v27 =	vor.u32 $0xA, v1;
	v7 =	vld.idx.msk [tilespmem:v23+s9+$0x0], $0xffff  }
0x353: {  	v28 =	vld.idx.msk [tilespmem:v24+s8+$0x0], $0xffff;
	v2 =	vadd.f32 v3, v2;
	v3 =	vmul.f32 v4, v13  }
0x354: {  	v29 =	vor.u32 $0xB, v1;
	v4 =	vld.idx.msk [tilespmem:v24+s9+$0x0], $0xffff  }
0x355: {  	v30 =	vld.idx.msk [tilespmem:v6+s8+$0x0], $0xffff;
	v2 =	vadd.f32 v3, v2;
	v3 =	vmul.f32 v5, v25  }
0x356: {  	v5 =	vld.idx.msk [tilespmem:v6+s9+$0x0], $0xffff;
	v6 =	vor.u32 $0xC, v1  }
0x357: {  	v31 =	vld.idx.msk [tilespmem:v27+s8+$0x0], $0xffff;
	v2 =	vadd.f32 v3, v2;
	v3 =	vmul.f32 v7, v26  }
0x358: {  	v32 =	vor.u32 $0xD, v1;
	v7 =	vld.idx.msk [tilespmem:v27+s9+$0x0], $0xffff  }
0x359: {  	v33 =	vld.idx.msk [tilespmem:v29+s8+$0x0], $0xffff;
	v2 =	vadd.f32 v3, v2;
	v3 =	vmul.f32 v4, v28  }
0x35a: {  	v34 =	vor.u32 $0xE, v1;
	v4 =	vld.idx.msk [tilespmem:v29+s9+$0x0], $0xffff  }
0x35b: {  	v35 =	vld.idx.msk [tilespmem:v6+s8+$0x0], $0xffff;
	v2 =	vadd.f32 v3, v2;
	v3 =	vmul.f32 v5, v30  }
0x35c: {  	v5 =	vld.idx.msk [tilespmem:v6+s9+$0x0], $0xffff;
	v6 =	vor.u32 $0xF, v1  }
0x35d: {  	v36 =	vld.idx.msk [tilespmem:v32+s8+$0x0], $0xffff;
	v2 =	vadd.f32 v3, v2;
	v3 =	vmul.f32 v7, v31  }
0x35e: {  	v37 =	vor.u32 $0x10, v1;
	v7 =	vld.idx.msk [tilespmem:v32+s9+$0x0], $0xffff  }
0x35f: {  	v38 =	vld.idx.msk [tilespmem:v34+s8+$0x0], $0xffff;
	v2 =	vadd.f32 v3, v2;
	v3 =	vmul.f32 v4, v33  }
0x360: {  	v39 =	vor.u32 $0x11, v1;
	v4 =	vld.idx.msk [tilespmem:v34+s9+$0x0], $0xffff  }
0x361: {  	v40 =	vld.idx.msk [tilespmem:v6+s8+$0x0], $0xffff;
	v2 =	vadd.f32 v3, v2;
	v3 =	vmul.f32 v5, v35  }
0x362: {  	v5 =	vld.idx.msk [tilespmem:v6+s9+$0x0], $0xffff;
	v6 =	vor.u32 $0x12, v1  }
0x363: {  	v41 =	vld.idx.msk [tilespmem:v37+s8+$0x0], $0xffff;
	v2 =	vadd.f32 v3, v2;
	v3 =	vmul.f32 v7, v36  }
0x364: {  	v42 =	vor.u32 $0x13, v1;
	v7 =	vld.idx.msk [tilespmem:v37+s9+$0x0], $0xffff  }
0x365: {  	v43 =	vld.idx.msk [tilespmem:v39+s8+$0x0], $0xffff;
	v2 =	vadd.f32 v3, v2;
	v3 =	vmul.f32 v4, v38  }
0x366: {  	v44 =	vor.u32 $0x14, v1;
	v4 =	vld.idx.msk [tilespmem:v39+s9+$0x0], $0xffff  }
0x367: {  	v45 =	vld.idx.msk [tilespmem:v6+s8+$0x0], $0xffff;
	v2 =	vadd.f32 v3, v2;
	v3 =	vmul.f32 v5, v40  }
0x368: {  	v5 =	vld.idx.msk [tilespmem:v6+s9+$0x0], $0xffff;
	v6 =	vor.u32 $0x15, v1  }
0x369: {  	v46 =	vld.idx.msk [tilespmem:v42+s8+$0x0], $0xffff;
	v2 =	vadd.f32 v3, v2;
	v3 =	vmul.f32 v7, v41  }
0x36a: {  	v47 =	vor.u32 $0x16, v1;
	v7 =	vld.idx.msk [tilespmem:v42+s9+$0x0], $0xffff  }
0x36b: {  	v48 =	vld.idx.msk [tilespmem:v44+s8+$0x0], $0xffff;
	v2 =	vadd.f32 v3, v2;
	v3 =	vmul.f32 v4, v43  }
0x36c: {  	v49 =	vor.u32 $0x17, v1;
	v4 =	vld.idx.msk [tilespmem:v44+s9+$0x0], $0xffff  }
0x36d: {  	v50 =	vld.idx.msk [tilespmem:v6+s8+$0x0], $0xffff;
	v2 =	vadd.f32 v3, v2;
	v3 =	vmul.f32 v5, v45  }
0x36e: {  	v5 =	vld.idx.msk [tilespmem:v6+s9+$0x0], $0xffff;
	v6 =	vor.u32 $0x18, v1  }
0x36f: {  	v51 =	vld.idx.msk [tilespmem:v47+s8+$0x0], $0xffff;
	v2 =	vadd.f32 v3, v2;
	v3 =	vmul.f32 v7, v46  }
0x370: {  	v52 =	vor.u32 $0x19, v1;
	v7 =	vld.idx.msk [tilespmem:v47+s9+$0x0], $0xffff  }
0x371: {  	v53 =	vld.idx.msk [tilespmem:v49+s8+$0x0], $0xffff;
	v2 =	vadd.f32 v3, v2;
	v3 =	vmul.f32 v4, v48  }
0x372: {  	v54 =	vor.u32 $0x1A, v1;
	v4 =	vld.idx.msk [tilespmem:v49+s9+$0x0], $0xffff  }
0x373: {  	v55 =	vld.idx.msk [tilespmem:v6+s8+$0x0], $0xffff;
	v2 =	vadd.f32 v3, v2;
	v3 =	vmul.f32 v5, v50  }
0x374: {  	v5 =	vld.idx.msk [tilespmem:v6+s9+$0x0], $0xffff;
	v6 =	vor.u32 $0x1B, v1  }
0x375: {  	v56 =	vld.idx.msk [tilespmem:v52+s8+$0x0], $0xffff;
	v2 =	vadd.f32 v3, v2;
	v3 =	vmul.f32 v7, v51  }
0x376: {  	v57 =	vor.u32 $0x1C, v1;
	v7 =	vld.idx.msk [tilespmem:v52+s9+$0x0], $0xffff  }
0x377: {  	v58 =	vld.idx.msk [tilespmem:v54+s8+$0x0], $0xffff;
	v2 =	vadd.f32 v3, v2;
	v3 =	vmul.f32 v4, v53  }
0x378: {  	v4 =	vld.idx.msk [tilespmem:v54+s9+$0x0], $0xffff  }
0x379: {  	v60 =	vld.idx.msk [tilespmem:v6+s8+$0x0], $0xffff;
	v2 =	vadd.f32 v3, v2;
	v3 =	vmul.f32 v5, v55  }
0x37a: {  	v59 =	vor.u32 $0x1D, v1;
	v5 =	vld.idx.msk [tilespmem:v6+s9+$0x0], $0xffff  }
0x37b: {  	v61 =	vld.idx.msk [tilespmem:v57+s8+$0x0], $0xffff;
	v2 =	vadd.f32 v3, v2;
	v3 =	vmul.f32 v7, v56  }
0x37c: {  	v6 =	vor.u32 $0x1E, v1;
	v7 =	vld.idx.msk [tilespmem:v57+s9+$0x0], $0xffff  }
0x37d: {  	v2 =	vadd.f32 v3, v2;
	v3 =	vmul.f32 v4, v58  }
0x37e: {  	v1 =	vor.u32 $0x1F, v1  }
0x37f: {  	v62 =	vld.idx.msk [tilespmem:v59+s8+$0x0], $0xffff;
	v2 =	vadd.f32 v3, v2;
	v3 =	vmul.f32 v5, v60  }
0x380: {  	v4 =	vld.idx.msk [tilespmem:v59+s9+$0x0], $0xffff  }
0x381: {  	v63 =	vld.idx.msk [tilespmem:v6+s8+$0x0], $0xffff;
	v2 =	vadd.f32 v3, v2;
	v3 =	vmul.f32 v7, v61  }
0x382: {  	v5 =	vld.idx.msk [tilespmem:v6+s9+$0x0], $0xffff  }
0x383: {  	v6 =	vadd.f32 v3, v2;
	v2 =	vld.idx.msk [tilespmem:v1+s8+$0x0], $0xffff  }
0x384: {  	v3 =	vld.idx.msk [tilespmem:v1+s9+$0x0], $0xffff  }
0x385: {  	s31 =	sld [smem:$0x7F8];
	v4 =	vmul.f32 v4, v62  }
0x386: {  	s0 =	simm.s32 $0x10  }
0x387: {  	v7 =	vmov s0;
	v5 =	vmul.f32 v5, v63;
	v4 =	vadd.f32 v4, v6  }
0x388: {  	s6 =	simm.s32 $0x20;
	s5 =	sadd.s32 $0x10400, s31;
	v1 =	vshll.u32 v7, $0x7  }
.LBB2_5:
0x389: {  	p1 =	sne.s32 s6, $0xF0;
	v1 =	vor.u32 v0, v1;
	v4 =	vadd.f32 v5, v4;
	v2 =	vmul.f32 v3, v2  }
0x38a: {  	s1 =	sand.u32 $0x80, s2  }
0x38b: {  	s7 =	sand.u32 $0x70, s2;
	s2 =	smov.u32 s0;
	v3 =	vor.u32 $0x1, v1;
	s1 =	sadd.s32 s1, s5;
	v2 =	vadd.f32 v2, v4  }
0x38c: {  	s0 =	smov.u32 s6;
	s1 =	sadd.s32 s7, s1  }
0x38d: {  	v4 =	vor.u32 $0x2, v1;
	[tilespmem:s1+$0x0] =	vst v2  }
0x38e: {  	v2 =	vld.idx.msk [tilespmem:v1+s9+$0x0], $0xffff  }
0x38f: {  	v6 =	vor.u32 $0x3, v1;
	v5 =	vld.idx.msk [tilespmem:v1+s8+$0x0], $0xffff  }
0x390: {  	v7 =	vld.idx.msk [tilespmem:v3+s8+$0x0], $0xffff  }
0x391: {  	v8 =	vor.u32 $0x4, v1;
	v3 =	vld.idx.msk [tilespmem:v3+s9+$0x0], $0xffff  }
0x392: {  	v9 =	vld.idx.msk [tilespmem:v4+s8+$0x0], $0xffff  }
0x393: {  	v10 =	vor.u32 $0x5, v1;
	v4 =	vld.idx.msk [tilespmem:v4+s9+$0x0], $0xffff  }
0x394: {  	v11 =	vld.idx.msk [tilespmem:v6+s8+$0x0], $0xffff  }
0x395: {  	v2 =	vmul.f32 v2, v5;
	v5 =	vld.idx.msk [tilespmem:v6+s9+$0x0], $0xffff;
	v6 =	vor.u32 $0x6, v1  }
0x396: {  	v12 =	vld.idx.msk [tilespmem:v8+s8+$0x0], $0xffff  }
0x397: {  	v2 =	vadd.f32 $0.0e+00, v2;
	v3 =	vmul.f32 v3, v7;
	v7 =	vld.idx.msk [tilespmem:v8+s9+$0x0], $0xffff;
	v8 =	vor.u32 $0x7, v1  }
0x398: {  	v13 =	vld.idx.msk [tilespmem:v10+s8+$0x0], $0xffff  }
0x399: {  	v2 =	vadd.f32 v3, v2;
	v3 =	vmul.f32 v4, v9;
	v9 =	vor.u32 $0x8, v1;
	v4 =	vld.idx.msk [tilespmem:v10+s9+$0x0], $0xffff  }
0x39a: {  	v10 =	vld.idx.msk [tilespmem:v6+s8+$0x0], $0xffff  }
0x39b: {  	v2 =	vadd.f32 v3, v2;
	v3 =	vmul.f32 v5, v11;
	v5 =	vld.idx.msk [tilespmem:v6+s9+$0x0], $0xffff;
	v6 =	vor.u32 $0x9, v1  }
0x39c: {  	v11 =	vld.idx.msk [tilespmem:v8+s8+$0x0], $0xffff  }
0x39d: {  	v2 =	vadd.f32 v3, v2;
	v3 =	vmul.f32 v7, v12;
	v7 =	vld.idx.msk [tilespmem:v8+s9+$0x0], $0xffff;
	v8 =	vor.u32 $0xA, v1  }
0x39e: {  	v12 =	vld.idx.msk [tilespmem:v9+s8+$0x0], $0xffff  }
0x39f: {  	v2 =	vadd.f32 v3, v2;
	v3 =	vmul.f32 v4, v13;
	v4 =	vld.idx.msk [tilespmem:v9+s9+$0x0], $0xffff;
	v9 =	vor.u32 $0xB, v1  }
0x3a0: {  	v13 =	vld.idx.msk [tilespmem:v6+s8+$0x0], $0xffff  }
0x3a1: {  	v2 =	vadd.f32 v3, v2;
	v3 =	vmul.f32 v5, v10;
	v5 =	vld.idx.msk [tilespmem:v6+s9+$0x0], $0xffff;
	v6 =	vor.u32 $0xC, v1  }
0x3a2: {  	v10 =	vld.idx.msk [tilespmem:v8+s8+$0x0], $0xffff  }
0x3a3: {  	v2 =	vadd.f32 v3, v2;
	v3 =	vmul.f32 v7, v11;
	v7 =	vld.idx.msk [tilespmem:v8+s9+$0x0], $0xffff;
	v8 =	vor.u32 $0xD, v1  }
0x3a4: {  	v11 =	vld.idx.msk [tilespmem:v9+s8+$0x0], $0xffff  }
0x3a5: {  	v2 =	vadd.f32 v3, v2;
	v3 =	vmul.f32 v4, v12;
	v4 =	vld.idx.msk [tilespmem:v9+s9+$0x0], $0xffff;
	v9 =	vor.u32 $0xE, v1  }
0x3a6: {  	v12 =	vld.idx.msk [tilespmem:v6+s8+$0x0], $0xffff  }
0x3a7: {  	v2 =	vadd.f32 v3, v2;
	v3 =	vmul.f32 v5, v13;
	v5 =	vld.idx.msk [tilespmem:v6+s9+$0x0], $0xffff;
	v6 =	vor.u32 $0xF, v1  }
0x3a8: {  	v13 =	vld.idx.msk [tilespmem:v8+s8+$0x0], $0xffff  }
0x3a9: {  	v2 =	vadd.f32 v3, v2;
	v3 =	vmul.f32 v7, v10;
	v7 =	vld.idx.msk [tilespmem:v8+s9+$0x0], $0xffff;
	v8 =	vor.u32 $0x10, v1  }
0x3aa: {  	v10 =	vld.idx.msk [tilespmem:v9+s8+$0x0], $0xffff  }
0x3ab: {  	v2 =	vadd.f32 v3, v2;
	v3 =	vmul.f32 v4, v11;
	v4 =	vld.idx.msk [tilespmem:v9+s9+$0x0], $0xffff;
	v9 =	vor.u32 $0x11, v1  }
0x3ac: {  	v11 =	vld.idx.msk [tilespmem:v6+s8+$0x0], $0xffff  }
0x3ad: {  	v2 =	vadd.f32 v3, v2;
	v3 =	vmul.f32 v5, v12;
	v5 =	vld.idx.msk [tilespmem:v6+s9+$0x0], $0xffff;
	v6 =	vor.u32 $0x12, v1  }
0x3ae: {  	v12 =	vld.idx.msk [tilespmem:v8+s8+$0x0], $0xffff  }
0x3af: {  	v2 =	vadd.f32 v3, v2;
	v3 =	vmul.f32 v7, v13;
	v7 =	vld.idx.msk [tilespmem:v8+s9+$0x0], $0xffff;
	v8 =	vor.u32 $0x13, v1  }
0x3b0: {  	v13 =	vld.idx.msk [tilespmem:v9+s8+$0x0], $0xffff  }
0x3b1: {  	v2 =	vadd.f32 v3, v2;
	v3 =	vmul.f32 v4, v10;
	v4 =	vld.idx.msk [tilespmem:v9+s9+$0x0], $0xffff;
	v9 =	vor.u32 $0x14, v1  }
0x3b2: {  	v10 =	vld.idx.msk [tilespmem:v6+s8+$0x0], $0xffff  }
0x3b3: {  	v2 =	vadd.f32 v3, v2;
	v3 =	vmul.f32 v5, v11;
	v5 =	vld.idx.msk [tilespmem:v6+s9+$0x0], $0xffff;
	v6 =	vor.u32 $0x15, v1  }
0x3b4: {  	v11 =	vld.idx.msk [tilespmem:v8+s8+$0x0], $0xffff  }
0x3b5: {  	v2 =	vadd.f32 v3, v2;
	v3 =	vmul.f32 v7, v12;
	v7 =	vld.idx.msk [tilespmem:v8+s9+$0x0], $0xffff;
	v8 =	vor.u32 $0x16, v1  }
0x3b6: {  	v12 =	vld.idx.msk [tilespmem:v9+s8+$0x0], $0xffff  }
0x3b7: {  	v2 =	vadd.f32 v3, v2;
	v3 =	vmul.f32 v4, v13;
	v4 =	vld.idx.msk [tilespmem:v9+s9+$0x0], $0xffff;
	v9 =	vor.u32 $0x17, v1  }
0x3b8: {  	v13 =	vld.idx.msk [tilespmem:v6+s8+$0x0], $0xffff  }
0x3b9: {  	v2 =	vadd.f32 v3, v2;
	v3 =	vmul.f32 v5, v10;
	v5 =	vld.idx.msk [tilespmem:v6+s9+$0x0], $0xffff;
	v6 =	vor.u32 $0x18, v1  }
0x3ba: {  	v10 =	vld.idx.msk [tilespmem:v8+s8+$0x0], $0xffff  }
0x3bb: {  	v2 =	vadd.f32 v3, v2;
	v3 =	vmul.f32 v7, v11;
	v7 =	vld.idx.msk [tilespmem:v8+s9+$0x0], $0xffff;
	v8 =	vor.u32 $0x19, v1  }
0x3bc: {  	v11 =	vld.idx.msk [tilespmem:v9+s8+$0x0], $0xffff  }
0x3bd: {  	v2 =	vadd.f32 v3, v2;
	v3 =	vmul.f32 v4, v12;
	v4 =	vld.idx.msk [tilespmem:v9+s9+$0x0], $0xffff;
	v9 =	vor.u32 $0x1A, v1  }
0x3be: {  	v12 =	vld.idx.msk [tilespmem:v6+s8+$0x0], $0xffff  }
0x3bf: {  	v2 =	vadd.f32 v3, v2;
	v3 =	vmul.f32 v5, v13;
	v5 =	vld.idx.msk [tilespmem:v6+s9+$0x0], $0xffff;
	v6 =	vor.u32 $0x1B, v1  }
0x3c0: {  	v13 =	vld.idx.msk [tilespmem:v8+s8+$0x0], $0xffff  }
0x3c1: {  	v2 =	vadd.f32 v3, v2;
	v3 =	vmul.f32 v7, v10;
	v7 =	vld.idx.msk [tilespmem:v8+s9+$0x0], $0xffff;
	v8 =	vor.u32 $0x1C, v1  }
0x3c2: {  	v10 =	vld.idx.msk [tilespmem:v9+s8+$0x0], $0xffff  }
0x3c3: {  	v2 =	vadd.f32 v3, v2;
	v3 =	vmul.f32 v4, v11;
	v4 =	vld.idx.msk [tilespmem:v9+s9+$0x0], $0xffff;
	v9 =	vor.u32 $0x1D, v1  }
0x3c4: {  	v11 =	vld.idx.msk [tilespmem:v6+s8+$0x0], $0xffff  }
0x3c5: {  	v2 =	vadd.f32 v3, v2;
	v3 =	vmul.f32 v5, v12;
	v5 =	vld.idx.msk [tilespmem:v6+s9+$0x0], $0xffff;
	v6 =	vor.u32 $0x1E, v1  }
0x3c6: {  	v12 =	vld.idx.msk [tilespmem:v8+s8+$0x0], $0xffff  }
0x3c7: {  	v1 =	vor.u32 $0x1F, v1;
	v2 =	vadd.f32 v3, v2;
	v3 =	vmul.f32 v7, v13;
	v7 =	vld.idx.msk [tilespmem:v8+s9+$0x0], $0xffff  }
0x3c8: {  	v8 =	vld.idx.msk [tilespmem:v9+s8+$0x0], $0xffff  }
0x3c9: {  	v2 =	vadd.f32 v3, v2;
	v3 =	vmul.f32 v4, v10;
	v4 =	vld.idx.msk [tilespmem:v9+s9+$0x0], $0xffff  }
0x3ca: {  	v9 =	vld.idx.msk [tilespmem:v6+s8+$0x0], $0xffff  }
0x3cb: {  	v3 =	vadd.f32 v3, v2;
	v5 =	vmul.f32 v5, v11;
	v6 =	vld.idx.msk [tilespmem:v6+s9+$0x0], $0xffff  }
0x3cc: {  	v2 =	vld.idx.msk [tilespmem:v1+s8+$0x0], $0xffff  }
0x3cd: {  	v5 =	vadd.f32 v5, v3;
	v7 =	vmul.f32 v7, v12;
	v3 =	vld.idx.msk [tilespmem:v1+s9+$0x0], $0xffff  }
.Ltmp1:
0x3ce: {  	(pc) =	sbr.rel @p1 .LBB2_5-.Ltmp1, $3  }
0x3cf: {  	v1 =	vadd.f32 v7, v5;
	v4 =	vmul.f32 v4, v8;
	_ =	sdelay $0x1  }
0x3d0: {  	v7 =	vmov s6;
	v4 =	vadd.f32 v4, v1;
	v5 =	vmul.f32 v6, v9  }
0x3d1: {  	s6 =	sadd.s32 $0x10, s6;
	v1 =	vshll.u32 v7, $0x7  }
0x3d2: {  	v1 =	vor.u32 v0, v1;
	v4 =	vadd.f32 v5, v4;
	v2 =	vmul.f32 v3, v2  }
0x3d3: {  	s1 =	sand.u32 $0x80, s2  }
0x3d4: {  	s29 =	sand.u32 $0x70, s2;
	v3 =	vor.u32 $0x1, v1;
	s1 =	sadd.s32 s1, s5;
	v2 =	vadd.f32 v2, v4  }
0x3d5: {  	s1 =	sadd.s32 s29, s1  }
0x3d6: {  	v31 =	vor.u32 $0x2, v1;
	[tilespmem:s1+$0x0] =	vst v2  }
0x3d7: {  	v2 =	vld.idx.msk [tilespmem:v1+s9+$0x0], $0xffff  }
0x3d8: {  	v6 =	vor.u32 $0x3, v1;
	v32 =	vld.idx.msk [tilespmem:v1+s8+$0x0], $0xffff  }
0x3d9: {  	v7 =	vld.idx.msk [tilespmem:v3+s8+$0x0], $0xffff  }
0x3da: {  	v8 =	vor.u32 $0x4, v1;
	v3 =	vld.idx.msk [tilespmem:v3+s9+$0x0], $0xffff  }
0x3db: {  	v9 =	vld.idx.msk [tilespmem:v31+s8+$0x0], $0xffff  }
0x3dc: {  	v10 =	vor.u32 $0x5, v1;
	v4 =	vld.idx.msk [tilespmem:v31+s9+$0x0], $0xffff  }
0x3dd: {  	v11 =	vld.idx.msk [tilespmem:v6+s8+$0x0], $0xffff;
	v2 =	vmul.f32 v2, v32  }
0x3de: {  	v34 =	vor.u32 $0x6, v1;
	v33 =	vld.idx.msk [tilespmem:v6+s9+$0x0], $0xffff  }
0x3df: {  	v12 =	vld.idx.msk [tilespmem:v8+s8+$0x0], $0xffff;
	v3 =	vmul.f32 v3, v7;
	v2 =	vadd.f32 $0.0e+00, v2  }
0x3e0: {  	v36 =	vor.u32 $0x7, v1;
	v35 =	vld.idx.msk [tilespmem:v8+s9+$0x0], $0xffff  }
0x3e1: {  	v13 =	vld.idx.msk [tilespmem:v10+s8+$0x0], $0xffff;
	v2 =	vadd.f32 v3, v2;
	v3 =	vmul.f32 v4, v9  }
0x3e2: {  	v38 =	vor.u32 $0x8, v1;
	v37 =	vld.idx.msk [tilespmem:v10+s9+$0x0], $0xffff  }
0x3e3: {  	v39 =	vld.idx.msk [tilespmem:v34+s8+$0x0], $0xffff;
	v2 =	vadd.f32 v3, v2;
	v3 =	vmul.f32 v33, v11  }
0x3e4: {  	v41 =	vor.u32 $0x9, v1;
	v40 =	vld.idx.msk [tilespmem:v34+s9+$0x0], $0xffff  }
0x3e5: {  	v42 =	vld.idx.msk [tilespmem:v36+s8+$0x0], $0xffff;
	v2 =	vadd.f32 v3, v2;
	v3 =	vmul.f32 v35, v12  }
0x3e6: {  	v44 =	vor.u32 $0xA, v1;
	v43 =	vld.idx.msk [tilespmem:v36+s9+$0x0], $0xffff  }
0x3e7: {  	v45 =	vld.idx.msk [tilespmem:v38+s8+$0x0], $0xffff;
	v2 =	vadd.f32 v3, v2;
	v3 =	vmul.f32 v37, v13  }
0x3e8: {  	v47 =	vor.u32 $0xB, v1;
	v46 =	vld.idx.msk [tilespmem:v38+s9+$0x0], $0xffff  }
0x3e9: {  	v48 =	vld.idx.msk [tilespmem:v41+s8+$0x0], $0xffff;
	v2 =	vadd.f32 v3, v2;
	v3 =	vmul.f32 v40, v39  }
0x3ea: {  	v50 =	vor.u32 $0xC, v1;
	v49 =	vld.idx.msk [tilespmem:v41+s9+$0x0], $0xffff  }
0x3eb: {  	v51 =	vld.idx.msk [tilespmem:v44+s8+$0x0], $0xffff;
	v2 =	vadd.f32 v3, v2;
	v3 =	vmul.f32 v43, v42  }
0x3ec: {  	v53 =	vor.u32 $0xD, v1;
	v52 =	vld.idx.msk [tilespmem:v44+s9+$0x0], $0xffff  }
0x3ed: {  	v54 =	vld.idx.msk [tilespmem:v47+s8+$0x0], $0xffff;
	v2 =	vadd.f32 v3, v2;
	v3 =	vmul.f32 v46, v45  }
0x3ee: {  	v56 =	vor.u32 $0xE, v1;
	v55 =	vld.idx.msk [tilespmem:v47+s9+$0x0], $0xffff  }
0x3ef: {  	v57 =	vld.idx.msk [tilespmem:v50+s8+$0x0], $0xffff;
	v2 =	vadd.f32 v3, v2;
	v3 =	vmul.f32 v49, v48  }
0x3f0: {  	v59 =	vor.u32 $0xF, v1;
	v58 =	vld.idx.msk [tilespmem:v50+s9+$0x0], $0xffff  }
0x3f1: {  	v60 =	vld.idx.msk [tilespmem:v53+s8+$0x0], $0xffff;
	v2 =	vadd.f32 v3, v2;
	v3 =	vmul.f32 v52, v51  }
0x3f2: {  	v62 =	vor.u32 $0x10, v1;
	v61 =	vld.idx.msk [tilespmem:v53+s9+$0x0], $0xffff  }
0x3f3: {  	v63 =	vld.idx.msk [tilespmem:v56+s8+$0x0], $0xffff;
	v2 =	vadd.f32 v3, v2;
	v3 =	vmul.f32 v55, v54  }
0x3f4: {  	v17 =	vor.u32 $0x11, v1;
	v16 =	vld.idx.msk [tilespmem:v56+s9+$0x0], $0xffff  }
0x3f5: {  	v18 =	vld.idx.msk [tilespmem:v59+s8+$0x0], $0xffff;
	v2 =	vadd.f32 v3, v2;
	v3 =	vmul.f32 v58, v57  }
0x3f6: {  	v20 =	vor.u32 $0x12, v1;
	v19 =	vld.idx.msk [tilespmem:v59+s9+$0x0], $0xffff  }
0x3f7: {  	v21 =	vld.idx.msk [tilespmem:v62+s8+$0x0], $0xffff;
	v2 =	vadd.f32 v3, v2;
	v3 =	vmul.f32 v61, v60  }
0x3f8: {  	v23 =	vor.u32 $0x13, v1;
	v22 =	vld.idx.msk [tilespmem:v62+s9+$0x0], $0xffff  }
0x3f9: {  	v24 =	vld.idx.msk [tilespmem:v17+s8+$0x0], $0xffff;
	v2 =	vadd.f32 v3, v2;
	v3 =	vmul.f32 v16, v63  }
0x3fa: {  	v26 =	vor.u32 $0x14, v1;
	v25 =	vld.idx.msk [tilespmem:v17+s9+$0x0], $0xffff  }
0x3fb: {  	v27 =	vld.idx.msk [tilespmem:v20+s8+$0x0], $0xffff;
	v2 =	vadd.f32 v3, v2;
	v3 =	vmul.f32 v19, v18  }
0x3fc: {  	v29 =	vor.u32 $0x15, v1;
	v28 =	vld.idx.msk [tilespmem:v20+s9+$0x0], $0xffff  }
0x3fd: {  	v30 =	vld.idx.msk [tilespmem:v23+s8+$0x0], $0xffff;
	v2 =	vadd.f32 v3, v2;
	v3 =	vmul.f32 v22, v21  }
0x3fe: {  	v31 =	vld.idx.msk [tilespmem:v23+s9+$0x0], $0xffff;
	v32 =	vor.u32 $0x16, v1  }
0x3ff: {  	v34 =	vld.idx.msk [tilespmem:v26+s9+$0x0], $0xffff;
	v2 =	vadd.f32 v3, v2;
	v3 =	vmul.f32 v25, v24  }
0x400: {  	v33 =	vld.idx.msk [tilespmem:v26+s8+$0x0], $0xffff;
	v35 =	vor.u32 $0x17, v1  }
0x401: {  	v36 =	vld.idx.msk [tilespmem:v29+s8+$0x0], $0xffff;
	v2 =	vadd.f32 v3, v2;
	v3 =	vmul.f32 v28, v27  }
0x402: {  	v38 =	vor.u32 $0x18, v1;
	v37 =	vld.idx.msk [tilespmem:v29+s9+$0x0], $0xffff  }
0x403: {  	v39 =	vld.idx.msk [tilespmem:v32+s8+$0x0], $0xffff;
	v2 =	vadd.f32 v3, v2;
	v3 =	vmul.f32 v31, v30  }
0x404: {  	v41 =	vor.u32 $0x19, v1;
	v40 =	vld.idx.msk [tilespmem:v32+s9+$0x0], $0xffff  }
0x405: {  	v42 =	vld.idx.msk [tilespmem:v35+s8+$0x0], $0xffff;
	v2 =	vadd.f32 v3, v2;
	v3 =	vmul.f32 v34, v33  }
0x406: {  	v44 =	vor.u32 $0x1A, v1;
	v43 =	vld.idx.msk [tilespmem:v35+s9+$0x0], $0xffff  }
0x407: {  	v45 =	vld.idx.msk [tilespmem:v38+s8+$0x0], $0xffff;
	v2 =	vadd.f32 v3, v2;
	v3 =	vmul.f32 v37, v36  }
0x408: {  	v47 =	vor.u32 $0x1B, v1;
	v46 =	vld.idx.msk [tilespmem:v38+s9+$0x0], $0xffff  }
0x409: {  	v48 =	vld.idx.msk [tilespmem:v41+s8+$0x0], $0xffff;
	v2 =	vadd.f32 v3, v2;
	v3 =	vmul.f32 v40, v39  }
0x40a: {  	v50 =	vor.u32 $0x1C, v1;
	v49 =	vld.idx.msk [tilespmem:v41+s9+$0x0], $0xffff  }
0x40b: {  	v51 =	vld.idx.msk [tilespmem:v44+s8+$0x0], $0xffff;
	v2 =	vadd.f32 v3, v2;
	v3 =	vmul.f32 v43, v42  }
0x40c: {  	v53 =	vor.u32 $0x1D, v1;
	v52 =	vld.idx.msk [tilespmem:v44+s9+$0x0], $0xffff  }
0x40d: {  	v54 =	vld.idx.msk [tilespmem:v47+s8+$0x0], $0xffff;
	v2 =	vadd.f32 v3, v2;
	v3 =	vmul.f32 v46, v45  }
0x40e: {  	v56 =	vor.u32 $0x1E, v1;
	v55 =	vld.idx.msk [tilespmem:v47+s9+$0x0], $0xffff  }
0x40f: {  	v57 =	vld.idx.msk [tilespmem:v50+s8+$0x0], $0xffff;
	v2 =	vadd.f32 v3, v2;
	v3 =	vmul.f32 v49, v48  }
0x410: {  	v1 =	vor.u32 $0x1F, v1;
	v58 =	vld.idx.msk [tilespmem:v50+s9+$0x0], $0xffff  }
0x411: {  	v59 =	vld.idx.msk [tilespmem:v53+s8+$0x0], $0xffff;
	v2 =	vadd.f32 v3, v2;
	v3 =	vmul.f32 v52, v51  }
0x412: {  	v60 =	vld.idx.msk [tilespmem:v53+s9+$0x0], $0xffff  }
0x413: {  	v62 =	vld.idx.msk [tilespmem:v56+s9+$0x0], $0xffff;
	v2 =	vadd.f32 v3, v2;
	v3 =	vmul.f32 v55, v54  }
0x414: {  	v61 =	vld.idx.msk [tilespmem:v56+s8+$0x0], $0xffff  }
0x415: {  	v63 =	vld.idx.msk [tilespmem:v1+s8+$0x0], $0xffff;
	v2 =	vadd.f32 v3, v2;
	v3 =	vmul.f32 v58, v57  }
0x416: {  	v1 =	vld.idx.msk [tilespmem:v1+s9+$0x0], $0xffff  }
0x417: {  	v2 =	vadd.f32 v3, v2;
	v3 =	vmul.f32 v60, v59;
	_ =	sdelay $0x1  }
0x418: {  	v2 =	vadd.f32 v3, v2;
	v3 =	vmul.f32 v62, v61;
	_ =	sdelay $0x1  }
.Ltmp2:
0x419: {  	v1 =	vmul.f32 v1, v63;
	v2 =	vadd.f32 v3, v2;
	(pc) =	sbr.rel @p0 .LBB2_2-.Ltmp2, $4  }
0x41a: {  	s30 =	sand.u32 $0x80, s0  }
0x41b: {  	s31 =	sand.u32 $0x70, s0;
	s1 =	sadd.s32 s30, s5;
	v1 =	vadd.f32 v1, v2  }
0x41c: {  	s0 =	sadd.s32 s31, s1  }
0x41d: {  	p1 =	por $0x0, $0x0;
	[tilespmem:s0+$0x0] =	vst v1;
	s0 =	simm.s32 $0x100  }
0x41e: {  	s0 =	sld [smem:$0x7FC];
	_ =	sdelay $0x1  }
0x41f: {  	s1 =	simm.s32 $0x10400  }
0x420: {  	[hbm4b:s0+s14] =	stream.linear.scatter [tilespmem:s1], [sflag:$0x3], $0x200, $0x38;
	[tilespmem:$0x10600] =	vst v63  }
0x421: {  	s1 =	simm.s32 $0x3  }
0x422: {  	_ =	swait.ge [sflag:s1], $0x200  }
0x423: {  	s2 =	sld [smem:$0x7F9]  }
0x424: {  	s31 =	sld [smem:$0x7FD];
	_ =	sdelay $0x1  }
0x425: {  	s2 =	sadd.s32 $0x1, s2  }
0x426: {  	p0 =	sne.s32 s2, s31  }
.Ltmp3:
0x427: {  	_ = 	snop;
	(pc) =	sbr.rel @p0 .LBB2_1-.Ltmp3, $3  }
0x428: {  	_ =	sdelay $0x1  }
0x429: {  	[sflag:s1] =	ssyncset.done $0x0  }
0x42a: {  	[sflag:s1] =	ssyncadd.s32 $0xFFFFFE00  }
0x42b: {  	_ =	sfence.sel $0x180000  }
0x42c: {  	[bflag:$0x0] =	sbarrier.arrive $0xFFFF  }
0x42d: {  	_ =	strace $0x90000047  }
0x42e: {  	s0 =	stileid.u32;
	[bflag:$0x2] =	sbarrier.arrive $0xFFFF  }
0x42f: {  	p0 =	sne.s32 s0, $0x0;
	s0 =	rddreg [dreg:$0x4]  }
0x430: {  	s0 =	sadd.s32 @!p0 $0x100000, s0  }
0x431: {  	[sflag:s0] =	ssyncadd.tile.s32 @!p0 $0x1;
	_ =	shalt  }
.Lfunc_end2:
_tile_overlayer_lowered:
.L_overlay_start_2:
0x432: {  	(tag) =	ssettag $0x2  }
0x433: {  	s0 =	rddreg [dreg:$0x0];
	s2 =	stileid.u32  }
0x434: {  	s1 =	rddreg [dreg:$0x1];
	p0 =	sne.s32 s2, $0x0  }
0x435: {  	s3 =	rddreg [dreg:$0x2];
	[bflag:$0x3] =	sbarrier.arrive $0xFFFF;
	s2 =	simm.s32 @!p0 $0x1C03  }
0x436: {  	[timem:s3], [sflag:s2] =	dma.local @!p0 [hbm:s0], s1  }
0x437: {  	s0 =	simm.s32 @!p0 $0x3  }
0x438: {  	_ =	swait.ge @!p0 [sflag:s0], s1  }
0x439: {  	s1 =	ssub.s32 @!p0 $0x0, s1;
	[sflag:s0] =	ssyncset.done @!p0 $0x0  }
0x43a: {  	[sflag:s0] =	ssyncadd.s32 @!p0 s1  }
0x43b: {  	[bflag:$0x3] =	sbarrier.arrive $0xFFFF  }
0x43c: {  	_ =	shalt  }

</sc_bundles>
